<compile_context>
chip_gen: v7x
topology: tpu7x:2x2x1
jax: 0.10.2.dev20260603
libtpu: 0.0.44.dev20260713+nightly
codegen_flags: <defaults>
</compile_context>

<pallas_src>
import functools

import jax
import jax.numpy as jnp
from jax import lax
from jax.experimental import pallas as pl
from jax.experimental.pallas import tpu as pltpu
from jax.experimental.pallas import tpu_sc as plsc

R = 128
N = 8192
L = 16
NC = 2
NS = 16
NW = NC * NS
RPW = R // NW
HALVES = 2
SEG = RPW * HALVES
N2 = N // HALVES
U = 8
T2 = N2 // (L * U)

_mesh = plsc.VectorSubcoreMesh(core_axis_name="c", subcore_axis_name="s")


@functools.partial(
    pl.kernel,
    out_type=jax.ShapeDtypeStruct((R, L), jnp.int32),
    mesh=_mesh,
    compiler_params=pltpu.CompilerParams(
        needs_layout_passes=False,
        disable_bounds_checks=True,
        disable_semaphore_checks=True,
    ),
    scratch_types=[
        pltpu.VMEM((SEG, N2), jnp.float32),
        pltpu.VMEM((RPW, L), jnp.int32),
    ]
    + [pltpu.SemaphoreType.DMA] * SEG,
)
def _argmin_sc(x_hbm, out_hbm, buf, res_v, *sems):
    cid = lax.axis_index("c")
    sid = lax.axis_index("s")
    base = (cid * NS + sid) * RPW
    iota = lax.iota(jnp.int32, L)

    copies = [
        pltpu.async_copy(
            x_hbm.at[base + i // HALVES, pl.ds((i % HALVES) * N2, N2)],
            buf.at[i],
            sems[i],
        )
        for i in range(SEG)
    ]

    for r in range(RPW):
        inf = jnp.full((L,), jnp.inf, jnp.float32)
        zero = jnp.zeros((L,), jnp.int32)
        carry = (inf,) * U + (zero,) * U

        for h in range(HALVES):
            seg = r * HALVES + h
            copies[seg].wait()

            def body(t, c, _seg=seg, _h=h):
                mvs = list(c[:U])
                tvs = list(c[U:])
                tvec = jnp.full((L,), t + _h * T2, jnp.int32)
                for j in range(U):
                    chunk = buf[_seg, pl.ds((t * U + j) * L, L)]
                    pred = chunk < mvs[j]
                    mvs[j] = jnp.where(pred, chunk, mvs[j])
                    tvs[j] = jnp.where(pred, tvec, tvs[j])
                return tuple(mvs) + tuple(tvs)

            carry = plsc.parallel_loop(0, T2, carry=carry, unroll=2)(body)

        mvs = list(carry[:U])
        tvs = list(carry[U:])
        cols = [(tvs[j] * U + j) * L + iota for j in range(U)]

        step = 1
        while step < U:
            for j in range(0, U, 2 * step):
                a, b = j, j + step
                take_b = (mvs[b] < mvs[a]) | (
                    (mvs[b] == mvs[a]) & (cols[b] < cols[a])
                )
                mvs[a] = jnp.where(take_b, mvs[b], mvs[a])
                cols[a] = jnp.where(take_b, cols[b], cols[a])
            step *= 2

        m = jnp.min(mvs[0])
        cand = jnp.where(mvs[0] == m, cols[0], jnp.int32(2**31 - 1))
        res = jnp.min(cand)
        res_v[r] = jnp.full((L,), res, jnp.int32)

    off = pl.multiple_of(base, RPW)
    pltpu.sync_copy(res_v, out_hbm.at[pl.ds(off, RPW)])


def kernel(x):
    return _argmin_sc(x)[:, 0]

# --- scband reference (transcript-rebuilt; emitter-appended) ---
"""Pipeline reference for scband-selection-layer-30253749633426 (READ-ONLY COPY).

The authoritative reference and input builder live on the scoring server;
editing this copy changes nothing except your own understanding.
"""

import jax, jax.numpy as jnp
import numpy as np


def setup_inputs(seed: int = 0) -> dict:
    key = jax.random.key(seed)
    x = jax.random.normal(key, (128, 8192), dtype=jnp.float32)
    return {"x": x}


def reference(x):
    # SelectionLayer.forward: argmin over dim=1 -> int index per row
    return jnp.argmin(x, axis=1)

if __name__ == "__main__":
    import jax
    _d = setup_inputs()
    print(jax.jit(kernel)(*tuple(_d.values())))

</pallas_src>

<mosaic_0001>
#map = affine_map<(d0, d1) -> (0, 0)>
module attributes {stable_mosaic.version = 14 : i64} {
  func.func @_argmin_sc(%arg0: i32, %arg1: i32, %arg2: memref<128x8192xf32, #tpu.memory_space<hbm>>, %arg3: memref<128x16xi32, #tpu.memory_space<hbm>>, %arg4: memref<8x4096xf32, #tpu.memory_space<vmem>>, %arg5: memref<4x16xi32, #tpu.memory_space<vmem>>, %arg6: memref<!tpu.dma_semaphore, #tpu.memory_space<semaphore_mem>>, %arg7: memref<!tpu.dma_semaphore, #tpu.memory_space<semaphore_mem>>, %arg8: memref<!tpu.dma_semaphore, #tpu.memory_space<semaphore_mem>>, %arg9: memref<!tpu.dma_semaphore, #tpu.memory_space<semaphore_mem>>, %arg10: memref<!tpu.dma_semaphore, #tpu.memory_space<semaphore_mem>>, %arg11: memref<!tpu.dma_semaphore, #tpu.memory_space<semaphore_mem>>, %arg12: memref<!tpu.dma_semaphore, #tpu.memory_space<semaphore_mem>>, %arg13: memref<!tpu.dma_semaphore, #tpu.memory_space<semaphore_mem>>) attributes {dimension_semantics = [#tpu.dimension_semantics<core_parallel>, #tpu.dimension_semantics<subcore_parallel>], iteration_bounds = array<i64: 2, 16>, scalar_prefetch = 0 : i64, scratch_operands = 10 : i64, tpu.core_type = #tpu.core_type<sc_vector_subcore>, window_params = [{transform_indices = #map}, {transform_indices = #map}]} {
    %mul3A = arith.constant 16 : i32
    %mul3A_0 = arith.muli %arg0, %mul3A : i32
    %add3A = arith.addi %mul3A_0, %arg1 : i32
    %mul3A_1 = arith.constant 4 : i32
    %mul3A_2 = arith.muli %add3A, %mul3A_1 : i32
    %iota3A = tpu.iota {dimensions = array<i32: 0>} : vector<16xi32>
    %add3A_3 = arith.constant 0 : i32
    %add3A_4 = arith.addi %mul3A_2, %add3A_3 : i32
    %dma_start3A = arith.constant 0 : i32
    %dma_start3A_5 = arith.constant 0 : i32
    %dma_start3A_6 = tpu.memref_slice %arg4[%dma_start3A, %dma_start3A_5] : memref<8x4096xf32, #tpu.memory_space<vmem>> -> memref<1x4096xf32, #tpu.memory_space<vmem>>
    %dma_start3A_7 = tpu.memref_squeeze %dma_start3A_6 : memref<1x4096xf32, #tpu.memory_space<vmem>> -> memref<4096xf32, #tpu.memory_space<vmem>>
    %dma_start3A_8 = arith.constant 0 : i32
    %dma_start3A_9 = tpu.memref_slice %arg2[%add3A_4, %dma_start3A_8] : memref<128x8192xf32, #tpu.memory_space<hbm>> -> memref<1x4096xf32, #tpu.memory_space<hbm>>
    %dma_start3A_10 = tpu.memref_squeeze %dma_start3A_9 : memref<1x4096xf32, #tpu.memory_space<hbm>> -> memref<4096xf32, #tpu.memory_space<hbm>>
    %dma_start3A_11 = arith.constant 0 : i32
    %dma_start3A_12 = tpu.memref_slice %arg4[%dma_start3A, %dma_start3A_11] : memref<8x4096xf32, #tpu.memory_space<vmem>> -> memref<1x4096xf32, #tpu.memory_space<vmem>>
    %dma_start3A_13 = tpu.memref_squeeze %dma_start3A_12 : memref<1x4096xf32, #tpu.memory_space<vmem>> -> memref<4096xf32, #tpu.memory_space<vmem>>
    %dma_start3A_14 = arith.constant 0 : i32
    %dma_start3A_15 = tpu.memref_slice %arg2[%add3A_4, %dma_start3A_14] : memref<128x8192xf32, #tpu.memory_space<hbm>> -> memref<1x4096xf32, #tpu.memory_space<hbm>>
    %dma_start3A_16 = tpu.memref_squeeze %dma_start3A_15 : memref<1x4096xf32, #tpu.memory_space<hbm>> -> memref<4096xf32, #tpu.memory_space<hbm>>
    tpu.enqueue_dma source(%dma_start3A_16 : memref<4096xf32, #tpu.memory_space<hbm>>) target(%dma_start3A_13 : memref<4096xf32, #tpu.memory_space<vmem>>) target_semaphore(%arg6 : memref<!tpu.dma_semaphore, #tpu.memory_space<semaphore_mem>>)
    %add3A_17 = arith.constant 0 : i32
    %add3A_18 = arith.addi %mul3A_2, %add3A_17 : i32
    %dma_start3A_19 = arith.constant 1 : i32
    %dma_start3A_20 = arith.constant 0 : i32
    %dma_start3A_21 = tpu.memref_slice %arg4[%dma_start3A_19, %dma_start3A_20] : memref<8x4096xf32, #tpu.memory_space<vmem>> -> memref<1x4096xf32, #tpu.memory_space<vmem>>
    %dma_start3A_22 = tpu.memref_squeeze %dma_start3A_21 : memref<1x4096xf32, #tpu.memory_space<vmem>> -> memref<4096xf32, #tpu.memory_space<vmem>>
    %dma_start3A_23 = arith.constant 4096 : i32
    %dma_start3A_24 = tpu.memref_slice %arg2[%add3A_18, %dma_start3A_23] : memref<128x8192xf32, #tpu.memory_space<hbm>> -> memref<1x4096xf32, #tpu.memory_space<hbm>>
    %dma_start3A_25 = tpu.memref_squeeze %dma_start3A_24 : memref<1x4096xf32, #tpu.memory_space<hbm>> -> memref<4096xf32, #tpu.memory_space<hbm>>
    %dma_start3A_26 = arith.constant 0 : i32
    %dma_start3A_27 = tpu.memref_slice %arg4[%dma_start3A_19, %dma_start3A_26] : memref<8x4096xf32, #tpu.memory_space<vmem>> -> memref<1x4096xf32, #tpu.memory_space<vmem>>
    %dma_start3A_28 = tpu.memref_squeeze %dma_start3A_27 : memref<1x4096xf32, #tpu.memory_space<vmem>> -> memref<4096xf32, #tpu.memory_space<vmem>>
    %dma_start3A_29 = arith.constant 4096 : i32
    %dma_start3A_30 = tpu.memref_slice %arg2[%add3A_18, %dma_start3A_29] : memref<128x8192xf32, #tpu.memory_space<hbm>> -> memref<1x4096xf32, #tpu.memory_space<hbm>>
    %dma_start3A_31 = tpu.memref_squeeze %dma_start3A_30 : memref<1x4096xf32, #tpu.memory_space<hbm>> -> memref<4096xf32, #tpu.memory_space<hbm>>
    tpu.enqueue_dma source(%dma_start3A_31 : memref<4096xf32, #tpu.memory_space<hbm>>) target(%dma_start3A_28 : memref<4096xf32, #tpu.memory_space<vmem>>) target_semaphore(%arg7 : memref<!tpu.dma_semaphore, #tpu.memory_space<semaphore_mem>>)
    %add3A_32 = arith.constant 1 : i32
    %add3A_33 = arith.addi %mul3A_2, %add3A_32 : i32
    %dma_start3A_34 = arith.constant 2 : i32
    %dma_start3A_35 = arith.constant 0 : i32
    %dma_start3A_36 = tpu.memref_slice %arg4[%dma_start3A_34, %dma_start3A_35] : memref<8x4096xf32, #tpu.memory_space<vmem>> -> memref<1x4096xf32, #tpu.memory_space<vmem>>
    %dma_start3A_37 = tpu.memref_squeeze %dma_start3A_36 : memref<1x4096xf32, #tpu.memory_space<vmem>> -> memref<4096xf32, #tpu.memory_space<vmem>>
    %dma_start3A_38 = arith.constant 0 : i32
    %dma_start3A_39 = tpu.memref_slice %arg2[%add3A_33, %dma_start3A_38] : memref<128x8192xf32, #tpu.memory_space<hbm>> -> memref<1x4096xf32, #tpu.memory_space<hbm>>
    %dma_start3A_40 = tpu.memref_squeeze %dma_start3A_39 : memref<1x4096xf32, #tpu.memory_space<hbm>> -> memref<4096xf32, #tpu.memory_space<hbm>>
    %dma_start3A_41 = arith.constant 0 : i32
    %dma_start3A_42 = tpu.memref_slice %arg4[%dma_start3A_34, %dma_start3A_41] : memref<8x4096xf32, #tpu.memory_space<vmem>> -> memref<1x4096xf32, #tpu.memory_space<vmem>>
    %dma_start3A_43 = tpu.memref_squeeze %dma_start3A_42 : memref<1x4096xf32, #tpu.memory_space<vmem>> -> memref<4096xf32, #tpu.memory_space<vmem>>
    %dma_start3A_44 = arith.constant 0 : i32
    %dma_start3A_45 = tpu.memref_slice %arg2[%add3A_33, %dma_start3A_44] : memref<128x8192xf32, #tpu.memory_space<hbm>> -> memref<1x4096xf32, #tpu.memory_space<hbm>>
    %dma_start3A_46 = tpu.memref_squeeze %dma_start3A_45 : memref<1x4096xf32, #tpu.memory_space<hbm>> -> memref<4096xf32, #tpu.memory_space<hbm>>
    tpu.enqueue_dma source(%dma_start3A_46 : memref<4096xf32, #tpu.memory_space<hbm>>) target(%dma_start3A_43 : memref<4096xf32, #tpu.memory_space<vmem>>) target_semaphore(%arg8 : memref<!tpu.dma_semaphore, #tpu.memory_space<semaphore_mem>>)
    %add3A_47 = arith.constant 1 : i32
    %add3A_48 = arith.addi %mul3A_2, %add3A_47 : i32
    %dma_start3A_49 = arith.constant 3 : i32
    %dma_start3A_50 = arith.constant 0 : i32
    %dma_start3A_51 = tpu.memref_slice %arg4[%dma_start3A_49, %dma_start3A_50] : memref<8x4096xf32, #tpu.memory_space<vmem>> -> memref<1x4096xf32, #tpu.memory_space<vmem>>
    %dma_start3A_52 = tpu.memref_squeeze %dma_start3A_51 : memref<1x4096xf32, #tpu.memory_space<vmem>> -> memref<4096xf32, #tpu.memory_space<vmem>>
    %dma_start3A_53 = arith.constant 4096 : i32
    %dma_start3A_54 = tpu.memref_slice %arg2[%add3A_48, %dma_start3A_53] : memref<128x8192xf32, #tpu.memory_space<hbm>> -> memref<1x4096xf32, #tpu.memory_space<hbm>>
    %dma_start3A_55 = tpu.memref_squeeze %dma_start3A_54 : memref<1x4096xf32, #tpu.memory_space<hbm>> -> memref<4096xf32, #tpu.memory_space<hbm>>
    %dma_start3A_56 = arith.constant 0 : i32
    %dma_start3A_57 = tpu.memref_slice %arg4[%dma_start3A_49, %dma_start3A_56] : memref<8x4096xf32, #tpu.memory_space<vmem>> -> memref<1x4096xf32, #tpu.memory_space<vmem>>
    %dma_start3A_58 = tpu.memref_squeeze %dma_start3A_57 : memref<1x4096xf32, #tpu.memory_space<vmem>> -> memref<4096xf32, #tpu.memory_space<vmem>>
    %dma_start3A_59 = arith.constant 4096 : i32
    %dma_start3A_60 = tpu.memref_slice %arg2[%add3A_48, %dma_start3A_59] : memref<128x8192xf32, #tpu.memory_space<hbm>> -> memref<1x4096xf32, #tpu.memory_space<hbm>>
    %dma_start3A_61 = tpu.memref_squeeze %dma_start3A_60 : memref<1x4096xf32, #tpu.memory_space<hbm>> -> memref<4096xf32, #tpu.memory_space<hbm>>
    tpu.enqueue_dma source(%dma_start3A_61 : memref<4096xf32, #tpu.memory_space<hbm>>) target(%dma_start3A_58 : memref<4096xf32, #tpu.memory_space<vmem>>) target_semaphore(%arg9 : memref<!tpu.dma_semaphore, #tpu.memory_space<semaphore_mem>>)
    %add3A_62 = arith.constant 2 : i32
    %add3A_63 = arith.addi %mul3A_2, %add3A_62 : i32
    %dma_start3A_64 = arith.constant 4 : i32
    %dma_start3A_65 = arith.constant 0 : i32
    %dma_start3A_66 = tpu.memref_slice %arg4[%dma_start3A_64, %dma_start3A_65] : memref<8x4096xf32, #tpu.memory_space<vmem>> -> memref<1x4096xf32, #tpu.memory_space<vmem>>
    %dma_start3A_67 = tpu.memref_squeeze %dma_start3A_66 : memref<1x4096xf32, #tpu.memory_space<vmem>> -> memref<4096xf32, #tpu.memory_space<vmem>>
    %dma_start3A_68 = arith.constant 0 : i32
    %dma_start3A_69 = tpu.memref_slice %arg2[%add3A_63, %dma_start3A_68] : memref<128x8192xf32, #tpu.memory_space<hbm>> -> memref<1x4096xf32, #tpu.memory_space<hbm>>
    %dma_start3A_70 = tpu.memref_squeeze %dma_start3A_69 : memref<1x4096xf32, #tpu.memory_space<hbm>> -> memref<4096xf32, #tpu.memory_space<hbm>>
    %dma_start3A_71 = arith.constant 0 : i32
    %dma_start3A_72 = tpu.memref_slice %arg4[%dma_start3A_64, %dma_start3A_71] : memref<8x4096xf32, #tpu.memory_space<vmem>> -> memref<1x4096xf32, #tpu.memory_space<vmem>>
    %dma_start3A_73 = tpu.memref_squeeze %dma_start3A_72 : memref<1x4096xf32, #tpu.memory_space<vmem>> -> memref<4096xf32, #tpu.memory_space<vmem>>
    %dma_start3A_74 = arith.constant 0 : i32
    %dma_start3A_75 = tpu.memref_slice %arg2[%add3A_63, %dma_start3A_74] : memref<128x8192xf32, #tpu.memory_space<hbm>> -> memref<1x4096xf32, #tpu.memory_space<hbm>>
    %dma_start3A_76 = tpu.memref_squeeze %dma_start3A_75 : memref<1x4096xf32, #tpu.memory_space<hbm>> -> memref<4096xf32, #tpu.memory_space<hbm>>
    tpu.enqueue_dma source(%dma_start3A_76 : memref<4096xf32, #tpu.memory_space<hbm>>) target(%dma_start3A_73 : memref<4096xf32, #tpu.memory_space<vmem>>) target_semaphore(%arg10 : memref<!tpu.dma_semaphore, #tpu.memory_space<semaphore_mem>>)
    %add3A_77 = arith.constant 2 : i32
    %add3A_78 = arith.addi %mul3A_2, %add3A_77 : i32
    %dma_start3A_79 = arith.constant 5 : i32
    %dma_start3A_80 = arith.constant 0 : i32
    %dma_start3A_81 = tpu.memref_slice %arg4[%dma_start3A_79, %dma_start3A_80] : memref<8x4096xf32, #tpu.memory_space<vmem>> -> memref<1x4096xf32, #tpu.memory_space<vmem>>
    %dma_start3A_82 = tpu.memref_squeeze %dma_start3A_81 : memref<1x4096xf32, #tpu.memory_space<vmem>> -> memref<4096xf32, #tpu.memory_space<vmem>>
    %dma_start3A_83 = arith.constant 4096 : i32
    %dma_start3A_84 = tpu.memref_slice %arg2[%add3A_78, %dma_start3A_83] : memref<128x8192xf32, #tpu.memory_space<hbm>> -> memref<1x4096xf32, #tpu.memory_space<hbm>>
    %dma_start3A_85 = tpu.memref_squeeze %dma_start3A_84 : memref<1x4096xf32, #tpu.memory_space<hbm>> -> memref<4096xf32, #tpu.memory_space<hbm>>
    %dma_start3A_86 = arith.constant 0 : i32
    %dma_start3A_87 = tpu.memref_slice %arg4[%dma_start3A_79, %dma_start3A_86] : memref<8x4096xf32, #tpu.memory_space<vmem>> -> memref<1x4096xf32, #tpu.memory_space<vmem>>
    %dma_start3A_88 = tpu.memref_squeeze %dma_start3A_87 : memref<1x4096xf32, #tpu.memory_space<vmem>> -> memref<4096xf32, #tpu.memory_space<vmem>>
    %dma_start3A_89 = arith.constant 4096 : i32
    %dma_start3A_90 = tpu.memref_slice %arg2[%add3A_78, %dma_start3A_89] : memref<128x8192xf32, #tpu.memory_space<hbm>> -> memref<1x4096xf32, #tpu.memory_space<hbm>>
    %dma_start3A_91 = tpu.memref_squeeze %dma_start3A_90 : memref<1x4096xf32, #tpu.memory_space<hbm>> -> memref<4096xf32, #tpu.memory_space<hbm>>
    tpu.enqueue_dma source(%dma_start3A_91 : memref<4096xf32, #tpu.memory_space<hbm>>) target(%dma_start3A_88 : memref<4096xf32, #tpu.memory_space<vmem>>) target_semaphore(%arg11 : memref<!tpu.dma_semaphore, #tpu.memory_space<semaphore_mem>>)
    %add3A_92 = arith.constant 3 : i32
    %add3A_93 = arith.addi %mul3A_2, %add3A_92 : i32
    %dma_start3A_94 = arith.constant 6 : i32
    %dma_start3A_95 = arith.constant 0 : i32
    %dma_start3A_96 = tpu.memref_slice %arg4[%dma_start3A_94, %dma_start3A_95] : memref<8x4096xf32, #tpu.memory_space<vmem>> -> memref<1x4096xf32, #tpu.memory_space<vmem>>
    %dma_start3A_97 = tpu.memref_squeeze %dma_start3A_96 : memref<1x4096xf32, #tpu.memory_space<vmem>> -> memref<4096xf32, #tpu.memory_space<vmem>>
    %dma_start3A_98 = arith.constant 0 : i32
    %dma_start3A_99 = tpu.memref_slice %arg2[%add3A_93, %dma_start3A_98] : memref<128x8192xf32, #tpu.memory_space<hbm>> -> memref<1x4096xf32, #tpu.memory_space<hbm>>
    %dma_start3A_100 = tpu.memref_squeeze %dma_start3A_99 : memref<1x4096xf32, #tpu.memory_space<hbm>> -> memref<4096xf32, #tpu.memory_space<hbm>>
    %dma_start3A_101 = arith.constant 0 : i32
    %dma_start3A_102 = tpu.memref_slice %arg4[%dma_start3A_94, %dma_start3A_101] : memref<8x4096xf32, #tpu.memory_space<vmem>> -> memref<1x4096xf32, #tpu.memory_space<vmem>>
    %dma_start3A_103 = tpu.memref_squeeze %dma_start3A_102 : memref<1x4096xf32, #tpu.memory_space<vmem>> -> memref<4096xf32, #tpu.memory_space<vmem>>
    %dma_start3A_104 = arith.constant 0 : i32
    %dma_start3A_105 = tpu.memref_slice %arg2[%add3A_93, %dma_start3A_104] : memref<128x8192xf32, #tpu.memory_space<hbm>> -> memref<1x4096xf32, #tpu.memory_space<hbm>>
    %dma_start3A_106 = tpu.memref_squeeze %dma_start3A_105 : memref<1x4096xf32, #tpu.memory_space<hbm>> -> memref<4096xf32, #tpu.memory_space<hbm>>
    tpu.enqueue_dma source(%dma_start3A_106 : memref<4096xf32, #tpu.memory_space<hbm>>) target(%dma_start3A_103 : memref<4096xf32, #tpu.memory_space<vmem>>) target_semaphore(%arg12 : memref<!tpu.dma_semaphore, #tpu.memory_space<semaphore_mem>>)
    %add3A_107 = arith.constant 3 : i32
    %add3A_108 = arith.addi %mul3A_2, %add3A_107 : i32
    %dma_start3A_109 = arith.constant 7 : i32
    %dma_start3A_110 = arith.constant 0 : i32
    %dma_start3A_111 = tpu.memref_slice %arg4[%dma_start3A_109, %dma_start3A_110] : memref<8x4096xf32, #tpu.memory_space<vmem>> -> memref<1x4096xf32, #tpu.memory_space<vmem>>
    %dma_start3A_112 = tpu.memref_squeeze %dma_start3A_111 : memref<1x4096xf32, #tpu.memory_space<vmem>> -> memref<4096xf32, #tpu.memory_space<vmem>>
    %dma_start3A_113 = arith.constant 4096 : i32
    %dma_start3A_114 = tpu.memref_slice %arg2[%add3A_108, %dma_start3A_113] : memref<128x8192xf32, #tpu.memory_space<hbm>> -> memref<1x4096xf32, #tpu.memory_space<hbm>>
    %dma_start3A_115 = tpu.memref_squeeze %dma_start3A_114 : memref<1x4096xf32, #tpu.memory_space<hbm>> -> memref<4096xf32, #tpu.memory_space<hbm>>
    %dma_start3A_116 = arith.constant 0 : i32
    %dma_start3A_117 = tpu.memref_slice %arg4[%dma_start3A_109, %dma_start3A_116] : memref<8x4096xf32, #tpu.memory_space<vmem>> -> memref<1x4096xf32, #tpu.memory_space<vmem>>
    %dma_start3A_118 = tpu.memref_squeeze %dma_start3A_117 : memref<1x4096xf32, #tpu.memory_space<vmem>> -> memref<4096xf32, #tpu.memory_space<vmem>>
    %dma_start3A_119 = arith.constant 4096 : i32
    %dma_start3A_120 = tpu.memref_slice %arg2[%add3A_108, %dma_start3A_119] : memref<128x8192xf32, #tpu.memory_space<hbm>> -> memref<1x4096xf32, #tpu.memory_space<hbm>>
    %dma_start3A_121 = tpu.memref_squeeze %dma_start3A_120 : memref<1x4096xf32, #tpu.memory_space<hbm>> -> memref<4096xf32, #tpu.memory_space<hbm>>
    tpu.enqueue_dma source(%dma_start3A_121 : memref<4096xf32, #tpu.memory_space<hbm>>) target(%dma_start3A_118 : memref<4096xf32, #tpu.memory_space<vmem>>) target_semaphore(%arg13 : memref<!tpu.dma_semaphore, #tpu.memory_space<semaphore_mem>>)
    %broadcast_in_dim3A = arith.constant 0x7F800000 : f32
    %broadcast_in_dim3A_122 = vector.broadcast %broadcast_in_dim3A : f32 to vector<16xf32>
    %broadcast_in_dim3A_123 = arith.constant 0 : i32
    %broadcast_in_dim3A_124 = vector.broadcast %broadcast_in_dim3A_123 : i32 to vector<16xi32>
    %dma_wait3A = arith.constant 0 : i32
    %dma_wait3A_125 = arith.constant 0 : i32
    %dma_wait3A_126 = tpu.memref_slice %arg4[%dma_wait3A, %dma_wait3A_125] : memref<8x4096xf32, #tpu.memory_space<vmem>> -> memref<1x4096xf32, #tpu.memory_space<vmem>>
    %dma_wait3A_127 = tpu.memref_squeeze %dma_wait3A_126 : memref<1x4096xf32, #tpu.memory_space<vmem>> -> memref<4096xf32, #tpu.memory_space<vmem>>
    %dma_wait3A_128 = arith.constant 0 : i32
    %dma_wait3A_129 = tpu.memref_slice %arg2[%add3A_4, %dma_wait3A_128] : memref<128x8192xf32, #tpu.memory_space<hbm>> -> memref<1x4096xf32, #tpu.memory_space<hbm>>
    %dma_wait3A_130 = tpu.memref_squeeze %dma_wait3A_129 : memref<1x4096xf32, #tpu.memory_space<hbm>> -> memref<4096xf32, #tpu.memory_space<hbm>>
    %dma_wait3A_131 = arith.constant 0 : i32
    %dma_wait3A_132 = tpu.memref_slice %arg4[%dma_wait3A, %dma_wait3A_131] : memref<8x4096xf32, #tpu.memory_space<vmem>> -> memref<1x4096xf32, #tpu.memory_space<vmem>>
    %dma_wait3A_133 = tpu.memref_squeeze %dma_wait3A_132 : memref<1x4096xf32, #tpu.memory_space<vmem>> -> memref<4096xf32, #tpu.memory_space<vmem>>
    %dma_wait3A_134 = arith.constant 0 : i32
    %dma_wait3A_135 = tpu.memref_slice %arg2[%add3A_4, %dma_wait3A_134] : memref<128x8192xf32, #tpu.memory_space<hbm>> -> memref<1x4096xf32, #tpu.memory_space<hbm>>
    %dma_wait3A_136 = tpu.memref_squeeze %dma_wait3A_135 : memref<1x4096xf32, #tpu.memory_space<hbm>> -> memref<4096xf32, #tpu.memory_space<hbm>>
    tpu.wait_dma2 semaphore(%arg6 : memref<!tpu.dma_semaphore, #tpu.memory_space<semaphore_mem>>) src(%dma_wait3A_136 : memref<4096xf32, #tpu.memory_space<hbm>>) dst(%dma_wait3A_133 : memref<4096xf32, #tpu.memory_space<vmem>>)
    %parallel_loop3A = arith.constant 0 : i32
    %parallel_loop3A_137 = arith.constant 32 : i32
    %parallel_loop3A_138 = arith.constant 1 : i32
    %parallel_loop3A_139:16 = scf.for %parallel_loop3A_867 = %parallel_loop3A to %parallel_loop3A_137 step %parallel_loop3A_138 iter_args(%parallel_loop3A_868 = %broadcast_in_dim3A_122, %parallel_loop3A_869 = %broadcast_in_dim3A_122, %parallel_loop3A_870 = %broadcast_in_dim3A_122, %parallel_loop3A_871 = %broadcast_in_dim3A_122, %parallel_loop3A_872 = %broadcast_in_dim3A_122, %parallel_loop3A_873 = %broadcast_in_dim3A_122, %parallel_loop3A_874 = %broadcast_in_dim3A_122, %parallel_loop3A_875 = %broadcast_in_dim3A_122, %parallel_loop3A_876 = %broadcast_in_dim3A_124, %parallel_loop3A_877 = %broadcast_in_dim3A_124, %parallel_loop3A_878 = %broadcast_in_dim3A_124, %parallel_loop3A_879 = %broadcast_in_dim3A_124, %parallel_loop3A_880 = %broadcast_in_dim3A_124, %parallel_loop3A_881 = %broadcast_in_dim3A_124, %parallel_loop3A_882 = %broadcast_in_dim3A_124, %parallel_loop3A_883 = %broadcast_in_dim3A_124) -> (vector<16xf32>, vector<16xf32>, vector<16xf32>, vector<16xf32>, vector<16xf32>, vector<16xf32>, vector<16xf32>, vector<16xf32>, vector<16xi32>, vector<16xi32>, vector<16xi32>, vector<16xi32>, vector<16xi32>, vector<16xi32>, vector<16xi32>, vector<16xi32>)  : i32 {
      %parallel_loop3A_884 = arith.constant 0 : i32
      %parallel_loop3A_885 = arith.addi %parallel_loop3A_867, %parallel_loop3A_884 : i32
      %parallel_loop3A_886 = vector.broadcast %parallel_loop3A_885 : i32 to vector<16xi32>
      %parallel_loop3A_887 = arith.constant 8 : i32
      %parallel_loop3A_888 = arith.muli %parallel_loop3A_867, %parallel_loop3A_887 : i32
      %parallel_loop3A_889 = arith.constant 0 : i32
      %parallel_loop3A_890 = arith.addi %parallel_loop3A_888, %parallel_loop3A_889 : i32
      %parallel_loop3A_891 = arith.constant 16 : i32
      %parallel_loop3A_892 = arith.muli %parallel_loop3A_890, %parallel_loop3A_891 : i32
      %parallel_loop3A_893 = arith.constant 0 : i32
      %parallel_loop3A_894 = arith.index_cast %parallel_loop3A_893 : i32 to index
      %parallel_loop3A_895 = arith.index_cast %parallel_loop3A_892 : i32 to index
      %parallel_loop3A_896 = tpu.vector_load %arg4[%parallel_loop3A_894, %parallel_loop3A_895] {strides = array<i32>} : memref<8x4096xf32, #tpu.memory_space<vmem>>, vector<16xf32>,
      %parallel_loop3A_897 = arith.cmpf olt, %parallel_loop3A_896, %parallel_loop3A_868 : vector<16xf32>
      %parallel_loop3A_898 = arith.select %parallel_loop3A_897, %parallel_loop3A_896, %parallel_loop3A_868 : vector<16xi1>, vector<16xf32>
      %parallel_loop3A_899 = arith.select %parallel_loop3A_897, %parallel_loop3A_886, %parallel_loop3A_876 : vector<16xi1>, vector<16xi32>
      %parallel_loop3A_900 = arith.constant 8 : i32
      %parallel_loop3A_901 = arith.muli %parallel_loop3A_867, %parallel_loop3A_900 : i32
      %parallel_loop3A_902 = arith.constant 1 : i32
      %parallel_loop3A_903 = arith.addi %parallel_loop3A_901, %parallel_loop3A_902 : i32
      %parallel_loop3A_904 = arith.constant 16 : i32
      %parallel_loop3A_905 = arith.muli %parallel_loop3A_903, %parallel_loop3A_904 : i32
      %parallel_loop3A_906 = arith.constant 0 : i32
      %parallel_loop3A_907 = arith.index_cast %parallel_loop3A_906 : i32 to index
      %parallel_loop3A_908 = arith.index_cast %parallel_loop3A_905 : i32 to index
      %parallel_loop3A_909 = tpu.vector_load %arg4[%parallel_loop3A_907, %parallel_loop3A_908] {strides = array<i32>} : memref<8x4096xf32, #tpu.memory_space<vmem>>, vector<16xf32>,
      %parallel_loop3A_910 = arith.cmpf olt, %parallel_loop3A_909, %parallel_loop3A_869 : vector<16xf32>
      %parallel_loop3A_911 = arith.select %parallel_loop3A_910, %parallel_loop3A_909, %parallel_loop3A_869 : vector<16xi1>, vector<16xf32>
      %parallel_loop3A_912 = arith.select %parallel_loop3A_910, %parallel_loop3A_886, %parallel_loop3A_877 : vector<16xi1>, vector<16xi32>
      %parallel_loop3A_913 = arith.constant 8 : i32
      %parallel_loop3A_914 = arith.muli %parallel_loop3A_867, %parallel_loop3A_913 : i32
      %parallel_loop3A_915 = arith.constant 2 : i32
      %parallel_loop3A_916 = arith.addi %parallel_loop3A_914, %parallel_loop3A_915 : i32
      %parallel_loop3A_917 = arith.constant 16 : i32
      %parallel_loop3A_918 = arith.muli %parallel_loop3A_916, %parallel_loop3A_917 : i32
      %parallel_loop3A_919 = arith.constant 0 : i32
      %parallel_loop3A_920 = arith.index_cast %parallel_loop3A_919 : i32 to index
      %parallel_loop3A_921 = arith.index_cast %parallel_loop3A_918 : i32 to index
      %parallel_loop3A_922 = tpu.vector_load %arg4[%parallel_loop3A_920, %parallel_loop3A_921] {strides = array<i32>} : memref<8x4096xf32, #tpu.memory_space<vmem>>, vector<16xf32>,
      %parallel_loop3A_923 = arith.cmpf olt, %parallel_loop3A_922, %parallel_loop3A_870 : vector<16xf32>
      %parallel_loop3A_924 = arith.select %parallel_loop3A_923, %parallel_loop3A_922, %parallel_loop3A_870 : vector<16xi1>, vector<16xf32>
      %parallel_loop3A_925 = arith.select %parallel_loop3A_923, %parallel_loop3A_886, %parallel_loop3A_878 : vector<16xi1>, vector<16xi32>
      %parallel_loop3A_926 = arith.constant 8 : i32
      %parallel_loop3A_927 = arith.muli %parallel_loop3A_867, %parallel_loop3A_926 : i32
      %parallel_loop3A_928 = arith.constant 3 : i32
      %parallel_loop3A_929 = arith.addi %parallel_loop3A_927, %parallel_loop3A_928 : i32
      %parallel_loop3A_930 = arith.constant 16 : i32
      %parallel_loop3A_931 = arith.muli %parallel_loop3A_929, %parallel_loop3A_930 : i32
      %parallel_loop3A_932 = arith.constant 0 : i32
      %parallel_loop3A_933 = arith.index_cast %parallel_loop3A_932 : i32 to index
      %parallel_loop3A_934 = arith.index_cast %parallel_loop3A_931 : i32 to index
      %parallel_loop3A_935 = tpu.vector_load %arg4[%parallel_loop3A_933, %parallel_loop3A_934] {strides = array<i32>} : memref<8x4096xf32, #tpu.memory_space<vmem>>, vector<16xf32>,
      %parallel_loop3A_936 = arith.cmpf olt, %parallel_loop3A_935, %parallel_loop3A_871 : vector<16xf32>
      %parallel_loop3A_937 = arith.select %parallel_loop3A_936, %parallel_loop3A_935, %parallel_loop3A_871 : vector<16xi1>, vector<16xf32>
      %parallel_loop3A_938 = arith.select %parallel_loop3A_936, %parallel_loop3A_886, %parallel_loop3A_879 : vector<16xi1>, vector<16xi32>
      %parallel_loop3A_939 = arith.constant 8 : i32
      %parallel_loop3A_940 = arith.muli %parallel_loop3A_867, %parallel_loop3A_939 : i32
      %parallel_loop3A_941 = arith.constant 4 : i32
      %parallel_loop3A_942 = arith.addi %parallel_loop3A_940, %parallel_loop3A_941 : i32
      %parallel_loop3A_943 = arith.constant 16 : i32
      %parallel_loop3A_944 = arith.muli %parallel_loop3A_942, %parallel_loop3A_943 : i32
      %parallel_loop3A_945 = arith.constant 0 : i32
      %parallel_loop3A_946 = arith.index_cast %parallel_loop3A_945 : i32 to index
      %parallel_loop3A_947 = arith.index_cast %parallel_loop3A_944 : i32 to index
      %parallel_loop3A_948 = tpu.vector_load %arg4[%parallel_loop3A_946, %parallel_loop3A_947] {strides = array<i32>} : memref<8x4096xf32, #tpu.memory_space<vmem>>, vector<16xf32>,
      %parallel_loop3A_949 = arith.cmpf olt, %parallel_loop3A_948, %parallel_loop3A_872 : vector<16xf32>
      %parallel_loop3A_950 = arith.select %parallel_loop3A_949, %parallel_loop3A_948, %parallel_loop3A_872 : vector<16xi1>, vector<16xf32>
      %parallel_loop3A_951 = arith.select %parallel_loop3A_949, %parallel_loop3A_886, %parallel_loop3A_880 : vector<16xi1>, vector<16xi32>
      %parallel_loop3A_952 = arith.constant 8 : i32
      %parallel_loop3A_953 = arith.muli %parallel_loop3A_867, %parallel_loop3A_952 : i32
      %parallel_loop3A_954 = arith.constant 5 : i32
      %parallel_loop3A_955 = arith.addi %parallel_loop3A_953, %parallel_loop3A_954 : i32
      %parallel_loop3A_956 = arith.constant 16 : i32
      %parallel_loop3A_957 = arith.muli %parallel_loop3A_955, %parallel_loop3A_956 : i32
      %parallel_loop3A_958 = arith.constant 0 : i32
      %parallel_loop3A_959 = arith.index_cast %parallel_loop3A_958 : i32 to index
      %parallel_loop3A_960 = arith.index_cast %parallel_loop3A_957 : i32 to index
      %parallel_loop3A_961 = tpu.vector_load %arg4[%parallel_loop3A_959, %parallel_loop3A_960] {strides = array<i32>} : memref<8x4096xf32, #tpu.memory_space<vmem>>, vector<16xf32>,
      %parallel_loop3A_962 = arith.cmpf olt, %parallel_loop3A_961, %parallel_loop3A_873 : vector<16xf32>
      %parallel_loop3A_963 = arith.select %parallel_loop3A_962, %parallel_loop3A_961, %parallel_loop3A_873 : vector<16xi1>, vector<16xf32>
      %parallel_loop3A_964 = arith.select %parallel_loop3A_962, %parallel_loop3A_886, %parallel_loop3A_881 : vector<16xi1>, vector<16xi32>
      %parallel_loop3A_965 = arith.constant 8 : i32
      %parallel_loop3A_966 = arith.muli %parallel_loop3A_867, %parallel_loop3A_965 : i32
      %parallel_loop3A_967 = arith.constant 6 : i32
      %parallel_loop3A_968 = arith.addi %parallel_loop3A_966, %parallel_loop3A_967 : i32
      %parallel_loop3A_969 = arith.constant 16 : i32
      %parallel_loop3A_970 = arith.muli %parallel_loop3A_968, %parallel_loop3A_969 : i32
      %parallel_loop3A_971 = arith.constant 0 : i32
      %parallel_loop3A_972 = arith.index_cast %parallel_loop3A_971 : i32 to index
      %parallel_loop3A_973 = arith.index_cast %parallel_loop3A_970 : i32 to index
      %parallel_loop3A_974 = tpu.vector_load %arg4[%parallel_loop3A_972, %parallel_loop3A_973] {strides = array<i32>} : memref<8x4096xf32, #tpu.memory_space<vmem>>, vector<16xf32>,
      %parallel_loop3A_975 = arith.cmpf olt, %parallel_loop3A_974, %parallel_loop3A_874 : vector<16xf32>
      %parallel_loop3A_976 = arith.select %parallel_loop3A_975, %parallel_loop3A_974, %parallel_loop3A_874 : vector<16xi1>, vector<16xf32>
      %parallel_loop3A_977 = arith.select %parallel_loop3A_975, %parallel_loop3A_886, %parallel_loop3A_882 : vector<16xi1>, vector<16xi32>
      %parallel_loop3A_978 = arith.constant 8 : i32
      %parallel_loop3A_979 = arith.muli %parallel_loop3A_867, %parallel_loop3A_978 : i32
      %parallel_loop3A_980 = arith.constant 7 : i32
      %parallel_loop3A_981 = arith.addi %parallel_loop3A_979, %parallel_loop3A_980 : i32
      %parallel_loop3A_982 = arith.constant 16 : i32
      %parallel_loop3A_983 = arith.muli %parallel_loop3A_981, %parallel_loop3A_982 : i32
      %parallel_loop3A_984 = arith.constant 0 : i32
      %parallel_loop3A_985 = arith.index_cast %parallel_loop3A_984 : i32 to index
      %parallel_loop3A_986 = arith.index_cast %parallel_loop3A_983 : i32 to index
      %parallel_loop3A_987 = tpu.vector_load %arg4[%parallel_loop3A_985, %parallel_loop3A_986] {strides = array<i32>} : memref<8x4096xf32, #tpu.memory_space<vmem>>, vector<16xf32>,
      %parallel_loop3A_988 = arith.cmpf olt, %parallel_loop3A_987, %parallel_loop3A_875 : vector<16xf32>
      %parallel_loop3A_989 = arith.select %parallel_loop3A_988, %parallel_loop3A_987, %parallel_loop3A_875 : vector<16xi1>, vector<16xf32>
      %parallel_loop3A_990 = arith.select %parallel_loop3A_988, %parallel_loop3A_886, %parallel_loop3A_883 : vector<16xi1>, vector<16xi32>
      scf.yield %parallel_loop3A_898, %parallel_loop3A_911, %parallel_loop3A_924, %parallel_loop3A_937, %parallel_loop3A_950, %parallel_loop3A_963, %parallel_loop3A_976, %parallel_loop3A_989, %parallel_loop3A_899, %parallel_loop3A_912, %parallel_loop3A_925, %parallel_loop3A_938, %parallel_loop3A_951, %parallel_loop3A_964, %parallel_loop3A_977, %parallel_loop3A_990 : vector<16xf32>, vector<16xf32>, vector<16xf32>, vector<16xf32>, vector<16xf32>, vector<16xf32>, vector<16xf32>, vector<16xf32>, vector<16xi32>, vector<16xi32>, vector<16xi32>, vector<16xi32>, vector<16xi32>, vector<16xi32>, vector<16xi32>, vector<16xi32>
    } {sc.loop_unroll_factor = 2 : i64, sc.parallel_access}
    %dma_wait3A_140 = arith.constant 1 : i32
    %dma_wait3A_141 = arith.constant 0 : i32
    %dma_wait3A_142 = tpu.memref_slice %arg4[%dma_wait3A_140, %dma_wait3A_141] : memref<8x4096xf32, #tpu.memory_space<vmem>> -> memref<1x4096xf32, #tpu.memory_space<vmem>>
    %dma_wait3A_143 = tpu.memref_squeeze %dma_wait3A_142 : memref<1x4096xf32, #tpu.memory_space<vmem>> -> memref<4096xf32, #tpu.memory_space<vmem>>
    %dma_wait3A_144 = arith.constant 4096 : i32
    %dma_wait3A_145 = tpu.memref_slice %arg2[%add3A_18, %dma_wait3A_144] : memref<128x8192xf32, #tpu.memory_space<hbm>> -> memref<1x4096xf32, #tpu.memory_space<hbm>>
    %dma_wait3A_146 = tpu.memref_squeeze %dma_wait3A_145 : memref<1x4096xf32, #tpu.memory_space<hbm>> -> memref<4096xf32, #tpu.memory_space<hbm>>
    %dma_wait3A_147 = arith.constant 0 : i32
    %dma_wait3A_148 = tpu.memref_slice %arg4[%dma_wait3A_140, %dma_wait3A_147] : memref<8x4096xf32, #tpu.memory_space<vmem>> -> memref<1x4096xf32, #tpu.memory_space<vmem>>
    %dma_wait3A_149 = tpu.memref_squeeze %dma_wait3A_148 : memref<1x4096xf32, #tpu.memory_space<vmem>> -> memref<4096xf32, #tpu.memory_space<vmem>>
    %dma_wait3A_150 = arith.constant 4096 : i32
    %dma_wait3A_151 = tpu.memref_slice %arg2[%add3A_18, %dma_wait3A_150] : memref<128x8192xf32, #tpu.memory_space<hbm>> -> memref<1x4096xf32, #tpu.memory_space<hbm>>
    %dma_wait3A_152 = tpu.memref_squeeze %dma_wait3A_151 : memref<1x4096xf32, #tpu.memory_space<hbm>> -> memref<4096xf32, #tpu.memory_space<hbm>>
    tpu.wait_dma2 semaphore(%arg7 : memref<!tpu.dma_semaphore, #tpu.memory_space<semaphore_mem>>) src(%dma_wait3A_152 : memref<4096xf32, #tpu.memory_space<hbm>>) dst(%dma_wait3A_149 : memref<4096xf32, #tpu.memory_space<vmem>>)
    %parallel_loop3A_153 = arith.constant 0 : i32
    %parallel_loop3A_154 = arith.constant 32 : i32
    %parallel_loop3A_155 = arith.constant 1 : i32
    %parallel_loop3A_156:16 = scf.for %parallel_loop3A_867 = %parallel_loop3A_153 to %parallel_loop3A_154 step %parallel_loop3A_155 iter_args(%parallel_loop3A_868 = %parallel_loop3A_139#0, %parallel_loop3A_869 = %parallel_loop3A_139#1, %parallel_loop3A_870 = %parallel_loop3A_139#2, %parallel_loop3A_871 = %parallel_loop3A_139#3, %parallel_loop3A_872 = %parallel_loop3A_139#4, %parallel_loop3A_873 = %parallel_loop3A_139#5, %parallel_loop3A_874 = %parallel_loop3A_139#6, %parallel_loop3A_875 = %parallel_loop3A_139#7, %parallel_loop3A_876 = %parallel_loop3A_139#8, %parallel_loop3A_877 = %parallel_loop3A_139#9, %parallel_loop3A_878 = %parallel_loop3A_139#10, %parallel_loop3A_879 = %parallel_loop3A_139#11, %parallel_loop3A_880 = %parallel_loop3A_139#12, %parallel_loop3A_881 = %parallel_loop3A_139#13, %parallel_loop3A_882 = %parallel_loop3A_139#14, %parallel_loop3A_883 = %parallel_loop3A_139#15) -> (vector<16xf32>, vector<16xf32>, vector<16xf32>, vector<16xf32>, vector<16xf32>, vector<16xf32>, vector<16xf32>, vector<16xf32>, vector<16xi32>, vector<16xi32>, vector<16xi32>, vector<16xi32>, vector<16xi32>, vector<16xi32>, vector<16xi32>, vector<16xi32>)  : i32 {
      %parallel_loop3A_884 = arith.constant 32 : i32
      %parallel_loop3A_885 = arith.addi %parallel_loop3A_867, %parallel_loop3A_884 : i32
      %parallel_loop3A_886 = vector.broadcast %parallel_loop3A_885 : i32 to vector<16xi32>
      %parallel_loop3A_887 = arith.constant 8 : i32
      %parallel_loop3A_888 = arith.muli %parallel_loop3A_867, %parallel_loop3A_887 : i32
      %parallel_loop3A_889 = arith.constant 0 : i32
      %parallel_loop3A_890 = arith.addi %parallel_loop3A_888, %parallel_loop3A_889 : i32
      %parallel_loop3A_891 = arith.constant 16 : i32
      %parallel_loop3A_892 = arith.muli %parallel_loop3A_890, %parallel_loop3A_891 : i32
      %parallel_loop3A_893 = arith.constant 1 : i32
      %parallel_loop3A_894 = arith.index_cast %parallel_loop3A_893 : i32 to index
      %parallel_loop3A_895 = arith.index_cast %parallel_loop3A_892 : i32 to index
      %parallel_loop3A_896 = tpu.vector_load %arg4[%parallel_loop3A_894, %parallel_loop3A_895] {strides = array<i32>} : memref<8x4096xf32, #tpu.memory_space<vmem>>, vector<16xf32>,
      %parallel_loop3A_897 = arith.cmpf olt, %parallel_loop3A_896, %parallel_loop3A_868 : vector<16xf32>
      %parallel_loop3A_898 = arith.select %parallel_loop3A_897, %parallel_loop3A_896, %parallel_loop3A_868 : vector<16xi1>, vector<16xf32>
      %parallel_loop3A_899 = arith.select %parallel_loop3A_897, %parallel_loop3A_886, %parallel_loop3A_876 : vector<16xi1>, vector<16xi32>
      %parallel_loop3A_900 = arith.constant 8 : i32
      %parallel_loop3A_901 = arith.muli %parallel_loop3A_867, %parallel_loop3A_900 : i32
      %parallel_loop3A_902 = arith.constant 1 : i32
      %parallel_loop3A_903 = arith.addi %parallel_loop3A_901, %parallel_loop3A_902 : i32
      %parallel_loop3A_904 = arith.constant 16 : i32
      %parallel_loop3A_905 = arith.muli %parallel_loop3A_903, %parallel_loop3A_904 : i32
      %parallel_loop3A_906 = arith.constant 1 : i32
      %parallel_loop3A_907 = arith.index_cast %parallel_loop3A_906 : i32 to index
      %parallel_loop3A_908 = arith.index_cast %parallel_loop3A_905 : i32 to index
      %parallel_loop3A_909 = tpu.vector_load %arg4[%parallel_loop3A_907, %parallel_loop3A_908] {strides = array<i32>} : memref<8x4096xf32, #tpu.memory_space<vmem>>, vector<16xf32>,
      %parallel_loop3A_910 = arith.cmpf olt, %parallel_loop3A_909, %parallel_loop3A_869 : vector<16xf32>
      %parallel_loop3A_911 = arith.select %parallel_loop3A_910, %parallel_loop3A_909, %parallel_loop3A_869 : vector<16xi1>, vector<16xf32>
      %parallel_loop3A_912 = arith.select %parallel_loop3A_910, %parallel_loop3A_886, %parallel_loop3A_877 : vector<16xi1>, vector<16xi32>
      %parallel_loop3A_913 = arith.constant 8 : i32
      %parallel_loop3A_914 = arith.muli %parallel_loop3A_867, %parallel_loop3A_913 : i32
      %parallel_loop3A_915 = arith.constant 2 : i32
      %parallel_loop3A_916 = arith.addi %parallel_loop3A_914, %parallel_loop3A_915 : i32
      %parallel_loop3A_917 = arith.constant 16 : i32
      %parallel_loop3A_918 = arith.muli %parallel_loop3A_916, %parallel_loop3A_917 : i32
      %parallel_loop3A_919 = arith.constant 1 : i32
      %parallel_loop3A_920 = arith.index_cast %parallel_loop3A_919 : i32 to index
      %parallel_loop3A_921 = arith.index_cast %parallel_loop3A_918 : i32 to index
      %parallel_loop3A_922 = tpu.vector_load %arg4[%parallel_loop3A_920, %parallel_loop3A_921] {strides = array<i32>} : memref<8x4096xf32, #tpu.memory_space<vmem>>, vector<16xf32>,
      %parallel_loop3A_923 = arith.cmpf olt, %parallel_loop3A_922, %parallel_loop3A_870 : vector<16xf32>
      %parallel_loop3A_924 = arith.select %parallel_loop3A_923, %parallel_loop3A_922, %parallel_loop3A_870 : vector<16xi1>, vector<16xf32>
      %parallel_loop3A_925 = arith.select %parallel_loop3A_923, %parallel_loop3A_886, %parallel_loop3A_878 : vector<16xi1>, vector<16xi32>
      %parallel_loop3A_926 = arith.constant 8 : i32
      %parallel_loop3A_927 = arith.muli %parallel_loop3A_867, %parallel_loop3A_926 : i32
      %parallel_loop3A_928 = arith.constant 3 : i32
      %parallel_loop3A_929 = arith.addi %parallel_loop3A_927, %parallel_loop3A_928 : i32
      %parallel_loop3A_930 = arith.constant 16 : i32
      %parallel_loop3A_931 = arith.muli %parallel_loop3A_929, %parallel_loop3A_930 : i32
      %parallel_loop3A_932 = arith.constant 1 : i32
      %parallel_loop3A_933 = arith.index_cast %parallel_loop3A_932 : i32 to index
      %parallel_loop3A_934 = arith.index_cast %parallel_loop3A_931 : i32 to index
      %parallel_loop3A_935 = tpu.vector_load %arg4[%parallel_loop3A_933, %parallel_loop3A_934] {strides = array<i32>} : memref<8x4096xf32, #tpu.memory_space<vmem>>, vector<16xf32>,
      %parallel_loop3A_936 = arith.cmpf olt, %parallel_loop3A_935, %parallel_loop3A_871 : vector<16xf32>
      %parallel_loop3A_937 = arith.select %parallel_loop3A_936, %parallel_loop3A_935, %parallel_loop3A_871 : vector<16xi1>, vector<16xf32>
      %parallel_loop3A_938 = arith.select %parallel_loop3A_936, %parallel_loop3A_886, %parallel_loop3A_879 : vector<16xi1>, vector<16xi32>
      %parallel_loop3A_939 = arith.constant 8 : i32
      %parallel_loop3A_940 = arith.muli %parallel_loop3A_867, %parallel_loop3A_939 : i32
      %parallel_loop3A_941 = arith.constant 4 : i32
      %parallel_loop3A_942 = arith.addi %parallel_loop3A_940, %parallel_loop3A_941 : i32
      %parallel_loop3A_943 = arith.constant 16 : i32
      %parallel_loop3A_944 = arith.muli %parallel_loop3A_942, %parallel_loop3A_943 : i32
      %parallel_loop3A_945 = arith.constant 1 : i32
      %parallel_loop3A_946 = arith.index_cast %parallel_loop3A_945 : i32 to index
      %parallel_loop3A_947 = arith.index_cast %parallel_loop3A_944 : i32 to index
      %parallel_loop3A_948 = tpu.vector_load %arg4[%parallel_loop3A_946, %parallel_loop3A_947] {strides = array<i32>} : memref<8x4096xf32, #tpu.memory_space<vmem>>, vector<16xf32>,
      %parallel_loop3A_949 = arith.cmpf olt, %parallel_loop3A_948, %parallel_loop3A_872 : vector<16xf32>
      %parallel_loop3A_950 = arith.select %parallel_loop3A_949, %parallel_loop3A_948, %parallel_loop3A_872 : vector<16xi1>, vector<16xf32>
      %parallel_loop3A_951 = arith.select %parallel_loop3A_949, %parallel_loop3A_886, %parallel_loop3A_880 : vector<16xi1>, vector<16xi32>
      %parallel_loop3A_952 = arith.constant 8 : i32
      %parallel_loop3A_953 = arith.muli %parallel_loop3A_867, %parallel_loop3A_952 : i32
      %parallel_loop3A_954 = arith.constant 5 : i32
      %parallel_loop3A_955 = arith.addi %parallel_loop3A_953, %parallel_loop3A_954 : i32
      %parallel_loop3A_956 = arith.constant 16 : i32
      %parallel_loop3A_957 = arith.muli %parallel_loop3A_955, %parallel_loop3A_956 : i32
      %parallel_loop3A_958 = arith.constant 1 : i32
      %parallel_loop3A_959 = arith.index_cast %parallel_loop3A_958 : i32 to index
      %parallel_loop3A_960 = arith.index_cast %parallel_loop3A_957 : i32 to index
      %parallel_loop3A_961 = tpu.vector_load %arg4[%parallel_loop3A_959, %parallel_loop3A_960] {strides = array<i32>} : memref<8x4096xf32, #tpu.memory_space<vmem>>, vector<16xf32>,
      %parallel_loop3A_962 = arith.cmpf olt, %parallel_loop3A_961, %parallel_loop3A_873 : vector<16xf32>
      %parallel_loop3A_963 = arith.select %parallel_loop3A_962, %parallel_loop3A_961, %parallel_loop3A_873 : vector<16xi1>, vector<16xf32>
      %parallel_loop3A_964 = arith.select %parallel_loop3A_962, %parallel_loop3A_886, %parallel_loop3A_881 : vector<16xi1>, vector<16xi32>
      %parallel_loop3A_965 = arith.constant 8 : i32
      %parallel_loop3A_966 = arith.muli %parallel_loop3A_867, %parallel_loop3A_965 : i32
      %parallel_loop3A_967 = arith.constant 6 : i32
      %parallel_loop3A_968 = arith.addi %parallel_loop3A_966, %parallel_loop3A_967 : i32
      %parallel_loop3A_969 = arith.constant 16 : i32
      %parallel_loop3A_970 = arith.muli %parallel_loop3A_968, %parallel_loop3A_969 : i32
      %parallel_loop3A_971 = arith.constant 1 : i32
      %parallel_loop3A_972 = arith.index_cast %parallel_loop3A_971 : i32 to index
      %parallel_loop3A_973 = arith.index_cast %parallel_loop3A_970 : i32 to index
      %parallel_loop3A_974 = tpu.vector_load %arg4[%parallel_loop3A_972, %parallel_loop3A_973] {strides = array<i32>} : memref<8x4096xf32, #tpu.memory_space<vmem>>, vector<16xf32>,
      %parallel_loop3A_975 = arith.cmpf olt, %parallel_loop3A_974, %parallel_loop3A_874 : vector<16xf32>
      %parallel_loop3A_976 = arith.select %parallel_loop3A_975, %parallel_loop3A_974, %parallel_loop3A_874 : vector<16xi1>, vector<16xf32>
      %parallel_loop3A_977 = arith.select %parallel_loop3A_975, %parallel_loop3A_886, %parallel_loop3A_882 : vector<16xi1>, vector<16xi32>
      %parallel_loop3A_978 = arith.constant 8 : i32
      %parallel_loop3A_979 = arith.muli %parallel_loop3A_867, %parallel_loop3A_978 : i32
      %parallel_loop3A_980 = arith.constant 7 : i32
      %parallel_loop3A_981 = arith.addi %parallel_loop3A_979, %parallel_loop3A_980 : i32
      %parallel_loop3A_982 = arith.constant 16 : i32
      %parallel_loop3A_983 = arith.muli %parallel_loop3A_981, %parallel_loop3A_982 : i32
      %parallel_loop3A_984 = arith.constant 1 : i32
      %parallel_loop3A_985 = arith.index_cast %parallel_loop3A_984 : i32 to index
      %parallel_loop3A_986 = arith.index_cast %parallel_loop3A_983 : i32 to index
      %parallel_loop3A_987 = tpu.vector_load %arg4[%parallel_loop3A_985, %parallel_loop3A_986] {strides = array<i32>} : memref<8x4096xf32, #tpu.memory_space<vmem>>, vector<16xf32>,
      %parallel_loop3A_988 = arith.cmpf olt, %parallel_loop3A_987, %parallel_loop3A_875 : vector<16xf32>
      %parallel_loop3A_989 = arith.select %parallel_loop3A_988, %parallel_loop3A_987, %parallel_loop3A_875 : vector<16xi1>, vector<16xf32>
      %parallel_loop3A_990 = arith.select %parallel_loop3A_988, %parallel_loop3A_886, %parallel_loop3A_883 : vector<16xi1>, vector<16xi32>
      scf.yield %parallel_loop3A_898, %parallel_loop3A_911, %parallel_loop3A_924, %parallel_loop3A_937, %parallel_loop3A_950, %parallel_loop3A_963, %parallel_loop3A_976, %parallel_loop3A_989, %parallel_loop3A_899, %parallel_loop3A_912, %parallel_loop3A_925, %parallel_loop3A_938, %parallel_loop3A_951, %parallel_loop3A_964, %parallel_loop3A_977, %parallel_loop3A_990 : vector<16xf32>, vector<16xf32>, vector<16xf32>, vector<16xf32>, vector<16xf32>, vector<16xf32>, vector<16xf32>, vector<16xf32>, vector<16xi32>, vector<16xi32>, vector<16xi32>, vector<16xi32>, vector<16xi32>, vector<16xi32>, vector<16xi32>, vector<16xi32>
    } {sc.loop_unroll_factor = 2 : i64, sc.parallel_access}
    %mul3A_157 = arith.constant 8 : i32
    %mul3A_158 = vector.broadcast %mul3A_157 : i32 to vector<16xi32>
    %mul3A_159 = arith.muli %parallel_loop3A_156#8, %mul3A_158 : vector<16xi32>
    %add3A_160 = arith.constant 0 : i32
    %add3A_161 = vector.broadcast %add3A_160 : i32 to vector<16xi32>
    %add3A_162 = arith.addi %mul3A_159, %add3A_161 : vector<16xi32>
    %mul3A_163 = arith.constant 16 : i32
    %mul3A_164 = vector.broadcast %mul3A_163 : i32 to vector<16xi32>
    %mul3A_165 = arith.muli %add3A_162, %mul3A_164 : vector<16xi32>
    %add3A_166 = arith.addi %mul3A_165, %iota3A : vector<16xi32>
    %mul3A_167 = arith.constant 8 : i32
    %mul3A_168 = vector.broadcast %mul3A_167 : i32 to vector<16xi32>
    %mul3A_169 = arith.muli %parallel_loop3A_156#9, %mul3A_168 : vector<16xi32>
    %add3A_170 = arith.constant 1 : i32
    %add3A_171 = vector.broadcast %add3A_170 : i32 to vector<16xi32>
    %add3A_172 = arith.addi %mul3A_169, %add3A_171 : vector<16xi32>
    %mul3A_173 = arith.constant 16 : i32
    %mul3A_174 = vector.broadcast %mul3A_173 : i32 to vector<16xi32>
    %mul3A_175 = arith.muli %add3A_172, %mul3A_174 : vector<16xi32>
    %add3A_176 = arith.addi %mul3A_175, %iota3A : vector<16xi32>
    %mul3A_177 = arith.constant 8 : i32
    %mul3A_178 = vector.broadcast %mul3A_177 : i32 to vector<16xi32>
    %mul3A_179 = arith.muli %parallel_loop3A_156#10, %mul3A_178 : vector<16xi32>
    %add3A_180 = arith.constant 2 : i32
    %add3A_181 = vector.broadcast %add3A_180 : i32 to vector<16xi32>
    %add3A_182 = arith.addi %mul3A_179, %add3A_181 : vector<16xi32>
    %mul3A_183 = arith.constant 16 : i32
    %mul3A_184 = vector.broadcast %mul3A_183 : i32 to vector<16xi32>
    %mul3A_185 = arith.muli %add3A_182, %mul3A_184 : vector<16xi32>
    %add3A_186 = arith.addi %mul3A_185, %iota3A : vector<16xi32>
    %mul3A_187 = arith.constant 8 : i32
    %mul3A_188 = vector.broadcast %mul3A_187 : i32 to vector<16xi32>
    %mul3A_189 = arith.muli %parallel_loop3A_156#11, %mul3A_188 : vector<16xi32>
    %add3A_190 = arith.constant 3 : i32
    %add3A_191 = vector.broadcast %add3A_190 : i32 to vector<16xi32>
    %add3A_192 = arith.addi %mul3A_189, %add3A_191 : vector<16xi32>
    %mul3A_193 = arith.constant 16 : i32
    %mul3A_194 = vector.broadcast %mul3A_193 : i32 to vector<16xi32>
    %mul3A_195 = arith.muli %add3A_192, %mul3A_194 : vector<16xi32>
    %add3A_196 = arith.addi %mul3A_195, %iota3A : vector<16xi32>
    %mul3A_197 = arith.constant 8 : i32
    %mul3A_198 = vector.broadcast %mul3A_197 : i32 to vector<16xi32>
    %mul3A_199 = arith.muli %parallel_loop3A_156#12, %mul3A_198 : vector<16xi32>
    %add3A_200 = arith.constant 4 : i32
    %add3A_201 = vector.broadcast %add3A_200 : i32 to vector<16xi32>
    %add3A_202 = arith.addi %mul3A_199, %add3A_201 : vector<16xi32>
    %mul3A_203 = arith.constant 16 : i32
    %mul3A_204 = vector.broadcast %mul3A_203 : i32 to vector<16xi32>
    %mul3A_205 = arith.muli %add3A_202, %mul3A_204 : vector<16xi32>
    %add3A_206 = arith.addi %mul3A_205, %iota3A : vector<16xi32>
    %mul3A_207 = arith.constant 8 : i32
    %mul3A_208 = vector.broadcast %mul3A_207 : i32 to vector<16xi32>
    %mul3A_209 = arith.muli %parallel_loop3A_156#13, %mul3A_208 : vector<16xi32>
    %add3A_210 = arith.constant 5 : i32
    %add3A_211 = vector.broadcast %add3A_210 : i32 to vector<16xi32>
    %add3A_212 = arith.addi %mul3A_209, %add3A_211 : vector<16xi32>
    %mul3A_213 = arith.constant 16 : i32
    %mul3A_214 = vector.broadcast %mul3A_213 : i32 to vector<16xi32>
    %mul3A_215 = arith.muli %add3A_212, %mul3A_214 : vector<16xi32>
    %add3A_216 = arith.addi %mul3A_215, %iota3A : vector<16xi32>
    %mul3A_217 = arith.constant 8 : i32
    %mul3A_218 = vector.broadcast %mul3A_217 : i32 to vector<16xi32>
    %mul3A_219 = arith.muli %parallel_loop3A_156#14, %mul3A_218 : vector<16xi32>
    %add3A_220 = arith.constant 6 : i32
    %add3A_221 = vector.broadcast %add3A_220 : i32 to vector<16xi32>
    %add3A_222 = arith.addi %mul3A_219, %add3A_221 : vector<16xi32>
    %mul3A_223 = arith.constant 16 : i32
    %mul3A_224 = vector.broadcast %mul3A_223 : i32 to vector<16xi32>
    %mul3A_225 = arith.muli %add3A_222, %mul3A_224 : vector<16xi32>
    %add3A_226 = arith.addi %mul3A_225, %iota3A : vector<16xi32>
    %mul3A_227 = arith.constant 8 : i32
    %mul3A_228 = vector.broadcast %mul3A_227 : i32 to vector<16xi32>
    %mul3A_229 = arith.muli %parallel_loop3A_156#15, %mul3A_228 : vector<16xi32>
    %add3A_230 = arith.constant 7 : i32
    %add3A_231 = vector.broadcast %add3A_230 : i32 to vector<16xi32>
    %add3A_232 = arith.addi %mul3A_229, %add3A_231 : vector<16xi32>
    %mul3A_233 = arith.constant 16 : i32
    %mul3A_234 = vector.broadcast %mul3A_233 : i32 to vector<16xi32>
    %mul3A_235 = arith.muli %add3A_232, %mul3A_234 : vector<16xi32>
    %add3A_236 = arith.addi %mul3A_235, %iota3A : vector<16xi32>
    %lt3A = arith.cmpf olt, %parallel_loop3A_156#1, %parallel_loop3A_156#0 : vector<16xf32>
    %eq3A = arith.cmpf oeq, %parallel_loop3A_156#1, %parallel_loop3A_156#0 : vector<16xf32>
    %lt3A_237 = arith.cmpi slt, %add3A_176, %add3A_166 : vector<16xi32>
    %and3A = arith.andi %eq3A, %lt3A_237 : vector<16xi1>
    %or3A = arith.ori %lt3A, %and3A : vector<16xi1>
    %select_n3A = arith.select %or3A, %parallel_loop3A_156#1, %parallel_loop3A_156#0 : vector<16xi1>, vector<16xf32>
    %select_n3A_238 = arith.select %or3A, %add3A_176, %add3A_166 : vector<16xi1>, vector<16xi32>
    %lt3A_239 = arith.cmpf olt, %parallel_loop3A_156#3, %parallel_loop3A_156#2 : vector<16xf32>
    %eq3A_240 = arith.cmpf oeq, %parallel_loop3A_156#3, %parallel_loop3A_156#2 : vector<16xf32>
    %lt3A_241 = arith.cmpi slt, %add3A_196, %add3A_186 : vector<16xi32>
    %and3A_242 = arith.andi %eq3A_240, %lt3A_241 : vector<16xi1>
    %or3A_243 = arith.ori %lt3A_239, %and3A_242 : vector<16xi1>
    %select_n3A_244 = arith.select %or3A_243, %parallel_loop3A_156#3, %parallel_loop3A_156#2 : vector<16xi1>, vector<16xf32>
    %select_n3A_245 = arith.select %or3A_243, %add3A_196, %add3A_186 : vector<16xi1>, vector<16xi32>
    %lt3A_246 = arith.cmpf olt, %parallel_loop3A_156#5, %parallel_loop3A_156#4 : vector<16xf32>
    %eq3A_247 = arith.cmpf oeq, %parallel_loop3A_156#5, %parallel_loop3A_156#4 : vector<16xf32>
    %lt3A_248 = arith.cmpi slt, %add3A_216, %add3A_206 : vector<16xi32>
    %and3A_249 = arith.andi %eq3A_247, %lt3A_248 : vector<16xi1>
    %or3A_250 = arith.ori %lt3A_246, %and3A_249 : vector<16xi1>
    %select_n3A_251 = arith.select %or3A_250, %parallel_loop3A_156#5, %parallel_loop3A_156#4 : vector<16xi1>, vector<16xf32>
    %select_n3A_252 = arith.select %or3A_250, %add3A_216, %add3A_206 : vector<16xi1>, vector<16xi32>
    %lt3A_253 = arith.cmpf olt, %parallel_loop3A_156#7, %parallel_loop3A_156#6 : vector<16xf32>
    %eq3A_254 = arith.cmpf oeq, %parallel_loop3A_156#7, %parallel_loop3A_156#6 : vector<16xf32>
    %lt3A_255 = arith.cmpi slt, %add3A_236, %add3A_226 : vector<16xi32>
    %and3A_256 = arith.andi %eq3A_254, %lt3A_255 : vector<16xi1>
    %or3A_257 = arith.ori %lt3A_253, %and3A_256 : vector<16xi1>
    %select_n3A_258 = arith.select %or3A_257, %parallel_loop3A_156#7, %parallel_loop3A_156#6 : vector<16xi1>, vector<16xf32>
    %select_n3A_259 = arith.select %or3A_257, %add3A_236, %add3A_226 : vector<16xi1>, vector<16xi32>
    %lt3A_260 = arith.cmpf olt, %select_n3A_244, %select_n3A : vector<16xf32>
    %eq3A_261 = arith.cmpf oeq, %select_n3A_244, %select_n3A : vector<16xf32>
    %lt3A_262 = arith.cmpi slt, %select_n3A_245, %select_n3A_238 : vector<16xi32>
    %and3A_263 = arith.andi %eq3A_261, %lt3A_262 : vector<16xi1>
    %or3A_264 = arith.ori %lt3A_260, %and3A_263 : vector<16xi1>
    %select_n3A_265 = arith.select %or3A_264, %select_n3A_244, %select_n3A : vector<16xi1>, vector<16xf32>
    %select_n3A_266 = arith.select %or3A_264, %select_n3A_245, %select_n3A_238 : vector<16xi1>, vector<16xi32>
    %lt3A_267 = arith.cmpf olt, %select_n3A_258, %select_n3A_251 : vector<16xf32>
    %eq3A_268 = arith.cmpf oeq, %select_n3A_258, %select_n3A_251 : vector<16xf32>
    %lt3A_269 = arith.cmpi slt, %select_n3A_259, %select_n3A_252 : vector<16xi32>
    %and3A_270 = arith.andi %eq3A_268, %lt3A_269 : vector<16xi1>
    %or3A_271 = arith.ori %lt3A_267, %and3A_270 : vector<16xi1>
    %select_n3A_272 = arith.select %or3A_271, %select_n3A_258, %select_n3A_251 : vector<16xi1>, vector<16xf32>
    %select_n3A_273 = arith.select %or3A_271, %select_n3A_259, %select_n3A_252 : vector<16xi1>, vector<16xi32>
    %lt3A_274 = arith.cmpf olt, %select_n3A_272, %select_n3A_265 : vector<16xf32>
    %eq3A_275 = arith.cmpf oeq, %select_n3A_272, %select_n3A_265 : vector<16xf32>
    %lt3A_276 = arith.cmpi slt, %select_n3A_273, %select_n3A_266 : vector<16xi32>
    %and3A_277 = arith.andi %eq3A_275, %lt3A_276 : vector<16xi1>
    %or3A_278 = arith.ori %lt3A_274, %and3A_277 : vector<16xi1>
    %select_n3A_279 = arith.select %or3A_278, %select_n3A_272, %select_n3A_265 : vector<16xi1>, vector<16xf32>
    %select_n3A_280 = arith.select %or3A_278, %select_n3A_273, %select_n3A_266 : vector<16xi1>, vector<16xi32>
    %reduce_min3A = arith.constant true
    %reduce_min3A_281 = vector.broadcast %reduce_min3A : i1 to vector<16xi1>
    %reduce_min3A_282 = tpu.scan <min>, %select_n3A_279 masked %reduce_min3A_281 : vector<16xf32>, vector<16xi1> -> vector<16xf32>
    %reduce_min3A_283 = vector.extract %reduce_min3A_282[15] : f32 from vector<16xf32>
    %eq3A_284 = vector.broadcast %reduce_min3A_283 : f32 to vector<16xf32>
    %eq3A_285 = arith.cmpf oeq, %select_n3A_279, %eq3A_284 : vector<16xf32>
    %jit3A = arith.constant 2147483647 : i32
    %broadcast_in_dim3A_286 = vector.broadcast %jit3A : i32 to vector<16xi32>
    %select_n3A_287 = arith.select %eq3A_285, %select_n3A_280, %broadcast_in_dim3A_286 : vector<16xi1>, vector<16xi32>
    %reduce_min3A_288 = arith.constant true
    %reduce_min3A_289 = vector.broadcast %reduce_min3A_288 : i1 to vector<16xi1>
    %reduce_min3A_290 = arith.constant -2147483648 : i32
    %reduce_min3A_291 = vector.broadcast %reduce_min3A_290 : i32 to vector<16xi32>
    %reduce_min3A_292 = arith.xori %select_n3A_287, %reduce_min3A_291 : vector<16xi32>
    %reduce_min3A_293 = tpu.scan <min>, %reduce_min3A_292 masked %reduce_min3A_289 : vector<16xi32>, vector<16xi1> -> vector<16xi32>
    %reduce_min3A_294 = arith.xori %reduce_min3A_293, %reduce_min3A_291 : vector<16xi32>
    %reduce_min3A_295 = vector.extract %reduce_min3A_294[15] : i32 from vector<16xi32>
    %broadcast_in_dim3A_296 = vector.broadcast %reduce_min3A_295 : i32 to vector<16xi32>
    %swap3A = arith.constant 0 : i32
    %swap3A_297 = arith.index_cast %swap3A : i32 to index
    %swap3A_298 = arith.constant 0 : index
    %swap3A_299 = tpu.vector_load %arg5[%swap3A_297, %swap3A_298] {strides = array<i32>} : memref<4x16xi32, #tpu.memory_space<vmem>>, vector<16xi32>,
    tpu.vector_store %arg5[%swap3A_297, %swap3A_298], %broadcast_in_dim3A_296 {strides = array<i32>} : memref<4x16xi32, #tpu.memory_space<vmem>>, vector<16xi32>,
    %broadcast_in_dim3A_300 = arith.constant 0x7F800000 : f32
    %broadcast_in_dim3A_301 = vector.broadcast %broadcast_in_dim3A_300 : f32 to vector<16xf32>
    %broadcast_in_dim3A_302 = arith.constant 0 : i32
    %broadcast_in_dim3A_303 = vector.broadcast %broadcast_in_dim3A_302 : i32 to vector<16xi32>
    %dma_wait3A_304 = arith.constant 2 : i32
    %dma_wait3A_305 = arith.constant 0 : i32
    %dma_wait3A_306 = tpu.memref_slice %arg4[%dma_wait3A_304, %dma_wait3A_305] : memref<8x4096xf32, #tpu.memory_space<vmem>> -> memref<1x4096xf32, #tpu.memory_space<vmem>>
    %dma_wait3A_307 = tpu.memref_squeeze %dma_wait3A_306 : memref<1x4096xf32, #tpu.memory_space<vmem>> -> memref<4096xf32, #tpu.memory_space<vmem>>
    %dma_wait3A_308 = arith.constant 0 : i32
    %dma_wait3A_309 = tpu.memref_slice %arg2[%add3A_33, %dma_wait3A_308] : memref<128x8192xf32, #tpu.memory_space<hbm>> -> memref<1x4096xf32, #tpu.memory_space<hbm>>
    %dma_wait3A_310 = tpu.memref_squeeze %dma_wait3A_309 : memref<1x4096xf32, #tpu.memory_space<hbm>> -> memref<4096xf32, #tpu.memory_space<hbm>>
    %dma_wait3A_311 = arith.constant 0 : i32
    %dma_wait3A_312 = tpu.memref_slice %arg4[%dma_wait3A_304, %dma_wait3A_311] : memref<8x4096xf32, #tpu.memory_space<vmem>> -> memref<1x4096xf32, #tpu.memory_space<vmem>>
    %dma_wait3A_313 = tpu.memref_squeeze %dma_wait3A_312 : memref<1x4096xf32, #tpu.memory_space<vmem>> -> memref<4096xf32, #tpu.memory_space<vmem>>
    %dma_wait3A_314 = arith.constant 0 : i32
    %dma_wait3A_315 = tpu.memref_slice %arg2[%add3A_33, %dma_wait3A_314] : memref<128x8192xf32, #tpu.memory_space<hbm>> -> memref<1x4096xf32, #tpu.memory_space<hbm>>
    %dma_wait3A_316 = tpu.memref_squeeze %dma_wait3A_315 : memref<1x4096xf32, #tpu.memory_space<hbm>> -> memref<4096xf32, #tpu.memory_space<hbm>>
    tpu.wait_dma2 semaphore(%arg8 : memref<!tpu.dma_semaphore, #tpu.memory_space<semaphore_mem>>) src(%dma_wait3A_316 : memref<4096xf32, #tpu.memory_space<hbm>>) dst(%dma_wait3A_313 : memref<4096xf32, #tpu.memory_space<vmem>>)
    %parallel_loop3A_317 = arith.constant 0 : i32
    %parallel_loop3A_318 = arith.constant 32 : i32
    %parallel_loop3A_319 = arith.constant 1 : i32
    %parallel_loop3A_320:16 = scf.for %parallel_loop3A_867 = %parallel_loop3A_317 to %parallel_loop3A_318 step %parallel_loop3A_319 iter_args(%parallel_loop3A_868 = %broadcast_in_dim3A_301, %parallel_loop3A_869 = %broadcast_in_dim3A_301, %parallel_loop3A_870 = %broadcast_in_dim3A_301, %parallel_loop3A_871 = %broadcast_in_dim3A_301, %parallel_loop3A_872 = %broadcast_in_dim3A_301, %parallel_loop3A_873 = %broadcast_in_dim3A_301, %parallel_loop3A_874 = %broadcast_in_dim3A_301, %parallel_loop3A_875 = %broadcast_in_dim3A_301, %parallel_loop3A_876 = %broadcast_in_dim3A_303, %parallel_loop3A_877 = %broadcast_in_dim3A_303, %parallel_loop3A_878 = %broadcast_in_dim3A_303, %parallel_loop3A_879 = %broadcast_in_dim3A_303, %parallel_loop3A_880 = %broadcast_in_dim3A_303, %parallel_loop3A_881 = %broadcast_in_dim3A_303, %parallel_loop3A_882 = %broadcast_in_dim3A_303, %parallel_loop3A_883 = %broadcast_in_dim3A_303) -> (vector<16xf32>, vector<16xf32>, vector<16xf32>, vector<16xf32>, vector<16xf32>, vector<16xf32>, vector<16xf32>, vector<16xf32>, vector<16xi32>, vector<16xi32>, vector<16xi32>, vector<16xi32>, vector<16xi32>, vector<16xi32>, vector<16xi32>, vector<16xi32>)  : i32 {
      %parallel_loop3A_884 = arith.constant 0 : i32
      %parallel_loop3A_885 = arith.addi %parallel_loop3A_867, %parallel_loop3A_884 : i32
      %parallel_loop3A_886 = vector.broadcast %parallel_loop3A_885 : i32 to vector<16xi32>
      %parallel_loop3A_887 = arith.constant 8 : i32
      %parallel_loop3A_888 = arith.muli %parallel_loop3A_867, %parallel_loop3A_887 : i32
      %parallel_loop3A_889 = arith.constant 0 : i32
      %parallel_loop3A_890 = arith.addi %parallel_loop3A_888, %parallel_loop3A_889 : i32
      %parallel_loop3A_891 = arith.constant 16 : i32
      %parallel_loop3A_892 = arith.muli %parallel_loop3A_890, %parallel_loop3A_891 : i32
      %parallel_loop3A_893 = arith.constant 2 : i32
      %parallel_loop3A_894 = arith.index_cast %parallel_loop3A_893 : i32 to index
      %parallel_loop3A_895 = arith.index_cast %parallel_loop3A_892 : i32 to index
      %parallel_loop3A_896 = tpu.vector_load %arg4[%parallel_loop3A_894, %parallel_loop3A_895] {strides = array<i32>} : memref<8x4096xf32, #tpu.memory_space<vmem>>, vector<16xf32>,
      %parallel_loop3A_897 = arith.cmpf olt, %parallel_loop3A_896, %parallel_loop3A_868 : vector<16xf32>
      %parallel_loop3A_898 = arith.select %parallel_loop3A_897, %parallel_loop3A_896, %parallel_loop3A_868 : vector<16xi1>, vector<16xf32>
      %parallel_loop3A_899 = arith.select %parallel_loop3A_897, %parallel_loop3A_886, %parallel_loop3A_876 : vector<16xi1>, vector<16xi32>
      %parallel_loop3A_900 = arith.constant 8 : i32
      %parallel_loop3A_901 = arith.muli %parallel_loop3A_867, %parallel_loop3A_900 : i32
      %parallel_loop3A_902 = arith.constant 1 : i32
      %parallel_loop3A_903 = arith.addi %parallel_loop3A_901, %parallel_loop3A_902 : i32
      %parallel_loop3A_904 = arith.constant 16 : i32
      %parallel_loop3A_905 = arith.muli %parallel_loop3A_903, %parallel_loop3A_904 : i32
      %parallel_loop3A_906 = arith.constant 2 : i32
      %parallel_loop3A_907 = arith.index_cast %parallel_loop3A_906 : i32 to index
      %parallel_loop3A_908 = arith.index_cast %parallel_loop3A_905 : i32 to index
      %parallel_loop3A_909 = tpu.vector_load %arg4[%parallel_loop3A_907, %parallel_loop3A_908] {strides = array<i32>} : memref<8x4096xf32, #tpu.memory_space<vmem>>, vector<16xf32>,
      %parallel_loop3A_910 = arith.cmpf olt, %parallel_loop3A_909, %parallel_loop3A_869 : vector<16xf32>
      %parallel_loop3A_911 = arith.select %parallel_loop3A_910, %parallel_loop3A_909, %parallel_loop3A_869 : vector<16xi1>, vector<16xf32>
      %parallel_loop3A_912 = arith.select %parallel_loop3A_910, %parallel_loop3A_886, %parallel_loop3A_877 : vector<16xi1>, vector<16xi32>
      %parallel_loop3A_913 = arith.constant 8 : i32
      %parallel_loop3A_914 = arith.muli %parallel_loop3A_867, %parallel_loop3A_913 : i32
      %parallel_loop3A_915 = arith.constant 2 : i32
      %parallel_loop3A_916 = arith.addi %parallel_loop3A_914, %parallel_loop3A_915 : i32
      %parallel_loop3A_917 = arith.constant 16 : i32
      %parallel_loop3A_918 = arith.muli %parallel_loop3A_916, %parallel_loop3A_917 : i32
      %parallel_loop3A_919 = arith.constant 2 : i32
      %parallel_loop3A_920 = arith.index_cast %parallel_loop3A_919 : i32 to index
      %parallel_loop3A_921 = arith.index_cast %parallel_loop3A_918 : i32 to index
      %parallel_loop3A_922 = tpu.vector_load %arg4[%parallel_loop3A_920, %parallel_loop3A_921] {strides = array<i32>} : memref<8x4096xf32, #tpu.memory_space<vmem>>, vector<16xf32>,
      %parallel_loop3A_923 = arith.cmpf olt, %parallel_loop3A_922, %parallel_loop3A_870 : vector<16xf32>
      %parallel_loop3A_924 = arith.select %parallel_loop3A_923, %parallel_loop3A_922, %parallel_loop3A_870 : vector<16xi1>, vector<16xf32>
      %parallel_loop3A_925 = arith.select %parallel_loop3A_923, %parallel_loop3A_886, %parallel_loop3A_878 : vector<16xi1>, vector<16xi32>
      %parallel_loop3A_926 = arith.constant 8 : i32
      %parallel_loop3A_927 = arith.muli %parallel_loop3A_867, %parallel_loop3A_926 : i32
      %parallel_loop3A_928 = arith.constant 3 : i32
      %parallel_loop3A_929 = arith.addi %parallel_loop3A_927, %parallel_loop3A_928 : i32
      %parallel_loop3A_930 = arith.constant 16 : i32
      %parallel_loop3A_931 = arith.muli %parallel_loop3A_929, %parallel_loop3A_930 : i32
      %parallel_loop3A_932 = arith.constant 2 : i32
      %parallel_loop3A_933 = arith.index_cast %parallel_loop3A_932 : i32 to index
      %parallel_loop3A_934 = arith.index_cast %parallel_loop3A_931 : i32 to index
      %parallel_loop3A_935 = tpu.vector_load %arg4[%parallel_loop3A_933, %parallel_loop3A_934] {strides = array<i32>} : memref<8x4096xf32, #tpu.memory_space<vmem>>, vector<16xf32>,
      %parallel_loop3A_936 = arith.cmpf olt, %parallel_loop3A_935, %parallel_loop3A_871 : vector<16xf32>
      %parallel_loop3A_937 = arith.select %parallel_loop3A_936, %parallel_loop3A_935, %parallel_loop3A_871 : vector<16xi1>, vector<16xf32>
      %parallel_loop3A_938 = arith.select %parallel_loop3A_936, %parallel_loop3A_886, %parallel_loop3A_879 : vector<16xi1>, vector<16xi32>
      %parallel_loop3A_939 = arith.constant 8 : i32
      %parallel_loop3A_940 = arith.muli %parallel_loop3A_867, %parallel_loop3A_939 : i32
      %parallel_loop3A_941 = arith.constant 4 : i32
      %parallel_loop3A_942 = arith.addi %parallel_loop3A_940, %parallel_loop3A_941 : i32
      %parallel_loop3A_943 = arith.constant 16 : i32
      %parallel_loop3A_944 = arith.muli %parallel_loop3A_942, %parallel_loop3A_943 : i32
      %parallel_loop3A_945 = arith.constant 2 : i32
      %parallel_loop3A_946 = arith.index_cast %parallel_loop3A_945 : i32 to index
      %parallel_loop3A_947 = arith.index_cast %parallel_loop3A_944 : i32 to index
      %parallel_loop3A_948 = tpu.vector_load %arg4[%parallel_loop3A_946, %parallel_loop3A_947] {strides = array<i32>} : memref<8x4096xf32, #tpu.memory_space<vmem>>, vector<16xf32>,
      %parallel_loop3A_949 = arith.cmpf olt, %parallel_loop3A_948, %parallel_loop3A_872 : vector<16xf32>
      %parallel_loop3A_950 = arith.select %parallel_loop3A_949, %parallel_loop3A_948, %parallel_loop3A_872 : vector<16xi1>, vector<16xf32>
      %parallel_loop3A_951 = arith.select %parallel_loop3A_949, %parallel_loop3A_886, %parallel_loop3A_880 : vector<16xi1>, vector<16xi32>
      %parallel_loop3A_952 = arith.constant 8 : i32
      %parallel_loop3A_953 = arith.muli %parallel_loop3A_867, %parallel_loop3A_952 : i32
      %parallel_loop3A_954 = arith.constant 5 : i32
      %parallel_loop3A_955 = arith.addi %parallel_loop3A_953, %parallel_loop3A_954 : i32
      %parallel_loop3A_956 = arith.constant 16 : i32
      %parallel_loop3A_957 = arith.muli %parallel_loop3A_955, %parallel_loop3A_956 : i32
      %parallel_loop3A_958 = arith.constant 2 : i32
      %parallel_loop3A_959 = arith.index_cast %parallel_loop3A_958 : i32 to index
      %parallel_loop3A_960 = arith.index_cast %parallel_loop3A_957 : i32 to index
      %parallel_loop3A_961 = tpu.vector_load %arg4[%parallel_loop3A_959, %parallel_loop3A_960] {strides = array<i32>} : memref<8x4096xf32, #tpu.memory_space<vmem>>, vector<16xf32>,
      %parallel_loop3A_962 = arith.cmpf olt, %parallel_loop3A_961, %parallel_loop3A_873 : vector<16xf32>
      %parallel_loop3A_963 = arith.select %parallel_loop3A_962, %parallel_loop3A_961, %parallel_loop3A_873 : vector<16xi1>, vector<16xf32>
      %parallel_loop3A_964 = arith.select %parallel_loop3A_962, %parallel_loop3A_886, %parallel_loop3A_881 : vector<16xi1>, vector<16xi32>
      %parallel_loop3A_965 = arith.constant 8 : i32
      %parallel_loop3A_966 = arith.muli %parallel_loop3A_867, %parallel_loop3A_965 : i32
      %parallel_loop3A_967 = arith.constant 6 : i32
      %parallel_loop3A_968 = arith.addi %parallel_loop3A_966, %parallel_loop3A_967 : i32
      %parallel_loop3A_969 = arith.constant 16 : i32
      %parallel_loop3A_970 = arith.muli %parallel_loop3A_968, %parallel_loop3A_969 : i32
      %parallel_loop3A_971 = arith.constant 2 : i32
      %parallel_loop3A_972 = arith.index_cast %parallel_loop3A_971 : i32 to index
      %parallel_loop3A_973 = arith.index_cast %parallel_loop3A_970 : i32 to index
      %parallel_loop3A_974 = tpu.vector_load %arg4[%parallel_loop3A_972, %parallel_loop3A_973] {strides = array<i32>} : memref<8x4096xf32, #tpu.memory_space<vmem>>, vector<16xf32>,
      %parallel_loop3A_975 = arith.cmpf olt, %parallel_loop3A_974, %parallel_loop3A_874 : vector<16xf32>
      %parallel_loop3A_976 = arith.select %parallel_loop3A_975, %parallel_loop3A_974, %parallel_loop3A_874 : vector<16xi1>, vector<16xf32>
      %parallel_loop3A_977 = arith.select %parallel_loop3A_975, %parallel_loop3A_886, %parallel_loop3A_882 : vector<16xi1>, vector<16xi32>
      %parallel_loop3A_978 = arith.constant 8 : i32
      %parallel_loop3A_979 = arith.muli %parallel_loop3A_867, %parallel_loop3A_978 : i32
      %parallel_loop3A_980 = arith.constant 7 : i32
      %parallel_loop3A_981 = arith.addi %parallel_loop3A_979, %parallel_loop3A_980 : i32
      %parallel_loop3A_982 = arith.constant 16 : i32
      %parallel_loop3A_983 = arith.muli %parallel_loop3A_981, %parallel_loop3A_982 : i32
      %parallel_loop3A_984 = arith.constant 2 : i32
      %parallel_loop3A_985 = arith.index_cast %parallel_loop3A_984 : i32 to index
      %parallel_loop3A_986 = arith.index_cast %parallel_loop3A_983 : i32 to index
      %parallel_loop3A_987 = tpu.vector_load %arg4[%parallel_loop3A_985, %parallel_loop3A_986] {strides = array<i32>} : memref<8x4096xf32, #tpu.memory_space<vmem>>, vector<16xf32>,
      %parallel_loop3A_988 = arith.cmpf olt, %parallel_loop3A_987, %parallel_loop3A_875 : vector<16xf32>
      %parallel_loop3A_989 = arith.select %parallel_loop3A_988, %parallel_loop3A_987, %parallel_loop3A_875 : vector<16xi1>, vector<16xf32>
      %parallel_loop3A_990 = arith.select %parallel_loop3A_988, %parallel_loop3A_886, %parallel_loop3A_883 : vector<16xi1>, vector<16xi32>
      scf.yield %parallel_loop3A_898, %parallel_loop3A_911, %parallel_loop3A_924, %parallel_loop3A_937, %parallel_loop3A_950, %parallel_loop3A_963, %parallel_loop3A_976, %parallel_loop3A_989, %parallel_loop3A_899, %parallel_loop3A_912, %parallel_loop3A_925, %parallel_loop3A_938, %parallel_loop3A_951, %parallel_loop3A_964, %parallel_loop3A_977, %parallel_loop3A_990 : vector<16xf32>, vector<16xf32>, vector<16xf32>, vector<16xf32>, vector<16xf32>, vector<16xf32>, vector<16xf32>, vector<16xf32>, vector<16xi32>, vector<16xi32>, vector<16xi32>, vector<16xi32>, vector<16xi32>, vector<16xi32>, vector<16xi32>, vector<16xi32>
    } {sc.loop_unroll_factor = 2 : i64, sc.parallel_access}
    %dma_wait3A_321 = arith.constant 3 : i32
    %dma_wait3A_322 = arith.constant 0 : i32
    %dma_wait3A_323 = tpu.memref_slice %arg4[%dma_wait3A_321, %dma_wait3A_322] : memref<8x4096xf32, #tpu.memory_space<vmem>> -> memref<1x4096xf32, #tpu.memory_space<vmem>>
    %dma_wait3A_324 = tpu.memref_squeeze %dma_wait3A_323 : memref<1x4096xf32, #tpu.memory_space<vmem>> -> memref<4096xf32, #tpu.memory_space<vmem>>
    %dma_wait3A_325 = arith.constant 4096 : i32
    %dma_wait3A_326 = tpu.memref_slice %arg2[%add3A_48, %dma_wait3A_325] : memref<128x8192xf32, #tpu.memory_space<hbm>> -> memref<1x4096xf32, #tpu.memory_space<hbm>>
    %dma_wait3A_327 = tpu.memref_squeeze %dma_wait3A_326 : memref<1x4096xf32, #tpu.memory_space<hbm>> -> memref<4096xf32, #tpu.memory_space<hbm>>
    %dma_wait3A_328 = arith.constant 0 : i32
    %dma_wait3A_329 = tpu.memref_slice %arg4[%dma_wait3A_321, %dma_wait3A_328] : memref<8x4096xf32, #tpu.memory_space<vmem>> -> memref<1x4096xf32, #tpu.memory_space<vmem>>
    %dma_wait3A_330 = tpu.memref_squeeze %dma_wait3A_329 : memref<1x4096xf32, #tpu.memory_space<vmem>> -> memref<4096xf32, #tpu.memory_space<vmem>>
    %dma_wait3A_331 = arith.constant 4096 : i32
    %dma_wait3A_332 = tpu.memref_slice %arg2[%add3A_48, %dma_wait3A_331] : memref<128x8192xf32, #tpu.memory_space<hbm>> -> memref<1x4096xf32, #tpu.memory_space<hbm>>
    %dma_wait3A_333 = tpu.memref_squeeze %dma_wait3A_332 : memref<1x4096xf32, #tpu.memory_space<hbm>> -> memref<4096xf32, #tpu.memory_space<hbm>>
    tpu.wait_dma2 semaphore(%arg9 : memref<!tpu.dma_semaphore, #tpu.memory_space<semaphore_mem>>) src(%dma_wait3A_333 : memref<4096xf32, #tpu.memory_space<hbm>>) dst(%dma_wait3A_330 : memref<4096xf32, #tpu.memory_space<vmem>>)
    %parallel_loop3A_334 = arith.constant 0 : i32
    %parallel_loop3A_335 = arith.constant 32 : i32
    %parallel_loop3A_336 = arith.constant 1 : i32
    %parallel_loop3A_337:16 = scf.for %parallel_loop3A_867 = %parallel_loop3A_334 to %parallel_loop3A_335 step %parallel_loop3A_336 iter_args(%parallel_loop3A_868 = %parallel_loop3A_320#0, %parallel_loop3A_869 = %parallel_loop3A_320#1, %parallel_loop3A_870 = %parallel_loop3A_320#2, %parallel_loop3A_871 = %parallel_loop3A_320#3, %parallel_loop3A_872 = %parallel_loop3A_320#4, %parallel_loop3A_873 = %parallel_loop3A_320#5, %parallel_loop3A_874 = %parallel_loop3A_320#6, %parallel_loop3A_875 = %parallel_loop3A_320#7, %parallel_loop3A_876 = %parallel_loop3A_320#8, %parallel_loop3A_877 = %parallel_loop3A_320#9, %parallel_loop3A_878 = %parallel_loop3A_320#10, %parallel_loop3A_879 = %parallel_loop3A_320#11, %parallel_loop3A_880 = %parallel_loop3A_320#12, %parallel_loop3A_881 = %parallel_loop3A_320#13, %parallel_loop3A_882 = %parallel_loop3A_320#14, %parallel_loop3A_883 = %parallel_loop3A_320#15) -> (vector<16xf32>, vector<16xf32>, vector<16xf32>, vector<16xf32>, vector<16xf32>, vector<16xf32>, vector<16xf32>, vector<16xf32>, vector<16xi32>, vector<16xi32>, vector<16xi32>, vector<16xi32>, vector<16xi32>, vector<16xi32>, vector<16xi32>, vector<16xi32>)  : i32 {
      %parallel_loop3A_884 = arith.constant 32 : i32
      %parallel_loop3A_885 = arith.addi %parallel_loop3A_867, %parallel_loop3A_884 : i32
      %parallel_loop3A_886 = vector.broadcast %parallel_loop3A_885 : i32 to vector<16xi32>
      %parallel_loop3A_887 = arith.constant 8 : i32
      %parallel_loop3A_888 = arith.muli %parallel_loop3A_867, %parallel_loop3A_887 : i32
      %parallel_loop3A_889 = arith.constant 0 : i32
      %parallel_loop3A_890 = arith.addi %parallel_loop3A_888, %parallel_loop3A_889 : i32
      %parallel_loop3A_891 = arith.constant 16 : i32
      %parallel_loop3A_892 = arith.muli %parallel_loop3A_890, %parallel_loop3A_891 : i32
      %parallel_loop3A_893 = arith.constant 3 : i32
      %parallel_loop3A_894 = arith.index_cast %parallel_loop3A_893 : i32 to index
      %parallel_loop3A_895 = arith.index_cast %parallel_loop3A_892 : i32 to index
      %parallel_loop3A_896 = tpu.vector_load %arg4[%parallel_loop3A_894, %parallel_loop3A_895] {strides = array<i32>} : memref<8x4096xf32, #tpu.memory_space<vmem>>, vector<16xf32>,
      %parallel_loop3A_897 = arith.cmpf olt, %parallel_loop3A_896, %parallel_loop3A_868 : vector<16xf32>
      %parallel_loop3A_898 = arith.select %parallel_loop3A_897, %parallel_loop3A_896, %parallel_loop3A_868 : vector<16xi1>, vector<16xf32>
      %parallel_loop3A_899 = arith.select %parallel_loop3A_897, %parallel_loop3A_886, %parallel_loop3A_876 : vector<16xi1>, vector<16xi32>
      %parallel_loop3A_900 = arith.constant 8 : i32
      %parallel_loop3A_901 = arith.muli %parallel_loop3A_867, %parallel_loop3A_900 : i32
      %parallel_loop3A_902 = arith.constant 1 : i32
      %parallel_loop3A_903 = arith.addi %parallel_loop3A_901, %parallel_loop3A_902 : i32
      %parallel_loop3A_904 = arith.constant 16 : i32
      %parallel_loop3A_905 = arith.muli %parallel_loop3A_903, %parallel_loop3A_904 : i32
      %parallel_loop3A_906 = arith.constant 3 : i32
      %parallel_loop3A_907 = arith.index_cast %parallel_loop3A_906 : i32 to index
      %parallel_loop3A_908 = arith.index_cast %parallel_loop3A_905 : i32 to index
      %parallel_loop3A_909 = tpu.vector_load %arg4[%parallel_loop3A_907, %parallel_loop3A_908] {strides = array<i32>} : memref<8x4096xf32, #tpu.memory_space<vmem>>, vector<16xf32>,
      %parallel_loop3A_910 = arith.cmpf olt, %parallel_loop3A_909, %parallel_loop3A_869 : vector<16xf32>
      %parallel_loop3A_911 = arith.select %parallel_loop3A_910, %parallel_loop3A_909, %parallel_loop3A_869 : vector<16xi1>, vector<16xf32>
      %parallel_loop3A_912 = arith.select %parallel_loop3A_910, %parallel_loop3A_886, %parallel_loop3A_877 : vector<16xi1>, vector<16xi32>
      %parallel_loop3A_913 = arith.constant 8 : i32
      %parallel_loop3A_914 = arith.muli %parallel_loop3A_867, %parallel_loop3A_913 : i32
      %parallel_loop3A_915 = arith.constant 2 : i32
      %parallel_loop3A_916 = arith.addi %parallel_loop3A_914, %parallel_loop3A_915 : i32
      %parallel_loop3A_917 = arith.constant 16 : i32
      %parallel_loop3A_918 = arith.muli %parallel_loop3A_916, %parallel_loop3A_917 : i32
      %parallel_loop3A_919 = arith.constant 3 : i32
      %parallel_loop3A_920 = arith.index_cast %parallel_loop3A_919 : i32 to index
      %parallel_loop3A_921 = arith.index_cast %parallel_loop3A_918 : i32 to index
      %parallel_loop3A_922 = tpu.vector_load %arg4[%parallel_loop3A_920, %parallel_loop3A_921] {strides = array<i32>} : memref<8x4096xf32, #tpu.memory_space<vmem>>, vector<16xf32>,
      %parallel_loop3A_923 = arith.cmpf olt, %parallel_loop3A_922, %parallel_loop3A_870 : vector<16xf32>
      %parallel_loop3A_924 = arith.select %parallel_loop3A_923, %parallel_loop3A_922, %parallel_loop3A_870 : vector<16xi1>, vector<16xf32>
      %parallel_loop3A_925 = arith.select %parallel_loop3A_923, %parallel_loop3A_886, %parallel_loop3A_878 : vector<16xi1>, vector<16xi32>
      %parallel_loop3A_926 = arith.constant 8 : i32
      %parallel_loop3A_927 = arith.muli %parallel_loop3A_867, %parallel_loop3A_926 : i32
      %parallel_loop3A_928 = arith.constant 3 : i32
      %parallel_loop3A_929 = arith.addi %parallel_loop3A_927, %parallel_loop3A_928 : i32
      %parallel_loop3A_930 = arith.constant 16 : i32
      %parallel_loop3A_931 = arith.muli %parallel_loop3A_929, %parallel_loop3A_930 : i32
      %parallel_loop3A_932 = arith.constant 3 : i32
      %parallel_loop3A_933 = arith.index_cast %parallel_loop3A_932 : i32 to index
      %parallel_loop3A_934 = arith.index_cast %parallel_loop3A_931 : i32 to index
      %parallel_loop3A_935 = tpu.vector_load %arg4[%parallel_loop3A_933, %parallel_loop3A_934] {strides = array<i32>} : memref<8x4096xf32, #tpu.memory_space<vmem>>, vector<16xf32>,
      %parallel_loop3A_936 = arith.cmpf olt, %parallel_loop3A_935, %parallel_loop3A_871 : vector<16xf32>
      %parallel_loop3A_937 = arith.select %parallel_loop3A_936, %parallel_loop3A_935, %parallel_loop3A_871 : vector<16xi1>, vector<16xf32>
      %parallel_loop3A_938 = arith.select %parallel_loop3A_936, %parallel_loop3A_886, %parallel_loop3A_879 : vector<16xi1>, vector<16xi32>
      %parallel_loop3A_939 = arith.constant 8 : i32
      %parallel_loop3A_940 = arith.muli %parallel_loop3A_867, %parallel_loop3A_939 : i32
      %parallel_loop3A_941 = arith.constant 4 : i32
      %parallel_loop3A_942 = arith.addi %parallel_loop3A_940, %parallel_loop3A_941 : i32
      %parallel_loop3A_943 = arith.constant 16 : i32
      %parallel_loop3A_944 = arith.muli %parallel_loop3A_942, %parallel_loop3A_943 : i32
      %parallel_loop3A_945 = arith.constant 3 : i32
      %parallel_loop3A_946 = arith.index_cast %parallel_loop3A_945 : i32 to index
      %parallel_loop3A_947 = arith.index_cast %parallel_loop3A_944 : i32 to index
      %parallel_loop3A_948 = tpu.vector_load %arg4[%parallel_loop3A_946, %parallel_loop3A_947] {strides = array<i32>} : memref<8x4096xf32, #tpu.memory_space<vmem>>, vector<16xf32>,
      %parallel_loop3A_949 = arith.cmpf olt, %parallel_loop3A_948, %parallel_loop3A_872 : vector<16xf32>
      %parallel_loop3A_950 = arith.select %parallel_loop3A_949, %parallel_loop3A_948, %parallel_loop3A_872 : vector<16xi1>, vector<16xf32>
      %parallel_loop3A_951 = arith.select %parallel_loop3A_949, %parallel_loop3A_886, %parallel_loop3A_880 : vector<16xi1>, vector<16xi32>
      %parallel_loop3A_952 = arith.constant 8 : i32
      %parallel_loop3A_953 = arith.muli %parallel_loop3A_867, %parallel_loop3A_952 : i32
      %parallel_loop3A_954 = arith.constant 5 : i32
      %parallel_loop3A_955 = arith.addi %parallel_loop3A_953, %parallel_loop3A_954 : i32
      %parallel_loop3A_956 = arith.constant 16 : i32
      %parallel_loop3A_957 = arith.muli %parallel_loop3A_955, %parallel_loop3A_956 : i32
      %parallel_loop3A_958 = arith.constant 3 : i32
      %parallel_loop3A_959 = arith.index_cast %parallel_loop3A_958 : i32 to index
      %parallel_loop3A_960 = arith.index_cast %parallel_loop3A_957 : i32 to index
      %parallel_loop3A_961 = tpu.vector_load %arg4[%parallel_loop3A_959, %parallel_loop3A_960] {strides = array<i32>} : memref<8x4096xf32, #tpu.memory_space<vmem>>, vector<16xf32>,
      %parallel_loop3A_962 = arith.cmpf olt, %parallel_loop3A_961, %parallel_loop3A_873 : vector<16xf32>
      %parallel_loop3A_963 = arith.select %parallel_loop3A_962, %parallel_loop3A_961, %parallel_loop3A_873 : vector<16xi1>, vector<16xf32>
      %parallel_loop3A_964 = arith.select %parallel_loop3A_962, %parallel_loop3A_886, %parallel_loop3A_881 : vector<16xi1>, vector<16xi32>
      %parallel_loop3A_965 = arith.constant 8 : i32
      %parallel_loop3A_966 = arith.muli %parallel_loop3A_867, %parallel_loop3A_965 : i32
      %parallel_loop3A_967 = arith.constant 6 : i32
      %parallel_loop3A_968 = arith.addi %parallel_loop3A_966, %parallel_loop3A_967 : i32
      %parallel_loop3A_969 = arith.constant 16 : i32
      %parallel_loop3A_970 = arith.muli %parallel_loop3A_968, %parallel_loop3A_969 : i32
      %parallel_loop3A_971 = arith.constant 3 : i32
      %parallel_loop3A_972 = arith.index_cast %parallel_loop3A_971 : i32 to index
      %parallel_loop3A_973 = arith.index_cast %parallel_loop3A_970 : i32 to index
      %parallel_loop3A_974 = tpu.vector_load %arg4[%parallel_loop3A_972, %parallel_loop3A_973] {strides = array<i32>} : memref<8x4096xf32, #tpu.memory_space<vmem>>, vector<16xf32>,
      %parallel_loop3A_975 = arith.cmpf olt, %parallel_loop3A_974, %parallel_loop3A_874 : vector<16xf32>
      %parallel_loop3A_976 = arith.select %parallel_loop3A_975, %parallel_loop3A_974, %parallel_loop3A_874 : vector<16xi1>, vector<16xf32>
      %parallel_loop3A_977 = arith.select %parallel_loop3A_975, %parallel_loop3A_886, %parallel_loop3A_882 : vector<16xi1>, vector<16xi32>
      %parallel_loop3A_978 = arith.constant 8 : i32
      %parallel_loop3A_979 = arith.muli %parallel_loop3A_867, %parallel_loop3A_978 : i32
      %parallel_loop3A_980 = arith.constant 7 : i32
      %parallel_loop3A_981 = arith.addi %parallel_loop3A_979, %parallel_loop3A_980 : i32
      %parallel_loop3A_982 = arith.constant 16 : i32
      %parallel_loop3A_983 = arith.muli %parallel_loop3A_981, %parallel_loop3A_982 : i32
      %parallel_loop3A_984 = arith.constant 3 : i32
      %parallel_loop3A_985 = arith.index_cast %parallel_loop3A_984 : i32 to index
      %parallel_loop3A_986 = arith.index_cast %parallel_loop3A_983 : i32 to index
      %parallel_loop3A_987 = tpu.vector_load %arg4[%parallel_loop3A_985, %parallel_loop3A_986] {strides = array<i32>} : memref<8x4096xf32, #tpu.memory_space<vmem>>, vector<16xf32>,
      %parallel_loop3A_988 = arith.cmpf olt, %parallel_loop3A_987, %parallel_loop3A_875 : vector<16xf32>
      %parallel_loop3A_989 = arith.select %parallel_loop3A_988, %parallel_loop3A_987, %parallel_loop3A_875 : vector<16xi1>, vector<16xf32>
      %parallel_loop3A_990 = arith.select %parallel_loop3A_988, %parallel_loop3A_886, %parallel_loop3A_883 : vector<16xi1>, vector<16xi32>
      scf.yield %parallel_loop3A_898, %parallel_loop3A_911, %parallel_loop3A_924, %parallel_loop3A_937, %parallel_loop3A_950, %parallel_loop3A_963, %parallel_loop3A_976, %parallel_loop3A_989, %parallel_loop3A_899, %parallel_loop3A_912, %parallel_loop3A_925, %parallel_loop3A_938, %parallel_loop3A_951, %parallel_loop3A_964, %parallel_loop3A_977, %parallel_loop3A_990 : vector<16xf32>, vector<16xf32>, vector<16xf32>, vector<16xf32>, vector<16xf32>, vector<16xf32>, vector<16xf32>, vector<16xf32>, vector<16xi32>, vector<16xi32>, vector<16xi32>, vector<16xi32>, vector<16xi32>, vector<16xi32>, vector<16xi32>, vector<16xi32>
    } {sc.loop_unroll_factor = 2 : i64, sc.parallel_access}
    %mul3A_338 = arith.constant 8 : i32
    %mul3A_339 = vector.broadcast %mul3A_338 : i32 to vector<16xi32>
    %mul3A_340 = arith.muli %parallel_loop3A_337#8, %mul3A_339 : vector<16xi32>
    %add3A_341 = arith.constant 0 : i32
    %add3A_342 = vector.broadcast %add3A_341 : i32 to vector<16xi32>
    %add3A_343 = arith.addi %mul3A_340, %add3A_342 : vector<16xi32>
    %mul3A_344 = arith.constant 16 : i32
    %mul3A_345 = vector.broadcast %mul3A_344 : i32 to vector<16xi32>
    %mul3A_346 = arith.muli %add3A_343, %mul3A_345 : vector<16xi32>
    %add3A_347 = arith.addi %mul3A_346, %iota3A : vector<16xi32>
    %mul3A_348 = arith.constant 8 : i32
    %mul3A_349 = vector.broadcast %mul3A_348 : i32 to vector<16xi32>
    %mul3A_350 = arith.muli %parallel_loop3A_337#9, %mul3A_349 : vector<16xi32>
    %add3A_351 = arith.constant 1 : i32
    %add3A_352 = vector.broadcast %add3A_351 : i32 to vector<16xi32>
    %add3A_353 = arith.addi %mul3A_350, %add3A_352 : vector<16xi32>
    %mul3A_354 = arith.constant 16 : i32
    %mul3A_355 = vector.broadcast %mul3A_354 : i32 to vector<16xi32>
    %mul3A_356 = arith.muli %add3A_353, %mul3A_355 : vector<16xi32>
    %add3A_357 = arith.addi %mul3A_356, %iota3A : vector<16xi32>
    %mul3A_358 = arith.constant 8 : i32
    %mul3A_359 = vector.broadcast %mul3A_358 : i32 to vector<16xi32>
    %mul3A_360 = arith.muli %parallel_loop3A_337#10, %mul3A_359 : vector<16xi32>
    %add3A_361 = arith.constant 2 : i32
    %add3A_362 = vector.broadcast %add3A_361 : i32 to vector<16xi32>
    %add3A_363 = arith.addi %mul3A_360, %add3A_362 : vector<16xi32>
    %mul3A_364 = arith.constant 16 : i32
    %mul3A_365 = vector.broadcast %mul3A_364 : i32 to vector<16xi32>
    %mul3A_366 = arith.muli %add3A_363, %mul3A_365 : vector<16xi32>
    %add3A_367 = arith.addi %mul3A_366, %iota3A : vector<16xi32>
    %mul3A_368 = arith.constant 8 : i32
    %mul3A_369 = vector.broadcast %mul3A_368 : i32 to vector<16xi32>
    %mul3A_370 = arith.muli %parallel_loop3A_337#11, %mul3A_369 : vector<16xi32>
    %add3A_371 = arith.constant 3 : i32
    %add3A_372 = vector.broadcast %add3A_371 : i32 to vector<16xi32>
    %add3A_373 = arith.addi %mul3A_370, %add3A_372 : vector<16xi32>
    %mul3A_374 = arith.constant 16 : i32
    %mul3A_375 = vector.broadcast %mul3A_374 : i32 to vector<16xi32>
    %mul3A_376 = arith.muli %add3A_373, %mul3A_375 : vector<16xi32>
    %add3A_377 = arith.addi %mul3A_376, %iota3A : vector<16xi32>
    %mul3A_378 = arith.constant 8 : i32
    %mul3A_379 = vector.broadcast %mul3A_378 : i32 to vector<16xi32>
    %mul3A_380 = arith.muli %parallel_loop3A_337#12, %mul3A_379 : vector<16xi32>
    %add3A_381 = arith.constant 4 : i32
    %add3A_382 = vector.broadcast %add3A_381 : i32 to vector<16xi32>
    %add3A_383 = arith.addi %mul3A_380, %add3A_382 : vector<16xi32>
    %mul3A_384 = arith.constant 16 : i32
    %mul3A_385 = vector.broadcast %mul3A_384 : i32 to vector<16xi32>
    %mul3A_386 = arith.muli %add3A_383, %mul3A_385 : vector<16xi32>
    %add3A_387 = arith.addi %mul3A_386, %iota3A : vector<16xi32>
    %mul3A_388 = arith.constant 8 : i32
    %mul3A_389 = vector.broadcast %mul3A_388 : i32 to vector<16xi32>
    %mul3A_390 = arith.muli %parallel_loop3A_337#13, %mul3A_389 : vector<16xi32>
    %add3A_391 = arith.constant 5 : i32
    %add3A_392 = vector.broadcast %add3A_391 : i32 to vector<16xi32>
    %add3A_393 = arith.addi %mul3A_390, %add3A_392 : vector<16xi32>
    %mul3A_394 = arith.constant 16 : i32
    %mul3A_395 = vector.broadcast %mul3A_394 : i32 to vector<16xi32>
    %mul3A_396 = arith.muli %add3A_393, %mul3A_395 : vector<16xi32>
    %add3A_397 = arith.addi %mul3A_396, %iota3A : vector<16xi32>
    %mul3A_398 = arith.constant 8 : i32
    %mul3A_399 = vector.broadcast %mul3A_398 : i32 to vector<16xi32>
    %mul3A_400 = arith.muli %parallel_loop3A_337#14, %mul3A_399 : vector<16xi32>
    %add3A_401 = arith.constant 6 : i32
    %add3A_402 = vector.broadcast %add3A_401 : i32 to vector<16xi32>
    %add3A_403 = arith.addi %mul3A_400, %add3A_402 : vector<16xi32>
    %mul3A_404 = arith.constant 16 : i32
    %mul3A_405 = vector.broadcast %mul3A_404 : i32 to vector<16xi32>
    %mul3A_406 = arith.muli %add3A_403, %mul3A_405 : vector<16xi32>
    %add3A_407 = arith.addi %mul3A_406, %iota3A : vector<16xi32>
    %mul3A_408 = arith.constant 8 : i32
    %mul3A_409 = vector.broadcast %mul3A_408 : i32 to vector<16xi32>
    %mul3A_410 = arith.muli %parallel_loop3A_337#15, %mul3A_409 : vector<16xi32>
    %add3A_411 = arith.constant 7 : i32
    %add3A_412 = vector.broadcast %add3A_411 : i32 to vector<16xi32>
    %add3A_413 = arith.addi %mul3A_410, %add3A_412 : vector<16xi32>
    %mul3A_414 = arith.constant 16 : i32
    %mul3A_415 = vector.broadcast %mul3A_414 : i32 to vector<16xi32>
    %mul3A_416 = arith.muli %add3A_413, %mul3A_415 : vector<16xi32>
    %add3A_417 = arith.addi %mul3A_416, %iota3A : vector<16xi32>
    %lt3A_418 = arith.cmpf olt, %parallel_loop3A_337#1, %parallel_loop3A_337#0 : vector<16xf32>
    %eq3A_419 = arith.cmpf oeq, %parallel_loop3A_337#1, %parallel_loop3A_337#0 : vector<16xf32>
    %lt3A_420 = arith.cmpi slt, %add3A_357, %add3A_347 : vector<16xi32>
    %and3A_421 = arith.andi %eq3A_419, %lt3A_420 : vector<16xi1>
    %or3A_422 = arith.ori %lt3A_418, %and3A_421 : vector<16xi1>
    %select_n3A_423 = arith.select %or3A_422, %parallel_loop3A_337#1, %parallel_loop3A_337#0 : vector<16xi1>, vector<16xf32>
    %select_n3A_424 = arith.select %or3A_422, %add3A_357, %add3A_347 : vector<16xi1>, vector<16xi32>
    %lt3A_425 = arith.cmpf olt, %parallel_loop3A_337#3, %parallel_loop3A_337#2 : vector<16xf32>
    %eq3A_426 = arith.cmpf oeq, %parallel_loop3A_337#3, %parallel_loop3A_337#2 : vector<16xf32>
    %lt3A_427 = arith.cmpi slt, %add3A_377, %add3A_367 : vector<16xi32>
    %and3A_428 = arith.andi %eq3A_426, %lt3A_427 : vector<16xi1>
    %or3A_429 = arith.ori %lt3A_425, %and3A_428 : vector<16xi1>
    %select_n3A_430 = arith.select %or3A_429, %parallel_loop3A_337#3, %parallel_loop3A_337#2 : vector<16xi1>, vector<16xf32>
    %select_n3A_431 = arith.select %or3A_429, %add3A_377, %add3A_367 : vector<16xi1>, vector<16xi32>
    %lt3A_432 = arith.cmpf olt, %parallel_loop3A_337#5, %parallel_loop3A_337#4 : vector<16xf32>
    %eq3A_433 = arith.cmpf oeq, %parallel_loop3A_337#5, %parallel_loop3A_337#4 : vector<16xf32>
    %lt3A_434 = arith.cmpi slt, %add3A_397, %add3A_387 : vector<16xi32>
    %and3A_435 = arith.andi %eq3A_433, %lt3A_434 : vector<16xi1>
    %or3A_436 = arith.ori %lt3A_432, %and3A_435 : vector<16xi1>
    %select_n3A_437 = arith.select %or3A_436, %parallel_loop3A_337#5, %parallel_loop3A_337#4 : vector<16xi1>, vector<16xf32>
    %select_n3A_438 = arith.select %or3A_436, %add3A_397, %add3A_387 : vector<16xi1>, vector<16xi32>
    %lt3A_439 = arith.cmpf olt, %parallel_loop3A_337#7, %parallel_loop3A_337#6 : vector<16xf32>
    %eq3A_440 = arith.cmpf oeq, %parallel_loop3A_337#7, %parallel_loop3A_337#6 : vector<16xf32>
    %lt3A_441 = arith.cmpi slt, %add3A_417, %add3A_407 : vector<16xi32>
    %and3A_442 = arith.andi %eq3A_440, %lt3A_441 : vector<16xi1>
    %or3A_443 = arith.ori %lt3A_439, %and3A_442 : vector<16xi1>
    %select_n3A_444 = arith.select %or3A_443, %parallel_loop3A_337#7, %parallel_loop3A_337#6 : vector<16xi1>, vector<16xf32>
    %select_n3A_445 = arith.select %or3A_443, %add3A_417, %add3A_407 : vector<16xi1>, vector<16xi32>
    %lt3A_446 = arith.cmpf olt, %select_n3A_430, %select_n3A_423 : vector<16xf32>
    %eq3A_447 = arith.cmpf oeq, %select_n3A_430, %select_n3A_423 : vector<16xf32>
    %lt3A_448 = arith.cmpi slt, %select_n3A_431, %select_n3A_424 : vector<16xi32>
    %and3A_449 = arith.andi %eq3A_447, %lt3A_448 : vector<16xi1>
    %or3A_450 = arith.ori %lt3A_446, %and3A_449 : vector<16xi1>
    %select_n3A_451 = arith.select %or3A_450, %select_n3A_430, %select_n3A_423 : vector<16xi1>, vector<16xf32>
    %select_n3A_452 = arith.select %or3A_450, %select_n3A_431, %select_n3A_424 : vector<16xi1>, vector<16xi32>
    %lt3A_453 = arith.cmpf olt, %select_n3A_444, %select_n3A_437 : vector<16xf32>
    %eq3A_454 = arith.cmpf oeq, %select_n3A_444, %select_n3A_437 : vector<16xf32>
    %lt3A_455 = arith.cmpi slt, %select_n3A_445, %select_n3A_438 : vector<16xi32>
    %and3A_456 = arith.andi %eq3A_454, %lt3A_455 : vector<16xi1>
    %or3A_457 = arith.ori %lt3A_453, %and3A_456 : vector<16xi1>
    %select_n3A_458 = arith.select %or3A_457, %select_n3A_444, %select_n3A_437 : vector<16xi1>, vector<16xf32>
    %select_n3A_459 = arith.select %or3A_457, %select_n3A_445, %select_n3A_438 : vector<16xi1>, vector<16xi32>
    %lt3A_460 = arith.cmpf olt, %select_n3A_458, %select_n3A_451 : vector<16xf32>
    %eq3A_461 = arith.cmpf oeq, %select_n3A_458, %select_n3A_451 : vector<16xf32>
    %lt3A_462 = arith.cmpi slt, %select_n3A_459, %select_n3A_452 : vector<16xi32>
    %and3A_463 = arith.andi %eq3A_461, %lt3A_462 : vector<16xi1>
    %or3A_464 = arith.ori %lt3A_460, %and3A_463 : vector<16xi1>
    %select_n3A_465 = arith.select %or3A_464, %select_n3A_458, %select_n3A_451 : vector<16xi1>, vector<16xf32>
    %select_n3A_466 = arith.select %or3A_464, %select_n3A_459, %select_n3A_452 : vector<16xi1>, vector<16xi32>
    %reduce_min3A_467 = arith.constant true
    %reduce_min3A_468 = vector.broadcast %reduce_min3A_467 : i1 to vector<16xi1>
    %reduce_min3A_469 = tpu.scan <min>, %select_n3A_465 masked %reduce_min3A_468 : vector<16xf32>, vector<16xi1> -> vector<16xf32>
    %reduce_min3A_470 = vector.extract %reduce_min3A_469[15] : f32 from vector<16xf32>
    %eq3A_471 = vector.broadcast %reduce_min3A_470 : f32 to vector<16xf32>
    %eq3A_472 = arith.cmpf oeq, %select_n3A_465, %eq3A_471 : vector<16xf32>
    %jit3A_473 = arith.constant 2147483647 : i32
    %broadcast_in_dim3A_474 = vector.broadcast %jit3A_473 : i32 to vector<16xi32>
    %select_n3A_475 = arith.select %eq3A_472, %select_n3A_466, %broadcast_in_dim3A_474 : vector<16xi1>, vector<16xi32>
    %reduce_min3A_476 = arith.constant true
    %reduce_min3A_477 = vector.broadcast %reduce_min3A_476 : i1 to vector<16xi1>
    %reduce_min3A_478 = arith.constant -2147483648 : i32
    %reduce_min3A_479 = vector.broadcast %reduce_min3A_478 : i32 to vector<16xi32>
    %reduce_min3A_480 = arith.xori %select_n3A_475, %reduce_min3A_479 : vector<16xi32>
    %reduce_min3A_481 = tpu.scan <min>, %reduce_min3A_480 masked %reduce_min3A_477 : vector<16xi32>, vector<16xi1> -> vector<16xi32>
    %reduce_min3A_482 = arith.xori %reduce_min3A_481, %reduce_min3A_479 : vector<16xi32>
    %reduce_min3A_483 = vector.extract %reduce_min3A_482[15] : i32 from vector<16xi32>
    %broadcast_in_dim3A_484 = vector.broadcast %reduce_min3A_483 : i32 to vector<16xi32>
    %swap3A_485 = arith.constant 1 : i32
    %swap3A_486 = arith.index_cast %swap3A_485 : i32 to index
    %swap3A_487 = arith.constant 0 : index
    %swap3A_488 = tpu.vector_load %arg5[%swap3A_486, %swap3A_487] {strides = array<i32>} : memref<4x16xi32, #tpu.memory_space<vmem>>, vector<16xi32>,
    tpu.vector_store %arg5[%swap3A_486, %swap3A_487], %broadcast_in_dim3A_484 {strides = array<i32>} : memref<4x16xi32, #tpu.memory_space<vmem>>, vector<16xi32>,
    %broadcast_in_dim3A_489 = arith.constant 0x7F800000 : f32
    %broadcast_in_dim3A_490 = vector.broadcast %broadcast_in_dim3A_489 : f32 to vector<16xf32>
    %broadcast_in_dim3A_491 = arith.constant 0 : i32
    %broadcast_in_dim3A_492 = vector.broadcast %broadcast_in_dim3A_491 : i32 to vector<16xi32>
    %dma_wait3A_493 = arith.constant 4 : i32
    %dma_wait3A_494 = arith.constant 0 : i32
    %dma_wait3A_495 = tpu.memref_slice %arg4[%dma_wait3A_493, %dma_wait3A_494] : memref<8x4096xf32, #tpu.memory_space<vmem>> -> memref<1x4096xf32, #tpu.memory_space<vmem>>
    %dma_wait3A_496 = tpu.memref_squeeze %dma_wait3A_495 : memref<1x4096xf32, #tpu.memory_space<vmem>> -> memref<4096xf32, #tpu.memory_space<vmem>>
    %dma_wait3A_497 = arith.constant 0 : i32
    %dma_wait3A_498 = tpu.memref_slice %arg2[%add3A_63, %dma_wait3A_497] : memref<128x8192xf32, #tpu.memory_space<hbm>> -> memref<1x4096xf32, #tpu.memory_space<hbm>>
    %dma_wait3A_499 = tpu.memref_squeeze %dma_wait3A_498 : memref<1x4096xf32, #tpu.memory_space<hbm>> -> memref<4096xf32, #tpu.memory_space<hbm>>
    %dma_wait3A_500 = arith.constant 0 : i32
    %dma_wait3A_501 = tpu.memref_slice %arg4[%dma_wait3A_493, %dma_wait3A_500] : memref<8x4096xf32, #tpu.memory_space<vmem>> -> memref<1x4096xf32, #tpu.memory_space<vmem>>
    %dma_wait3A_502 = tpu.memref_squeeze %dma_wait3A_501 : memref<1x4096xf32, #tpu.memory_space<vmem>> -> memref<4096xf32, #tpu.memory_space<vmem>>
    %dma_wait3A_503 = arith.constant 0 : i32
    %dma_wait3A_504 = tpu.memref_slice %arg2[%add3A_63, %dma_wait3A_503] : memref<128x8192xf32, #tpu.memory_space<hbm>> -> memref<1x4096xf32, #tpu.memory_space<hbm>>
    %dma_wait3A_505 = tpu.memref_squeeze %dma_wait3A_504 : memref<1x4096xf32, #tpu.memory_space<hbm>> -> memref<4096xf32, #tpu.memory_space<hbm>>
    tpu.wait_dma2 semaphore(%arg10 : memref<!tpu.dma_semaphore, #tpu.memory_space<semaphore_mem>>) src(%dma_wait3A_505 : memref<4096xf32, #tpu.memory_space<hbm>>) dst(%dma_wait3A_502 : memref<4096xf32, #tpu.memory_space<vmem>>)
    %parallel_loop3A_506 = arith.constant 0 : i32
    %parallel_loop3A_507 = arith.constant 32 : i32
    %parallel_loop3A_508 = arith.constant 1 : i32
    %parallel_loop3A_509:16 = scf.for %parallel_loop3A_867 = %parallel_loop3A_506 to %parallel_loop3A_507 step %parallel_loop3A_508 iter_args(%parallel_loop3A_868 = %broadcast_in_dim3A_490, %parallel_loop3A_869 = %broadcast_in_dim3A_490, %parallel_loop3A_870 = %broadcast_in_dim3A_490, %parallel_loop3A_871 = %broadcast_in_dim3A_490, %parallel_loop3A_872 = %broadcast_in_dim3A_490, %parallel_loop3A_873 = %broadcast_in_dim3A_490, %parallel_loop3A_874 = %broadcast_in_dim3A_490, %parallel_loop3A_875 = %broadcast_in_dim3A_490, %parallel_loop3A_876 = %broadcast_in_dim3A_492, %parallel_loop3A_877 = %broadcast_in_dim3A_492, %parallel_loop3A_878 = %broadcast_in_dim3A_492, %parallel_loop3A_879 = %broadcast_in_dim3A_492, %parallel_loop3A_880 = %broadcast_in_dim3A_492, %parallel_loop3A_881 = %broadcast_in_dim3A_492, %parallel_loop3A_882 = %broadcast_in_dim3A_492, %parallel_loop3A_883 = %broadcast_in_dim3A_492) -> (vector<16xf32>, vector<16xf32>, vector<16xf32>, vector<16xf32>, vector<16xf32>, vector<16xf32>, vector<16xf32>, vector<16xf32>, vector<16xi32>, vector<16xi32>, vector<16xi32>, vector<16xi32>, vector<16xi32>, vector<16xi32>, vector<16xi32>, vector<16xi32>)  : i32 {
      %parallel_loop3A_884 = arith.constant 0 : i32
      %parallel_loop3A_885 = arith.addi %parallel_loop3A_867, %parallel_loop3A_884 : i32
      %parallel_loop3A_886 = vector.broadcast %parallel_loop3A_885 : i32 to vector<16xi32>
      %parallel_loop3A_887 = arith.constant 8 : i32
      %parallel_loop3A_888 = arith.muli %parallel_loop3A_867, %parallel_loop3A_887 : i32
      %parallel_loop3A_889 = arith.constant 0 : i32
      %parallel_loop3A_890 = arith.addi %parallel_loop3A_888, %parallel_loop3A_889 : i32
      %parallel_loop3A_891 = arith.constant 16 : i32
      %parallel_loop3A_892 = arith.muli %parallel_loop3A_890, %parallel_loop3A_891 : i32
      %parallel_loop3A_893 = arith.constant 4 : i32
      %parallel_loop3A_894 = arith.index_cast %parallel_loop3A_893 : i32 to index
      %parallel_loop3A_895 = arith.index_cast %parallel_loop3A_892 : i32 to index
      %parallel_loop3A_896 = tpu.vector_load %arg4[%parallel_loop3A_894, %parallel_loop3A_895] {strides = array<i32>} : memref<8x4096xf32, #tpu.memory_space<vmem>>, vector<16xf32>,
      %parallel_loop3A_897 = arith.cmpf olt, %parallel_loop3A_896, %parallel_loop3A_868 : vector<16xf32>
      %parallel_loop3A_898 = arith.select %parallel_loop3A_897, %parallel_loop3A_896, %parallel_loop3A_868 : vector<16xi1>, vector<16xf32>
      %parallel_loop3A_899 = arith.select %parallel_loop3A_897, %parallel_loop3A_886, %parallel_loop3A_876 : vector<16xi1>, vector<16xi32>
      %parallel_loop3A_900 = arith.constant 8 : i32
      %parallel_loop3A_901 = arith.muli %parallel_loop3A_867, %parallel_loop3A_900 : i32
      %parallel_loop3A_902 = arith.constant 1 : i32
      %parallel_loop3A_903 = arith.addi %parallel_loop3A_901, %parallel_loop3A_902 : i32
      %parallel_loop3A_904 = arith.constant 16 : i32
      %parallel_loop3A_905 = arith.muli %parallel_loop3A_903, %parallel_loop3A_904 : i32
      %parallel_loop3A_906 = arith.constant 4 : i32
      %parallel_loop3A_907 = arith.index_cast %parallel_loop3A_906 : i32 to index
      %parallel_loop3A_908 = arith.index_cast %parallel_loop3A_905 : i32 to index
      %parallel_loop3A_909 = tpu.vector_load %arg4[%parallel_loop3A_907, %parallel_loop3A_908] {strides = array<i32>} : memref<8x4096xf32, #tpu.memory_space<vmem>>, vector<16xf32>,
      %parallel_loop3A_910 = arith.cmpf olt, %parallel_loop3A_909, %parallel_loop3A_869 : vector<16xf32>
      %parallel_loop3A_911 = arith.select %parallel_loop3A_910, %parallel_loop3A_909, %parallel_loop3A_869 : vector<16xi1>, vector<16xf32>
      %parallel_loop3A_912 = arith.select %parallel_loop3A_910, %parallel_loop3A_886, %parallel_loop3A_877 : vector<16xi1>, vector<16xi32>
      %parallel_loop3A_913 = arith.constant 8 : i32
      %parallel_loop3A_914 = arith.muli %parallel_loop3A_867, %parallel_loop3A_913 : i32
      %parallel_loop3A_915 = arith.constant 2 : i32
      %parallel_loop3A_916 = arith.addi %parallel_loop3A_914, %parallel_loop3A_915 : i32
      %parallel_loop3A_917 = arith.constant 16 : i32
      %parallel_loop3A_918 = arith.muli %parallel_loop3A_916, %parallel_loop3A_917 : i32
      %parallel_loop3A_919 = arith.constant 4 : i32
      %parallel_loop3A_920 = arith.index_cast %parallel_loop3A_919 : i32 to index
      %parallel_loop3A_921 = arith.index_cast %parallel_loop3A_918 : i32 to index
      %parallel_loop3A_922 = tpu.vector_load %arg4[%parallel_loop3A_920, %parallel_loop3A_921] {strides = array<i32>} : memref<8x4096xf32, #tpu.memory_space<vmem>>, vector<16xf32>,
      %parallel_loop3A_923 = arith.cmpf olt, %parallel_loop3A_922, %parallel_loop3A_870 : vector<16xf32>
      %parallel_loop3A_924 = arith.select %parallel_loop3A_923, %parallel_loop3A_922, %parallel_loop3A_870 : vector<16xi1>, vector<16xf32>
      %parallel_loop3A_925 = arith.select %parallel_loop3A_923, %parallel_loop3A_886, %parallel_loop3A_878 : vector<16xi1>, vector<16xi32>
      %parallel_loop3A_926 = arith.constant 8 : i32
      %parallel_loop3A_927 = arith.muli %parallel_loop3A_867, %parallel_loop3A_926 : i32
      %parallel_loop3A_928 = arith.constant 3 : i32
      %parallel_loop3A_929 = arith.addi %parallel_loop3A_927, %parallel_loop3A_928 : i32
      %parallel_loop3A_930 = arith.constant 16 : i32
      %parallel_loop3A_931 = arith.muli %parallel_loop3A_929, %parallel_loop3A_930 : i32
      %parallel_loop3A_932 = arith.constant 4 : i32
      %parallel_loop3A_933 = arith.index_cast %parallel_loop3A_932 : i32 to index
      %parallel_loop3A_934 = arith.index_cast %parallel_loop3A_931 : i32 to index
      %parallel_loop3A_935 = tpu.vector_load %arg4[%parallel_loop3A_933, %parallel_loop3A_934] {strides = array<i32>} : memref<8x4096xf32, #tpu.memory_space<vmem>>, vector<16xf32>,
      %parallel_loop3A_936 = arith.cmpf olt, %parallel_loop3A_935, %parallel_loop3A_871 : vector<16xf32>
      %parallel_loop3A_937 = arith.select %parallel_loop3A_936, %parallel_loop3A_935, %parallel_loop3A_871 : vector<16xi1>, vector<16xf32>
      %parallel_loop3A_938 = arith.select %parallel_loop3A_936, %parallel_loop3A_886, %parallel_loop3A_879 : vector<16xi1>, vector<16xi32>
      %parallel_loop3A_939 = arith.constant 8 : i32
      %parallel_loop3A_940 = arith.muli %parallel_loop3A_867, %parallel_loop3A_939 : i32
      %parallel_loop3A_941 = arith.constant 4 : i32
      %parallel_loop3A_942 = arith.addi %parallel_loop3A_940, %parallel_loop3A_941 : i32
      %parallel_loop3A_943 = arith.constant 16 : i32
      %parallel_loop3A_944 = arith.muli %parallel_loop3A_942, %parallel_loop3A_943 : i32
      %parallel_loop3A_945 = arith.constant 4 : i32
      %parallel_loop3A_946 = arith.index_cast %parallel_loop3A_945 : i32 to index
      %parallel_loop3A_947 = arith.index_cast %parallel_loop3A_944 : i32 to index
      %parallel_loop3A_948 = tpu.vector_load %arg4[%parallel_loop3A_946, %parallel_loop3A_947] {strides = array<i32>} : memref<8x4096xf32, #tpu.memory_space<vmem>>, vector<16xf32>,
      %parallel_loop3A_949 = arith.cmpf olt, %parallel_loop3A_948, %parallel_loop3A_872 : vector<16xf32>
      %parallel_loop3A_950 = arith.select %parallel_loop3A_949, %parallel_loop3A_948, %parallel_loop3A_872 : vector<16xi1>, vector<16xf32>
      %parallel_loop3A_951 = arith.select %parallel_loop3A_949, %parallel_loop3A_886, %parallel_loop3A_880 : vector<16xi1>, vector<16xi32>
      %parallel_loop3A_952 = arith.constant 8 : i32
      %parallel_loop3A_953 = arith.muli %parallel_loop3A_867, %parallel_loop3A_952 : i32
      %parallel_loop3A_954 = arith.constant 5 : i32
      %parallel_loop3A_955 = arith.addi %parallel_loop3A_953, %parallel_loop3A_954 : i32
      %parallel_loop3A_956 = arith.constant 16 : i32
      %parallel_loop3A_957 = arith.muli %parallel_loop3A_955, %parallel_loop3A_956 : i32
      %parallel_loop3A_958 = arith.constant 4 : i32
      %parallel_loop3A_959 = arith.index_cast %parallel_loop3A_958 : i32 to index
      %parallel_loop3A_960 = arith.index_cast %parallel_loop3A_957 : i32 to index
      %parallel_loop3A_961 = tpu.vector_load %arg4[%parallel_loop3A_959, %parallel_loop3A_960] {strides = array<i32>} : memref<8x4096xf32, #tpu.memory_space<vmem>>, vector<16xf32>,
      %parallel_loop3A_962 = arith.cmpf olt, %parallel_loop3A_961, %parallel_loop3A_873 : vector<16xf32>
      %parallel_loop3A_963 = arith.select %parallel_loop3A_962, %parallel_loop3A_961, %parallel_loop3A_873 : vector<16xi1>, vector<16xf32>
      %parallel_loop3A_964 = arith.select %parallel_loop3A_962, %parallel_loop3A_886, %parallel_loop3A_881 : vector<16xi1>, vector<16xi32>
      %parallel_loop3A_965 = arith.constant 8 : i32
      %parallel_loop3A_966 = arith.muli %parallel_loop3A_867, %parallel_loop3A_965 : i32
      %parallel_loop3A_967 = arith.constant 6 : i32
      %parallel_loop3A_968 = arith.addi %parallel_loop3A_966, %parallel_loop3A_967 : i32
      %parallel_loop3A_969 = arith.constant 16 : i32
      %parallel_loop3A_970 = arith.muli %parallel_loop3A_968, %parallel_loop3A_969 : i32
      %parallel_loop3A_971 = arith.constant 4 : i32
      %parallel_loop3A_972 = arith.index_cast %parallel_loop3A_971 : i32 to index
      %parallel_loop3A_973 = arith.index_cast %parallel_loop3A_970 : i32 to index
      %parallel_loop3A_974 = tpu.vector_load %arg4[%parallel_loop3A_972, %parallel_loop3A_973] {strides = array<i32>} : memref<8x4096xf32, #tpu.memory_space<vmem>>, vector<16xf32>,
      %parallel_loop3A_975 = arith.cmpf olt, %parallel_loop3A_974, %parallel_loop3A_874 : vector<16xf32>
      %parallel_loop3A_976 = arith.select %parallel_loop3A_975, %parallel_loop3A_974, %parallel_loop3A_874 : vector<16xi1>, vector<16xf32>
      %parallel_loop3A_977 = arith.select %parallel_loop3A_975, %parallel_loop3A_886, %parallel_loop3A_882 : vector<16xi1>, vector<16xi32>
      %parallel_loop3A_978 = arith.constant 8 : i32
      %parallel_loop3A_979 = arith.muli %parallel_loop3A_867, %parallel_loop3A_978 : i32
      %parallel_loop3A_980 = arith.constant 7 : i32
      %parallel_loop3A_981 = arith.addi %parallel_loop3A_979, %parallel_loop3A_980 : i32
      %parallel_loop3A_982 = arith.constant 16 : i32
      %parallel_loop3A_983 = arith.muli %parallel_loop3A_981, %parallel_loop3A_982 : i32
      %parallel_loop3A_984 = arith.constant 4 : i32
      %parallel_loop3A_985 = arith.index_cast %parallel_loop3A_984 : i32 to index
      %parallel_loop3A_986 = arith.index_cast %parallel_loop3A_983 : i32 to index
      %parallel_loop3A_987 = tpu.vector_load %arg4[%parallel_loop3A_985, %parallel_loop3A_986] {strides = array<i32>} : memref<8x4096xf32, #tpu.memory_space<vmem>>, vector<16xf32>,
      %parallel_loop3A_988 = arith.cmpf olt, %parallel_loop3A_987, %parallel_loop3A_875 : vector<16xf32>
      %parallel_loop3A_989 = arith.select %parallel_loop3A_988, %parallel_loop3A_987, %parallel_loop3A_875 : vector<16xi1>, vector<16xf32>
      %parallel_loop3A_990 = arith.select %parallel_loop3A_988, %parallel_loop3A_886, %parallel_loop3A_883 : vector<16xi1>, vector<16xi32>
      scf.yield %parallel_loop3A_898, %parallel_loop3A_911, %parallel_loop3A_924, %parallel_loop3A_937, %parallel_loop3A_950, %parallel_loop3A_963, %parallel_loop3A_976, %parallel_loop3A_989, %parallel_loop3A_899, %parallel_loop3A_912, %parallel_loop3A_925, %parallel_loop3A_938, %parallel_loop3A_951, %parallel_loop3A_964, %parallel_loop3A_977, %parallel_loop3A_990 : vector<16xf32>, vector<16xf32>, vector<16xf32>, vector<16xf32>, vector<16xf32>, vector<16xf32>, vector<16xf32>, vector<16xf32>, vector<16xi32>, vector<16xi32>, vector<16xi32>, vector<16xi32>, vector<16xi32>, vector<16xi32>, vector<16xi32>, vector<16xi32>
    } {sc.loop_unroll_factor = 2 : i64, sc.parallel_access}
    %dma_wait3A_510 = arith.constant 5 : i32
    %dma_wait3A_511 = arith.constant 0 : i32
    %dma_wait3A_512 = tpu.memref_slice %arg4[%dma_wait3A_510, %dma_wait3A_511] : memref<8x4096xf32, #tpu.memory_space<vmem>> -> memref<1x4096xf32, #tpu.memory_space<vmem>>
    %dma_wait3A_513 = tpu.memref_squeeze %dma_wait3A_512 : memref<1x4096xf32, #tpu.memory_space<vmem>> -> memref<4096xf32, #tpu.memory_space<vmem>>
    %dma_wait3A_514 = arith.constant 4096 : i32
    %dma_wait3A_515 = tpu.memref_slice %arg2[%add3A_78, %dma_wait3A_514] : memref<128x8192xf32, #tpu.memory_space<hbm>> -> memref<1x4096xf32, #tpu.memory_space<hbm>>
    %dma_wait3A_516 = tpu.memref_squeeze %dma_wait3A_515 : memref<1x4096xf32, #tpu.memory_space<hbm>> -> memref<4096xf32, #tpu.memory_space<hbm>>
    %dma_wait3A_517 = arith.constant 0 : i32
    %dma_wait3A_518 = tpu.memref_slice %arg4[%dma_wait3A_510, %dma_wait3A_517] : memref<8x4096xf32, #tpu.memory_space<vmem>> -> memref<1x4096xf32, #tpu.memory_space<vmem>>
    %dma_wait3A_519 = tpu.memref_squeeze %dma_wait3A_518 : memref<1x4096xf32, #tpu.memory_space<vmem>> -> memref<4096xf32, #tpu.memory_space<vmem>>
    %dma_wait3A_520 = arith.constant 4096 : i32
    %dma_wait3A_521 = tpu.memref_slice %arg2[%add3A_78, %dma_wait3A_520] : memref<128x8192xf32, #tpu.memory_space<hbm>> -> memref<1x4096xf32, #tpu.memory_space<hbm>>
    %dma_wait3A_522 = tpu.memref_squeeze %dma_wait3A_521 : memref<1x4096xf32, #tpu.memory_space<hbm>> -> memref<4096xf32, #tpu.memory_space<hbm>>
    tpu.wait_dma2 semaphore(%arg11 : memref<!tpu.dma_semaphore, #tpu.memory_space<semaphore_mem>>) src(%dma_wait3A_522 : memref<4096xf32, #tpu.memory_space<hbm>>) dst(%dma_wait3A_519 : memref<4096xf32, #tpu.memory_space<vmem>>)
    %parallel_loop3A_523 = arith.constant 0 : i32
    %parallel_loop3A_524 = arith.constant 32 : i32
    %parallel_loop3A_525 = arith.constant 1 : i32
    %parallel_loop3A_526:16 = scf.for %parallel_loop3A_867 = %parallel_loop3A_523 to %parallel_loop3A_524 step %parallel_loop3A_525 iter_args(%parallel_loop3A_868 = %parallel_loop3A_509#0, %parallel_loop3A_869 = %parallel_loop3A_509#1, %parallel_loop3A_870 = %parallel_loop3A_509#2, %parallel_loop3A_871 = %parallel_loop3A_509#3, %parallel_loop3A_872 = %parallel_loop3A_509#4, %parallel_loop3A_873 = %parallel_loop3A_509#5, %parallel_loop3A_874 = %parallel_loop3A_509#6, %parallel_loop3A_875 = %parallel_loop3A_509#7, %parallel_loop3A_876 = %parallel_loop3A_509#8, %parallel_loop3A_877 = %parallel_loop3A_509#9, %parallel_loop3A_878 = %parallel_loop3A_509#10, %parallel_loop3A_879 = %parallel_loop3A_509#11, %parallel_loop3A_880 = %parallel_loop3A_509#12, %parallel_loop3A_881 = %parallel_loop3A_509#13, %parallel_loop3A_882 = %parallel_loop3A_509#14, %parallel_loop3A_883 = %parallel_loop3A_509#15) -> (vector<16xf32>, vector<16xf32>, vector<16xf32>, vector<16xf32>, vector<16xf32>, vector<16xf32>, vector<16xf32>, vector<16xf32>, vector<16xi32>, vector<16xi32>, vector<16xi32>, vector<16xi32>, vector<16xi32>, vector<16xi32>, vector<16xi32>, vector<16xi32>)  : i32 {
      %parallel_loop3A_884 = arith.constant 32 : i32
      %parallel_loop3A_885 = arith.addi %parallel_loop3A_867, %parallel_loop3A_884 : i32
      %parallel_loop3A_886 = vector.broadcast %parallel_loop3A_885 : i32 to vector<16xi32>
      %parallel_loop3A_887 = arith.constant 8 : i32
      %parallel_loop3A_888 = arith.muli %parallel_loop3A_867, %parallel_loop3A_887 : i32
      %parallel_loop3A_889 = arith.constant 0 : i32
      %parallel_loop3A_890 = arith.addi %parallel_loop3A_888, %parallel_loop3A_889 : i32
      %parallel_loop3A_891 = arith.constant 16 : i32
      %parallel_loop3A_892 = arith.muli %parallel_loop3A_890, %parallel_loop3A_891 : i32
      %parallel_loop3A_893 = arith.constant 5 : i32
      %parallel_loop3A_894 = arith.index_cast %parallel_loop3A_893 : i32 to index
      %parallel_loop3A_895 = arith.index_cast %parallel_loop3A_892 : i32 to index
      %parallel_loop3A_896 = tpu.vector_load %arg4[%parallel_loop3A_894, %parallel_loop3A_895] {strides = array<i32>} : memref<8x4096xf32, #tpu.memory_space<vmem>>, vector<16xf32>,
      %parallel_loop3A_897 = arith.cmpf olt, %parallel_loop3A_896, %parallel_loop3A_868 : vector<16xf32>
      %parallel_loop3A_898 = arith.select %parallel_loop3A_897, %parallel_loop3A_896, %parallel_loop3A_868 : vector<16xi1>, vector<16xf32>
      %parallel_loop3A_899 = arith.select %parallel_loop3A_897, %parallel_loop3A_886, %parallel_loop3A_876 : vector<16xi1>, vector<16xi32>
      %parallel_loop3A_900 = arith.constant 8 : i32
      %parallel_loop3A_901 = arith.muli %parallel_loop3A_867, %parallel_loop3A_900 : i32
      %parallel_loop3A_902 = arith.constant 1 : i32
      %parallel_loop3A_903 = arith.addi %parallel_loop3A_901, %parallel_loop3A_902 : i32
      %parallel_loop3A_904 = arith.constant 16 : i32
      %parallel_loop3A_905 = arith.muli %parallel_loop3A_903, %parallel_loop3A_904 : i32
      %parallel_loop3A_906 = arith.constant 5 : i32
      %parallel_loop3A_907 = arith.index_cast %parallel_loop3A_906 : i32 to index
      %parallel_loop3A_908 = arith.index_cast %parallel_loop3A_905 : i32 to index
      %parallel_loop3A_909 = tpu.vector_load %arg4[%parallel_loop3A_907, %parallel_loop3A_908] {strides = array<i32>} : memref<8x4096xf32, #tpu.memory_space<vmem>>, vector<16xf32>,
      %parallel_loop3A_910 = arith.cmpf olt, %parallel_loop3A_909, %parallel_loop3A_869 : vector<16xf32>
      %parallel_loop3A_911 = arith.select %parallel_loop3A_910, %parallel_loop3A_909, %parallel_loop3A_869 : vector<16xi1>, vector<16xf32>
      %parallel_loop3A_912 = arith.select %parallel_loop3A_910, %parallel_loop3A_886, %parallel_loop3A_877 : vector<16xi1>, vector<16xi32>
      %parallel_loop3A_913 = arith.constant 8 : i32
      %parallel_loop3A_914 = arith.muli %parallel_loop3A_867, %parallel_loop3A_913 : i32
      %parallel_loop3A_915 = arith.constant 2 : i32
      %parallel_loop3A_916 = arith.addi %parallel_loop3A_914, %parallel_loop3A_915 : i32
      %parallel_loop3A_917 = arith.constant 16 : i32
      %parallel_loop3A_918 = arith.muli %parallel_loop3A_916, %parallel_loop3A_917 : i32
      %parallel_loop3A_919 = arith.constant 5 : i32
      %parallel_loop3A_920 = arith.index_cast %parallel_loop3A_919 : i32 to index
      %parallel_loop3A_921 = arith.index_cast %parallel_loop3A_918 : i32 to index
      %parallel_loop3A_922 = tpu.vector_load %arg4[%parallel_loop3A_920, %parallel_loop3A_921] {strides = array<i32>} : memref<8x4096xf32, #tpu.memory_space<vmem>>, vector<16xf32>,
      %parallel_loop3A_923 = arith.cmpf olt, %parallel_loop3A_922, %parallel_loop3A_870 : vector<16xf32>
      %parallel_loop3A_924 = arith.select %parallel_loop3A_923, %parallel_loop3A_922, %parallel_loop3A_870 : vector<16xi1>, vector<16xf32>
      %parallel_loop3A_925 = arith.select %parallel_loop3A_923, %parallel_loop3A_886, %parallel_loop3A_878 : vector<16xi1>, vector<16xi32>
      %parallel_loop3A_926 = arith.constant 8 : i32
      %parallel_loop3A_927 = arith.muli %parallel_loop3A_867, %parallel_loop3A_926 : i32
      %parallel_loop3A_928 = arith.constant 3 : i32
      %parallel_loop3A_929 = arith.addi %parallel_loop3A_927, %parallel_loop3A_928 : i32
      %parallel_loop3A_930 = arith.constant 16 : i32
      %parallel_loop3A_931 = arith.muli %parallel_loop3A_929, %parallel_loop3A_930 : i32
      %parallel_loop3A_932 = arith.constant 5 : i32
      %parallel_loop3A_933 = arith.index_cast %parallel_loop3A_932 : i32 to index
      %parallel_loop3A_934 = arith.index_cast %parallel_loop3A_931 : i32 to index
      %parallel_loop3A_935 = tpu.vector_load %arg4[%parallel_loop3A_933, %parallel_loop3A_934] {strides = array<i32>} : memref<8x4096xf32, #tpu.memory_space<vmem>>, vector<16xf32>,
      %parallel_loop3A_936 = arith.cmpf olt, %parallel_loop3A_935, %parallel_loop3A_871 : vector<16xf32>
      %parallel_loop3A_937 = arith.select %parallel_loop3A_936, %parallel_loop3A_935, %parallel_loop3A_871 : vector<16xi1>, vector<16xf32>
      %parallel_loop3A_938 = arith.select %parallel_loop3A_936, %parallel_loop3A_886, %parallel_loop3A_879 : vector<16xi1>, vector<16xi32>
      %parallel_loop3A_939 = arith.constant 8 : i32
      %parallel_loop3A_940 = arith.muli %parallel_loop3A_867, %parallel_loop3A_939 : i32
      %parallel_loop3A_941 = arith.constant 4 : i32
      %parallel_loop3A_942 = arith.addi %parallel_loop3A_940, %parallel_loop3A_941 : i32
      %parallel_loop3A_943 = arith.constant 16 : i32
      %parallel_loop3A_944 = arith.muli %parallel_loop3A_942, %parallel_loop3A_943 : i32
      %parallel_loop3A_945 = arith.constant 5 : i32
      %parallel_loop3A_946 = arith.index_cast %parallel_loop3A_945 : i32 to index
      %parallel_loop3A_947 = arith.index_cast %parallel_loop3A_944 : i32 to index
      %parallel_loop3A_948 = tpu.vector_load %arg4[%parallel_loop3A_946, %parallel_loop3A_947] {strides = array<i32>} : memref<8x4096xf32, #tpu.memory_space<vmem>>, vector<16xf32>,
      %parallel_loop3A_949 = arith.cmpf olt, %parallel_loop3A_948, %parallel_loop3A_872 : vector<16xf32>
      %parallel_loop3A_950 = arith.select %parallel_loop3A_949, %parallel_loop3A_948, %parallel_loop3A_872 : vector<16xi1>, vector<16xf32>
      %parallel_loop3A_951 = arith.select %parallel_loop3A_949, %parallel_loop3A_886, %parallel_loop3A_880 : vector<16xi1>, vector<16xi32>
      %parallel_loop3A_952 = arith.constant 8 : i32
      %parallel_loop3A_953 = arith.muli %parallel_loop3A_867, %parallel_loop3A_952 : i32
      %parallel_loop3A_954 = arith.constant 5 : i32
      %parallel_loop3A_955 = arith.addi %parallel_loop3A_953, %parallel_loop3A_954 : i32
      %parallel_loop3A_956 = arith.constant 16 : i32
      %parallel_loop3A_957 = arith.muli %parallel_loop3A_955, %parallel_loop3A_956 : i32
      %parallel_loop3A_958 = arith.constant 5 : i32
      %parallel_loop3A_959 = arith.index_cast %parallel_loop3A_958 : i32 to index
      %parallel_loop3A_960 = arith.index_cast %parallel_loop3A_957 : i32 to index
      %parallel_loop3A_961 = tpu.vector_load %arg4[%parallel_loop3A_959, %parallel_loop3A_960] {strides = array<i32>} : memref<8x4096xf32, #tpu.memory_space<vmem>>, vector<16xf32>,
      %parallel_loop3A_962 = arith.cmpf olt, %parallel_loop3A_961, %parallel_loop3A_873 : vector<16xf32>
      %parallel_loop3A_963 = arith.select %parallel_loop3A_962, %parallel_loop3A_961, %parallel_loop3A_873 : vector<16xi1>, vector<16xf32>
      %parallel_loop3A_964 = arith.select %parallel_loop3A_962, %parallel_loop3A_886, %parallel_loop3A_881 : vector<16xi1>, vector<16xi32>
      %parallel_loop3A_965 = arith.constant 8 : i32
      %parallel_loop3A_966 = arith.muli %parallel_loop3A_867, %parallel_loop3A_965 : i32
      %parallel_loop3A_967 = arith.constant 6 : i32
      %parallel_loop3A_968 = arith.addi %parallel_loop3A_966, %parallel_loop3A_967 : i32
      %parallel_loop3A_969 = arith.constant 16 : i32
      %parallel_loop3A_970 = arith.muli %parallel_loop3A_968, %parallel_loop3A_969 : i32
      %parallel_loop3A_971 = arith.constant 5 : i32
      %parallel_loop3A_972 = arith.index_cast %parallel_loop3A_971 : i32 to index
      %parallel_loop3A_973 = arith.index_cast %parallel_loop3A_970 : i32 to index
      %parallel_loop3A_974 = tpu.vector_load %arg4[%parallel_loop3A_972, %parallel_loop3A_973] {strides = array<i32>} : memref<8x4096xf32, #tpu.memory_space<vmem>>, vector<16xf32>,
      %parallel_loop3A_975 = arith.cmpf olt, %parallel_loop3A_974, %parallel_loop3A_874 : vector<16xf32>
      %parallel_loop3A_976 = arith.select %parallel_loop3A_975, %parallel_loop3A_974, %parallel_loop3A_874 : vector<16xi1>, vector<16xf32>
      %parallel_loop3A_977 = arith.select %parallel_loop3A_975, %parallel_loop3A_886, %parallel_loop3A_882 : vector<16xi1>, vector<16xi32>
      %parallel_loop3A_978 = arith.constant 8 : i32
      %parallel_loop3A_979 = arith.muli %parallel_loop3A_867, %parallel_loop3A_978 : i32
      %parallel_loop3A_980 = arith.constant 7 : i32
      %parallel_loop3A_981 = arith.addi %parallel_loop3A_979, %parallel_loop3A_980 : i32
      %parallel_loop3A_982 = arith.constant 16 : i32
      %parallel_loop3A_983 = arith.muli %parallel_loop3A_981, %parallel_loop3A_982 : i32
      %parallel_loop3A_984 = arith.constant 5 : i32
      %parallel_loop3A_985 = arith.index_cast %parallel_loop3A_984 : i32 to index
      %parallel_loop3A_986 = arith.index_cast %parallel_loop3A_983 : i32 to index
      %parallel_loop3A_987 = tpu.vector_load %arg4[%parallel_loop3A_985, %parallel_loop3A_986] {strides = array<i32>} : memref<8x4096xf32, #tpu.memory_space<vmem>>, vector<16xf32>,
      %parallel_loop3A_988 = arith.cmpf olt, %parallel_loop3A_987, %parallel_loop3A_875 : vector<16xf32>
      %parallel_loop3A_989 = arith.select %parallel_loop3A_988, %parallel_loop3A_987, %parallel_loop3A_875 : vector<16xi1>, vector<16xf32>
      %parallel_loop3A_990 = arith.select %parallel_loop3A_988, %parallel_loop3A_886, %parallel_loop3A_883 : vector<16xi1>, vector<16xi32>
      scf.yield %parallel_loop3A_898, %parallel_loop3A_911, %parallel_loop3A_924, %parallel_loop3A_937, %parallel_loop3A_950, %parallel_loop3A_963, %parallel_loop3A_976, %parallel_loop3A_989, %parallel_loop3A_899, %parallel_loop3A_912, %parallel_loop3A_925, %parallel_loop3A_938, %parallel_loop3A_951, %parallel_loop3A_964, %parallel_loop3A_977, %parallel_loop3A_990 : vector<16xf32>, vector<16xf32>, vector<16xf32>, vector<16xf32>, vector<16xf32>, vector<16xf32>, vector<16xf32>, vector<16xf32>, vector<16xi32>, vector<16xi32>, vector<16xi32>, vector<16xi32>, vector<16xi32>, vector<16xi32>, vector<16xi32>, vector<16xi32>
    } {sc.loop_unroll_factor = 2 : i64, sc.parallel_access}
    %mul3A_527 = arith.constant 8 : i32
    %mul3A_528 = vector.broadcast %mul3A_527 : i32 to vector<16xi32>
    %mul3A_529 = arith.muli %parallel_loop3A_526#8, %mul3A_528 : vector<16xi32>
    %add3A_530 = arith.constant 0 : i32
    %add3A_531 = vector.broadcast %add3A_530 : i32 to vector<16xi32>
    %add3A_532 = arith.addi %mul3A_529, %add3A_531 : vector<16xi32>
    %mul3A_533 = arith.constant 16 : i32
    %mul3A_534 = vector.broadcast %mul3A_533 : i32 to vector<16xi32>
    %mul3A_535 = arith.muli %add3A_532, %mul3A_534 : vector<16xi32>
    %add3A_536 = arith.addi %mul3A_535, %iota3A : vector<16xi32>
    %mul3A_537 = arith.constant 8 : i32
    %mul3A_538 = vector.broadcast %mul3A_537 : i32 to vector<16xi32>
    %mul3A_539 = arith.muli %parallel_loop3A_526#9, %mul3A_538 : vector<16xi32>
    %add3A_540 = arith.constant 1 : i32
    %add3A_541 = vector.broadcast %add3A_540 : i32 to vector<16xi32>
    %add3A_542 = arith.addi %mul3A_539, %add3A_541 : vector<16xi32>
    %mul3A_543 = arith.constant 16 : i32
    %mul3A_544 = vector.broadcast %mul3A_543 : i32 to vector<16xi32>
    %mul3A_545 = arith.muli %add3A_542, %mul3A_544 : vector<16xi32>
    %add3A_546 = arith.addi %mul3A_545, %iota3A : vector<16xi32>
    %mul3A_547 = arith.constant 8 : i32
    %mul3A_548 = vector.broadcast %mul3A_547 : i32 to vector<16xi32>
    %mul3A_549 = arith.muli %parallel_loop3A_526#10, %mul3A_548 : vector<16xi32>
    %add3A_550 = arith.constant 2 : i32
    %add3A_551 = vector.broadcast %add3A_550 : i32 to vector<16xi32>
    %add3A_552 = arith.addi %mul3A_549, %add3A_551 : vector<16xi32>
    %mul3A_553 = arith.constant 16 : i32
    %mul3A_554 = vector.broadcast %mul3A_553 : i32 to vector<16xi32>
    %mul3A_555 = arith.muli %add3A_552, %mul3A_554 : vector<16xi32>
    %add3A_556 = arith.addi %mul3A_555, %iota3A : vector<16xi32>
    %mul3A_557 = arith.constant 8 : i32
    %mul3A_558 = vector.broadcast %mul3A_557 : i32 to vector<16xi32>
    %mul3A_559 = arith.muli %parallel_loop3A_526#11, %mul3A_558 : vector<16xi32>
    %add3A_560 = arith.constant 3 : i32
    %add3A_561 = vector.broadcast %add3A_560 : i32 to vector<16xi32>
    %add3A_562 = arith.addi %mul3A_559, %add3A_561 : vector<16xi32>
    %mul3A_563 = arith.constant 16 : i32
    %mul3A_564 = vector.broadcast %mul3A_563 : i32 to vector<16xi32>
    %mul3A_565 = arith.muli %add3A_562, %mul3A_564 : vector<16xi32>
    %add3A_566 = arith.addi %mul3A_565, %iota3A : vector<16xi32>
    %mul3A_567 = arith.constant 8 : i32
    %mul3A_568 = vector.broadcast %mul3A_567 : i32 to vector<16xi32>
    %mul3A_569 = arith.muli %parallel_loop3A_526#12, %mul3A_568 : vector<16xi32>
    %add3A_570 = arith.constant 4 : i32
    %add3A_571 = vector.broadcast %add3A_570 : i32 to vector<16xi32>
    %add3A_572 = arith.addi %mul3A_569, %add3A_571 : vector<16xi32>
    %mul3A_573 = arith.constant 16 : i32
    %mul3A_574 = vector.broadcast %mul3A_573 : i32 to vector<16xi32>
    %mul3A_575 = arith.muli %add3A_572, %mul3A_574 : vector<16xi32>
    %add3A_576 = arith.addi %mul3A_575, %iota3A : vector<16xi32>
    %mul3A_577 = arith.constant 8 : i32
    %mul3A_578 = vector.broadcast %mul3A_577 : i32 to vector<16xi32>
    %mul3A_579 = arith.muli %parallel_loop3A_526#13, %mul3A_578 : vector<16xi32>
    %add3A_580 = arith.constant 5 : i32
    %add3A_581 = vector.broadcast %add3A_580 : i32 to vector<16xi32>
    %add3A_582 = arith.addi %mul3A_579, %add3A_581 : vector<16xi32>
    %mul3A_583 = arith.constant 16 : i32
    %mul3A_584 = vector.broadcast %mul3A_583 : i32 to vector<16xi32>
    %mul3A_585 = arith.muli %add3A_582, %mul3A_584 : vector<16xi32>
    %add3A_586 = arith.addi %mul3A_585, %iota3A : vector<16xi32>
    %mul3A_587 = arith.constant 8 : i32
    %mul3A_588 = vector.broadcast %mul3A_587 : i32 to vector<16xi32>
    %mul3A_589 = arith.muli %parallel_loop3A_526#14, %mul3A_588 : vector<16xi32>
    %add3A_590 = arith.constant 6 : i32
    %add3A_591 = vector.broadcast %add3A_590 : i32 to vector<16xi32>
    %add3A_592 = arith.addi %mul3A_589, %add3A_591 : vector<16xi32>
    %mul3A_593 = arith.constant 16 : i32
    %mul3A_594 = vector.broadcast %mul3A_593 : i32 to vector<16xi32>
    %mul3A_595 = arith.muli %add3A_592, %mul3A_594 : vector<16xi32>
    %add3A_596 = arith.addi %mul3A_595, %iota3A : vector<16xi32>
    %mul3A_597 = arith.constant 8 : i32
    %mul3A_598 = vector.broadcast %mul3A_597 : i32 to vector<16xi32>
    %mul3A_599 = arith.muli %parallel_loop3A_526#15, %mul3A_598 : vector<16xi32>
    %add3A_600 = arith.constant 7 : i32
    %add3A_601 = vector.broadcast %add3A_600 : i32 to vector<16xi32>
    %add3A_602 = arith.addi %mul3A_599, %add3A_601 : vector<16xi32>
    %mul3A_603 = arith.constant 16 : i32
    %mul3A_604 = vector.broadcast %mul3A_603 : i32 to vector<16xi32>
    %mul3A_605 = arith.muli %add3A_602, %mul3A_604 : vector<16xi32>
    %add3A_606 = arith.addi %mul3A_605, %iota3A : vector<16xi32>
    %lt3A_607 = arith.cmpf olt, %parallel_loop3A_526#1, %parallel_loop3A_526#0 : vector<16xf32>
    %eq3A_608 = arith.cmpf oeq, %parallel_loop3A_526#1, %parallel_loop3A_526#0 : vector<16xf32>
    %lt3A_609 = arith.cmpi slt, %add3A_546, %add3A_536 : vector<16xi32>
    %and3A_610 = arith.andi %eq3A_608, %lt3A_609 : vector<16xi1>
    %or3A_611 = arith.ori %lt3A_607, %and3A_610 : vector<16xi1>
    %select_n3A_612 = arith.select %or3A_611, %parallel_loop3A_526#1, %parallel_loop3A_526#0 : vector<16xi1>, vector<16xf32>
    %select_n3A_613 = arith.select %or3A_611, %add3A_546, %add3A_536 : vector<16xi1>, vector<16xi32>
    %lt3A_614 = arith.cmpf olt, %parallel_loop3A_526#3, %parallel_loop3A_526#2 : vector<16xf32>
    %eq3A_615 = arith.cmpf oeq, %parallel_loop3A_526#3, %parallel_loop3A_526#2 : vector<16xf32>
    %lt3A_616 = arith.cmpi slt, %add3A_566, %add3A_556 : vector<16xi32>
    %and3A_617 = arith.andi %eq3A_615, %lt3A_616 : vector<16xi1>
    %or3A_618 = arith.ori %lt3A_614, %and3A_617 : vector<16xi1>
    %select_n3A_619 = arith.select %or3A_618, %parallel_loop3A_526#3, %parallel_loop3A_526#2 : vector<16xi1>, vector<16xf32>
    %select_n3A_620 = arith.select %or3A_618, %add3A_566, %add3A_556 : vector<16xi1>, vector<16xi32>
    %lt3A_621 = arith.cmpf olt, %parallel_loop3A_526#5, %parallel_loop3A_526#4 : vector<16xf32>
    %eq3A_622 = arith.cmpf oeq, %parallel_loop3A_526#5, %parallel_loop3A_526#4 : vector<16xf32>
    %lt3A_623 = arith.cmpi slt, %add3A_586, %add3A_576 : vector<16xi32>
    %and3A_624 = arith.andi %eq3A_622, %lt3A_623 : vector<16xi1>
    %or3A_625 = arith.ori %lt3A_621, %and3A_624 : vector<16xi1>
    %select_n3A_626 = arith.select %or3A_625, %parallel_loop3A_526#5, %parallel_loop3A_526#4 : vector<16xi1>, vector<16xf32>
    %select_n3A_627 = arith.select %or3A_625, %add3A_586, %add3A_576 : vector<16xi1>, vector<16xi32>
    %lt3A_628 = arith.cmpf olt, %parallel_loop3A_526#7, %parallel_loop3A_526#6 : vector<16xf32>
    %eq3A_629 = arith.cmpf oeq, %parallel_loop3A_526#7, %parallel_loop3A_526#6 : vector<16xf32>
    %lt3A_630 = arith.cmpi slt, %add3A_606, %add3A_596 : vector<16xi32>
    %and3A_631 = arith.andi %eq3A_629, %lt3A_630 : vector<16xi1>
    %or3A_632 = arith.ori %lt3A_628, %and3A_631 : vector<16xi1>
    %select_n3A_633 = arith.select %or3A_632, %parallel_loop3A_526#7, %parallel_loop3A_526#6 : vector<16xi1>, vector<16xf32>
    %select_n3A_634 = arith.select %or3A_632, %add3A_606, %add3A_596 : vector<16xi1>, vector<16xi32>
    %lt3A_635 = arith.cmpf olt, %select_n3A_619, %select_n3A_612 : vector<16xf32>
    %eq3A_636 = arith.cmpf oeq, %select_n3A_619, %select_n3A_612 : vector<16xf32>
    %lt3A_637 = arith.cmpi slt, %select_n3A_620, %select_n3A_613 : vector<16xi32>
    %and3A_638 = arith.andi %eq3A_636, %lt3A_637 : vector<16xi1>
    %or3A_639 = arith.ori %lt3A_635, %and3A_638 : vector<16xi1>
    %select_n3A_640 = arith.select %or3A_639, %select_n3A_619, %select_n3A_612 : vector<16xi1>, vector<16xf32>
    %select_n3A_641 = arith.select %or3A_639, %select_n3A_620, %select_n3A_613 : vector<16xi1>, vector<16xi32>
    %lt3A_642 = arith.cmpf olt, %select_n3A_633, %select_n3A_626 : vector<16xf32>
    %eq3A_643 = arith.cmpf oeq, %select_n3A_633, %select_n3A_626 : vector<16xf32>
    %lt3A_644 = arith.cmpi slt, %select_n3A_634, %select_n3A_627 : vector<16xi32>
    %and3A_645 = arith.andi %eq3A_643, %lt3A_644 : vector<16xi1>
    %or3A_646 = arith.ori %lt3A_642, %and3A_645 : vector<16xi1>
    %select_n3A_647 = arith.select %or3A_646, %select_n3A_633, %select_n3A_626 : vector<16xi1>, vector<16xf32>
    %select_n3A_648 = arith.select %or3A_646, %select_n3A_634, %select_n3A_627 : vector<16xi1>, vector<16xi32>
    %lt3A_649 = arith.cmpf olt, %select_n3A_647, %select_n3A_640 : vector<16xf32>
    %eq3A_650 = arith.cmpf oeq, %select_n3A_647, %select_n3A_640 : vector<16xf32>
    %lt3A_651 = arith.cmpi slt, %select_n3A_648, %select_n3A_641 : vector<16xi32>
    %and3A_652 = arith.andi %eq3A_650, %lt3A_651 : vector<16xi1>
    %or3A_653 = arith.ori %lt3A_649, %and3A_652 : vector<16xi1>
    %select_n3A_654 = arith.select %or3A_653, %select_n3A_647, %select_n3A_640 : vector<16xi1>, vector<16xf32>
    %select_n3A_655 = arith.select %or3A_653, %select_n3A_648, %select_n3A_641 : vector<16xi1>, vector<16xi32>
    %reduce_min3A_656 = arith.constant true
    %reduce_min3A_657 = vector.broadcast %reduce_min3A_656 : i1 to vector<16xi1>
    %reduce_min3A_658 = tpu.scan <min>, %select_n3A_654 masked %reduce_min3A_657 : vector<16xf32>, vector<16xi1> -> vector<16xf32>
    %reduce_min3A_659 = vector.extract %reduce_min3A_658[15] : f32 from vector<16xf32>
    %eq3A_660 = vector.broadcast %reduce_min3A_659 : f32 to vector<16xf32>
    %eq3A_661 = arith.cmpf oeq, %select_n3A_654, %eq3A_660 : vector<16xf32>
    %jit3A_662 = arith.constant 2147483647 : i32
    %broadcast_in_dim3A_663 = vector.broadcast %jit3A_662 : i32 to vector<16xi32>
    %select_n3A_664 = arith.select %eq3A_661, %select_n3A_655, %broadcast_in_dim3A_663 : vector<16xi1>, vector<16xi32>
    %reduce_min3A_665 = arith.constant true
    %reduce_min3A_666 = vector.broadcast %reduce_min3A_665 : i1 to vector<16xi1>
    %reduce_min3A_667 = arith.constant -2147483648 : i32
    %reduce_min3A_668 = vector.broadcast %reduce_min3A_667 : i32 to vector<16xi32>
    %reduce_min3A_669 = arith.xori %select_n3A_664, %reduce_min3A_668 : vector<16xi32>
    %reduce_min3A_670 = tpu.scan <min>, %reduce_min3A_669 masked %reduce_min3A_666 : vector<16xi32>, vector<16xi1> -> vector<16xi32>
    %reduce_min3A_671 = arith.xori %reduce_min3A_670, %reduce_min3A_668 : vector<16xi32>
    %reduce_min3A_672 = vector.extract %reduce_min3A_671[15] : i32 from vector<16xi32>
    %broadcast_in_dim3A_673 = vector.broadcast %reduce_min3A_672 : i32 to vector<16xi32>
    %swap3A_674 = arith.constant 2 : i32
    %swap3A_675 = arith.index_cast %swap3A_674 : i32 to index
    %swap3A_676 = arith.constant 0 : index
    %swap3A_677 = tpu.vector_load %arg5[%swap3A_675, %swap3A_676] {strides = array<i32>} : memref<4x16xi32, #tpu.memory_space<vmem>>, vector<16xi32>,
    tpu.vector_store %arg5[%swap3A_675, %swap3A_676], %broadcast_in_dim3A_673 {strides = array<i32>} : memref<4x16xi32, #tpu.memory_space<vmem>>, vector<16xi32>,
    %broadcast_in_dim3A_678 = arith.constant 0x7F800000 : f32
    %broadcast_in_dim3A_679 = vector.broadcast %broadcast_in_dim3A_678 : f32 to vector<16xf32>
    %broadcast_in_dim3A_680 = arith.constant 0 : i32
    %broadcast_in_dim3A_681 = vector.broadcast %broadcast_in_dim3A_680 : i32 to vector<16xi32>
    %dma_wait3A_682 = arith.constant 6 : i32
    %dma_wait3A_683 = arith.constant 0 : i32
    %dma_wait3A_684 = tpu.memref_slice %arg4[%dma_wait3A_682, %dma_wait3A_683] : memref<8x4096xf32, #tpu.memory_space<vmem>> -> memref<1x4096xf32, #tpu.memory_space<vmem>>
    %dma_wait3A_685 = tpu.memref_squeeze %dma_wait3A_684 : memref<1x4096xf32, #tpu.memory_space<vmem>> -> memref<4096xf32, #tpu.memory_space<vmem>>
    %dma_wait3A_686 = arith.constant 0 : i32
    %dma_wait3A_687 = tpu.memref_slice %arg2[%add3A_93, %dma_wait3A_686] : memref<128x8192xf32, #tpu.memory_space<hbm>> -> memref<1x4096xf32, #tpu.memory_space<hbm>>
    %dma_wait3A_688 = tpu.memref_squeeze %dma_wait3A_687 : memref<1x4096xf32, #tpu.memory_space<hbm>> -> memref<4096xf32, #tpu.memory_space<hbm>>
    %dma_wait3A_689 = arith.constant 0 : i32
    %dma_wait3A_690 = tpu.memref_slice %arg4[%dma_wait3A_682, %dma_wait3A_689] : memref<8x4096xf32, #tpu.memory_space<vmem>> -> memref<1x4096xf32, #tpu.memory_space<vmem>>
    %dma_wait3A_691 = tpu.memref_squeeze %dma_wait3A_690 : memref<1x4096xf32, #tpu.memory_space<vmem>> -> memref<4096xf32, #tpu.memory_space<vmem>>
    %dma_wait3A_692 = arith.constant 0 : i32
    %dma_wait3A_693 = tpu.memref_slice %arg2[%add3A_93, %dma_wait3A_692] : memref<128x8192xf32, #tpu.memory_space<hbm>> -> memref<1x4096xf32, #tpu.memory_space<hbm>>
    %dma_wait3A_694 = tpu.memref_squeeze %dma_wait3A_693 : memref<1x4096xf32, #tpu.memory_space<hbm>> -> memref<4096xf32, #tpu.memory_space<hbm>>
    tpu.wait_dma2 semaphore(%arg12 : memref<!tpu.dma_semaphore, #tpu.memory_space<semaphore_mem>>) src(%dma_wait3A_694 : memref<4096xf32, #tpu.memory_space<hbm>>) dst(%dma_wait3A_691 : memref<4096xf32, #tpu.memory_space<vmem>>)
    %parallel_loop3A_695 = arith.constant 0 : i32
    %parallel_loop3A_696 = arith.constant 32 : i32
    %parallel_loop3A_697 = arith.constant 1 : i32
    %parallel_loop3A_698:16 = scf.for %parallel_loop3A_867 = %parallel_loop3A_695 to %parallel_loop3A_696 step %parallel_loop3A_697 iter_args(%parallel_loop3A_868 = %broadcast_in_dim3A_679, %parallel_loop3A_869 = %broadcast_in_dim3A_679, %parallel_loop3A_870 = %broadcast_in_dim3A_679, %parallel_loop3A_871 = %broadcast_in_dim3A_679, %parallel_loop3A_872 = %broadcast_in_dim3A_679, %parallel_loop3A_873 = %broadcast_in_dim3A_679, %parallel_loop3A_874 = %broadcast_in_dim3A_679, %parallel_loop3A_875 = %broadcast_in_dim3A_679, %parallel_loop3A_876 = %broadcast_in_dim3A_681, %parallel_loop3A_877 = %broadcast_in_dim3A_681, %parallel_loop3A_878 = %broadcast_in_dim3A_681, %parallel_loop3A_879 = %broadcast_in_dim3A_681, %parallel_loop3A_880 = %broadcast_in_dim3A_681, %parallel_loop3A_881 = %broadcast_in_dim3A_681, %parallel_loop3A_882 = %broadcast_in_dim3A_681, %parallel_loop3A_883 = %broadcast_in_dim3A_681) -> (vector<16xf32>, vector<16xf32>, vector<16xf32>, vector<16xf32>, vector<16xf32>, vector<16xf32>, vector<16xf32>, vector<16xf32>, vector<16xi32>, vector<16xi32>, vector<16xi32>, vector<16xi32>, vector<16xi32>, vector<16xi32>, vector<16xi32>, vector<16xi32>)  : i32 {
      %parallel_loop3A_884 = arith.constant 0 : i32
      %parallel_loop3A_885 = arith.addi %parallel_loop3A_867, %parallel_loop3A_884 : i32
      %parallel_loop3A_886 = vector.broadcast %parallel_loop3A_885 : i32 to vector<16xi32>
      %parallel_loop3A_887 = arith.constant 8 : i32
      %parallel_loop3A_888 = arith.muli %parallel_loop3A_867, %parallel_loop3A_887 : i32
      %parallel_loop3A_889 = arith.constant 0 : i32
      %parallel_loop3A_890 = arith.addi %parallel_loop3A_888, %parallel_loop3A_889 : i32
      %parallel_loop3A_891 = arith.constant 16 : i32
      %parallel_loop3A_892 = arith.muli %parallel_loop3A_890, %parallel_loop3A_891 : i32
      %parallel_loop3A_893 = arith.constant 6 : i32
      %parallel_loop3A_894 = arith.index_cast %parallel_loop3A_893 : i32 to index
      %parallel_loop3A_895 = arith.index_cast %parallel_loop3A_892 : i32 to index
      %parallel_loop3A_896 = tpu.vector_load %arg4[%parallel_loop3A_894, %parallel_loop3A_895] {strides = array<i32>} : memref<8x4096xf32, #tpu.memory_space<vmem>>, vector<16xf32>,
      %parallel_loop3A_897 = arith.cmpf olt, %parallel_loop3A_896, %parallel_loop3A_868 : vector<16xf32>
      %parallel_loop3A_898 = arith.select %parallel_loop3A_897, %parallel_loop3A_896, %parallel_loop3A_868 : vector<16xi1>, vector<16xf32>
      %parallel_loop3A_899 = arith.select %parallel_loop3A_897, %parallel_loop3A_886, %parallel_loop3A_876 : vector<16xi1>, vector<16xi32>
      %parallel_loop3A_900 = arith.constant 8 : i32
      %parallel_loop3A_901 = arith.muli %parallel_loop3A_867, %parallel_loop3A_900 : i32
      %parallel_loop3A_902 = arith.constant 1 : i32
      %parallel_loop3A_903 = arith.addi %parallel_loop3A_901, %parallel_loop3A_902 : i32
      %parallel_loop3A_904 = arith.constant 16 : i32
      %parallel_loop3A_905 = arith.muli %parallel_loop3A_903, %parallel_loop3A_904 : i32
      %parallel_loop3A_906 = arith.constant 6 : i32
      %parallel_loop3A_907 = arith.index_cast %parallel_loop3A_906 : i32 to index
      %parallel_loop3A_908 = arith.index_cast %parallel_loop3A_905 : i32 to index
      %parallel_loop3A_909 = tpu.vector_load %arg4[%parallel_loop3A_907, %parallel_loop3A_908] {strides = array<i32>} : memref<8x4096xf32, #tpu.memory_space<vmem>>, vector<16xf32>,
      %parallel_loop3A_910 = arith.cmpf olt, %parallel_loop3A_909, %parallel_loop3A_869 : vector<16xf32>
      %parallel_loop3A_911 = arith.select %parallel_loop3A_910, %parallel_loop3A_909, %parallel_loop3A_869 : vector<16xi1>, vector<16xf32>
      %parallel_loop3A_912 = arith.select %parallel_loop3A_910, %parallel_loop3A_886, %parallel_loop3A_877 : vector<16xi1>, vector<16xi32>
      %parallel_loop3A_913 = arith.constant 8 : i32
      %parallel_loop3A_914 = arith.muli %parallel_loop3A_867, %parallel_loop3A_913 : i32
      %parallel_loop3A_915 = arith.constant 2 : i32
      %parallel_loop3A_916 = arith.addi %parallel_loop3A_914, %parallel_loop3A_915 : i32
      %parallel_loop3A_917 = arith.constant 16 : i32
      %parallel_loop3A_918 = arith.muli %parallel_loop3A_916, %parallel_loop3A_917 : i32
      %parallel_loop3A_919 = arith.constant 6 : i32
      %parallel_loop3A_920 = arith.index_cast %parallel_loop3A_919 : i32 to index
      %parallel_loop3A_921 = arith.index_cast %parallel_loop3A_918 : i32 to index
      %parallel_loop3A_922 = tpu.vector_load %arg4[%parallel_loop3A_920, %parallel_loop3A_921] {strides = array<i32>} : memref<8x4096xf32, #tpu.memory_space<vmem>>, vector<16xf32>,
      %parallel_loop3A_923 = arith.cmpf olt, %parallel_loop3A_922, %parallel_loop3A_870 : vector<16xf32>
      %parallel_loop3A_924 = arith.select %parallel_loop3A_923, %parallel_loop3A_922, %parallel_loop3A_870 : vector<16xi1>, vector<16xf32>
      %parallel_loop3A_925 = arith.select %parallel_loop3A_923, %parallel_loop3A_886, %parallel_loop3A_878 : vector<16xi1>, vector<16xi32>
      %parallel_loop3A_926 = arith.constant 8 : i32
      %parallel_loop3A_927 = arith.muli %parallel_loop3A_867, %parallel_loop3A_926 : i32
      %parallel_loop3A_928 = arith.constant 3 : i32
      %parallel_loop3A_929 = arith.addi %parallel_loop3A_927, %parallel_loop3A_928 : i32
      %parallel_loop3A_930 = arith.constant 16 : i32
      %parallel_loop3A_931 = arith.muli %parallel_loop3A_929, %parallel_loop3A_930 : i32
      %parallel_loop3A_932 = arith.constant 6 : i32
      %parallel_loop3A_933 = arith.index_cast %parallel_loop3A_932 : i32 to index
      %parallel_loop3A_934 = arith.index_cast %parallel_loop3A_931 : i32 to index
      %parallel_loop3A_935 = tpu.vector_load %arg4[%parallel_loop3A_933, %parallel_loop3A_934] {strides = array<i32>} : memref<8x4096xf32, #tpu.memory_space<vmem>>, vector<16xf32>,
      %parallel_loop3A_936 = arith.cmpf olt, %parallel_loop3A_935, %parallel_loop3A_871 : vector<16xf32>
      %parallel_loop3A_937 = arith.select %parallel_loop3A_936, %parallel_loop3A_935, %parallel_loop3A_871 : vector<16xi1>, vector<16xf32>
      %parallel_loop3A_938 = arith.select %parallel_loop3A_936, %parallel_loop3A_886, %parallel_loop3A_879 : vector<16xi1>, vector<16xi32>
      %parallel_loop3A_939 = arith.constant 8 : i32
      %parallel_loop3A_940 = arith.muli %parallel_loop3A_867, %parallel_loop3A_939 : i32
      %parallel_loop3A_941 = arith.constant 4 : i32
      %parallel_loop3A_942 = arith.addi %parallel_loop3A_940, %parallel_loop3A_941 : i32
      %parallel_loop3A_943 = arith.constant 16 : i32
      %parallel_loop3A_944 = arith.muli %parallel_loop3A_942, %parallel_loop3A_943 : i32
      %parallel_loop3A_945 = arith.constant 6 : i32
      %parallel_loop3A_946 = arith.index_cast %parallel_loop3A_945 : i32 to index
      %parallel_loop3A_947 = arith.index_cast %parallel_loop3A_944 : i32 to index
      %parallel_loop3A_948 = tpu.vector_load %arg4[%parallel_loop3A_946, %parallel_loop3A_947] {strides = array<i32>} : memref<8x4096xf32, #tpu.memory_space<vmem>>, vector<16xf32>,
      %parallel_loop3A_949 = arith.cmpf olt, %parallel_loop3A_948, %parallel_loop3A_872 : vector<16xf32>
      %parallel_loop3A_950 = arith.select %parallel_loop3A_949, %parallel_loop3A_948, %parallel_loop3A_872 : vector<16xi1>, vector<16xf32>
      %parallel_loop3A_951 = arith.select %parallel_loop3A_949, %parallel_loop3A_886, %parallel_loop3A_880 : vector<16xi1>, vector<16xi32>
      %parallel_loop3A_952 = arith.constant 8 : i32
      %parallel_loop3A_953 = arith.muli %parallel_loop3A_867, %parallel_loop3A_952 : i32
      %parallel_loop3A_954 = arith.constant 5 : i32
      %parallel_loop3A_955 = arith.addi %parallel_loop3A_953, %parallel_loop3A_954 : i32
      %parallel_loop3A_956 = arith.constant 16 : i32
      %parallel_loop3A_957 = arith.muli %parallel_loop3A_955, %parallel_loop3A_956 : i32
      %parallel_loop3A_958 = arith.constant 6 : i32
      %parallel_loop3A_959 = arith.index_cast %parallel_loop3A_958 : i32 to index
      %parallel_loop3A_960 = arith.index_cast %parallel_loop3A_957 : i32 to index
      %parallel_loop3A_961 = tpu.vector_load %arg4[%parallel_loop3A_959, %parallel_loop3A_960] {strides = array<i32>} : memref<8x4096xf32, #tpu.memory_space<vmem>>, vector<16xf32>,
      %parallel_loop3A_962 = arith.cmpf olt, %parallel_loop3A_961, %parallel_loop3A_873 : vector<16xf32>
      %parallel_loop3A_963 = arith.select %parallel_loop3A_962, %parallel_loop3A_961, %parallel_loop3A_873 : vector<16xi1>, vector<16xf32>
      %parallel_loop3A_964 = arith.select %parallel_loop3A_962, %parallel_loop3A_886, %parallel_loop3A_881 : vector<16xi1>, vector<16xi32>
      %parallel_loop3A_965 = arith.constant 8 : i32
      %parallel_loop3A_966 = arith.muli %parallel_loop3A_867, %parallel_loop3A_965 : i32
      %parallel_loop3A_967 = arith.constant 6 : i32
      %parallel_loop3A_968 = arith.addi %parallel_loop3A_966, %parallel_loop3A_967 : i32
      %parallel_loop3A_969 = arith.constant 16 : i32
      %parallel_loop3A_970 = arith.muli %parallel_loop3A_968, %parallel_loop3A_969 : i32
      %parallel_loop3A_971 = arith.constant 6 : i32
      %parallel_loop3A_972 = arith.index_cast %parallel_loop3A_971 : i32 to index
      %parallel_loop3A_973 = arith.index_cast %parallel_loop3A_970 : i32 to index
      %parallel_loop3A_974 = tpu.vector_load %arg4[%parallel_loop3A_972, %parallel_loop3A_973] {strides = array<i32>} : memref<8x4096xf32, #tpu.memory_space<vmem>>, vector<16xf32>,
      %parallel_loop3A_975 = arith.cmpf olt, %parallel_loop3A_974, %parallel_loop3A_874 : vector<16xf32>
      %parallel_loop3A_976 = arith.select %parallel_loop3A_975, %parallel_loop3A_974, %parallel_loop3A_874 : vector<16xi1>, vector<16xf32>
      %parallel_loop3A_977 = arith.select %parallel_loop3A_975, %parallel_loop3A_886, %parallel_loop3A_882 : vector<16xi1>, vector<16xi32>
      %parallel_loop3A_978 = arith.constant 8 : i32
      %parallel_loop3A_979 = arith.muli %parallel_loop3A_867, %parallel_loop3A_978 : i32
      %parallel_loop3A_980 = arith.constant 7 : i32
      %parallel_loop3A_981 = arith.addi %parallel_loop3A_979, %parallel_loop3A_980 : i32
      %parallel_loop3A_982 = arith.constant 16 : i32
      %parallel_loop3A_983 = arith.muli %parallel_loop3A_981, %parallel_loop3A_982 : i32
      %parallel_loop3A_984 = arith.constant 6 : i32
      %parallel_loop3A_985 = arith.index_cast %parallel_loop3A_984 : i32 to index
      %parallel_loop3A_986 = arith.index_cast %parallel_loop3A_983 : i32 to index
      %parallel_loop3A_987 = tpu.vector_load %arg4[%parallel_loop3A_985, %parallel_loop3A_986] {strides = array<i32>} : memref<8x4096xf32, #tpu.memory_space<vmem>>, vector<16xf32>,
      %parallel_loop3A_988 = arith.cmpf olt, %parallel_loop3A_987, %parallel_loop3A_875 : vector<16xf32>
      %parallel_loop3A_989 = arith.select %parallel_loop3A_988, %parallel_loop3A_987, %parallel_loop3A_875 : vector<16xi1>, vector<16xf32>
      %parallel_loop3A_990 = arith.select %parallel_loop3A_988, %parallel_loop3A_886, %parallel_loop3A_883 : vector<16xi1>, vector<16xi32>
      scf.yield %parallel_loop3A_898, %parallel_loop3A_911, %parallel_loop3A_924, %parallel_loop3A_937, %parallel_loop3A_950, %parallel_loop3A_963, %parallel_loop3A_976, %parallel_loop3A_989, %parallel_loop3A_899, %parallel_loop3A_912, %parallel_loop3A_925, %parallel_loop3A_938, %parallel_loop3A_951, %parallel_loop3A_964, %parallel_loop3A_977, %parallel_loop3A_990 : vector<16xf32>, vector<16xf32>, vector<16xf32>, vector<16xf32>, vector<16xf32>, vector<16xf32>, vector<16xf32>, vector<16xf32>, vector<16xi32>, vector<16xi32>, vector<16xi32>, vector<16xi32>, vector<16xi32>, vector<16xi32>, vector<16xi32>, vector<16xi32>
    } {sc.loop_unroll_factor = 2 : i64, sc.parallel_access}
    %dma_wait3A_699 = arith.constant 7 : i32
    %dma_wait3A_700 = arith.constant 0 : i32
    %dma_wait3A_701 = tpu.memref_slice %arg4[%dma_wait3A_699, %dma_wait3A_700] : memref<8x4096xf32, #tpu.memory_space<vmem>> -> memref<1x4096xf32, #tpu.memory_space<vmem>>
    %dma_wait3A_702 = tpu.memref_squeeze %dma_wait3A_701 : memref<1x4096xf32, #tpu.memory_space<vmem>> -> memref<4096xf32, #tpu.memory_space<vmem>>
    %dma_wait3A_703 = arith.constant 4096 : i32
    %dma_wait3A_704 = tpu.memref_slice %arg2[%add3A_108, %dma_wait3A_703] : memref<128x8192xf32, #tpu.memory_space<hbm>> -> memref<1x4096xf32, #tpu.memory_space<hbm>>
    %dma_wait3A_705 = tpu.memref_squeeze %dma_wait3A_704 : memref<1x4096xf32, #tpu.memory_space<hbm>> -> memref<4096xf32, #tpu.memory_space<hbm>>
    %dma_wait3A_706 = arith.constant 0 : i32
    %dma_wait3A_707 = tpu.memref_slice %arg4[%dma_wait3A_699, %dma_wait3A_706] : memref<8x4096xf32, #tpu.memory_space<vmem>> -> memref<1x4096xf32, #tpu.memory_space<vmem>>
    %dma_wait3A_708 = tpu.memref_squeeze %dma_wait3A_707 : memref<1x4096xf32, #tpu.memory_space<vmem>> -> memref<4096xf32, #tpu.memory_space<vmem>>
    %dma_wait3A_709 = arith.constant 4096 : i32
    %dma_wait3A_710 = tpu.memref_slice %arg2[%add3A_108, %dma_wait3A_709] : memref<128x8192xf32, #tpu.memory_space<hbm>> -> memref<1x4096xf32, #tpu.memory_space<hbm>>
    %dma_wait3A_711 = tpu.memref_squeeze %dma_wait3A_710 : memref<1x4096xf32, #tpu.memory_space<hbm>> -> memref<4096xf32, #tpu.memory_space<hbm>>
    tpu.wait_dma2 semaphore(%arg13 : memref<!tpu.dma_semaphore, #tpu.memory_space<semaphore_mem>>) src(%dma_wait3A_711 : memref<4096xf32, #tpu.memory_space<hbm>>) dst(%dma_wait3A_708 : memref<4096xf32, #tpu.memory_space<vmem>>)
    %parallel_loop3A_712 = arith.constant 0 : i32
    %parallel_loop3A_713 = arith.constant 32 : i32
    %parallel_loop3A_714 = arith.constant 1 : i32
    %parallel_loop3A_715:16 = scf.for %parallel_loop3A_867 = %parallel_loop3A_712 to %parallel_loop3A_713 step %parallel_loop3A_714 iter_args(%parallel_loop3A_868 = %parallel_loop3A_698#0, %parallel_loop3A_869 = %parallel_loop3A_698#1, %parallel_loop3A_870 = %parallel_loop3A_698#2, %parallel_loop3A_871 = %parallel_loop3A_698#3, %parallel_loop3A_872 = %parallel_loop3A_698#4, %parallel_loop3A_873 = %parallel_loop3A_698#5, %parallel_loop3A_874 = %parallel_loop3A_698#6, %parallel_loop3A_875 = %parallel_loop3A_698#7, %parallel_loop3A_876 = %parallel_loop3A_698#8, %parallel_loop3A_877 = %parallel_loop3A_698#9, %parallel_loop3A_878 = %parallel_loop3A_698#10, %parallel_loop3A_879 = %parallel_loop3A_698#11, %parallel_loop3A_880 = %parallel_loop3A_698#12, %parallel_loop3A_881 = %parallel_loop3A_698#13, %parallel_loop3A_882 = %parallel_loop3A_698#14, %parallel_loop3A_883 = %parallel_loop3A_698#15) -> (vector<16xf32>, vector<16xf32>, vector<16xf32>, vector<16xf32>, vector<16xf32>, vector<16xf32>, vector<16xf32>, vector<16xf32>, vector<16xi32>, vector<16xi32>, vector<16xi32>, vector<16xi32>, vector<16xi32>, vector<16xi32>, vector<16xi32>, vector<16xi32>)  : i32 {
      %parallel_loop3A_884 = arith.constant 32 : i32
      %parallel_loop3A_885 = arith.addi %parallel_loop3A_867, %parallel_loop3A_884 : i32
      %parallel_loop3A_886 = vector.broadcast %parallel_loop3A_885 : i32 to vector<16xi32>
      %parallel_loop3A_887 = arith.constant 8 : i32
      %parallel_loop3A_888 = arith.muli %parallel_loop3A_867, %parallel_loop3A_887 : i32
      %parallel_loop3A_889 = arith.constant 0 : i32
      %parallel_loop3A_890 = arith.addi %parallel_loop3A_888, %parallel_loop3A_889 : i32
      %parallel_loop3A_891 = arith.constant 16 : i32
      %parallel_loop3A_892 = arith.muli %parallel_loop3A_890, %parallel_loop3A_891 : i32
      %parallel_loop3A_893 = arith.constant 7 : i32
      %parallel_loop3A_894 = arith.index_cast %parallel_loop3A_893 : i32 to index
      %parallel_loop3A_895 = arith.index_cast %parallel_loop3A_892 : i32 to index
      %parallel_loop3A_896 = tpu.vector_load %arg4[%parallel_loop3A_894, %parallel_loop3A_895] {strides = array<i32>} : memref<8x4096xf32, #tpu.memory_space<vmem>>, vector<16xf32>,
      %parallel_loop3A_897 = arith.cmpf olt, %parallel_loop3A_896, %parallel_loop3A_868 : vector<16xf32>
      %parallel_loop3A_898 = arith.select %parallel_loop3A_897, %parallel_loop3A_896, %parallel_loop3A_868 : vector<16xi1>, vector<16xf32>
      %parallel_loop3A_899 = arith.select %parallel_loop3A_897, %parallel_loop3A_886, %parallel_loop3A_876 : vector<16xi1>, vector<16xi32>
      %parallel_loop3A_900 = arith.constant 8 : i32
      %parallel_loop3A_901 = arith.muli %parallel_loop3A_867, %parallel_loop3A_900 : i32
      %parallel_loop3A_902 = arith.constant 1 : i32
      %parallel_loop3A_903 = arith.addi %parallel_loop3A_901, %parallel_loop3A_902 : i32
      %parallel_loop3A_904 = arith.constant 16 : i32
      %parallel_loop3A_905 = arith.muli %parallel_loop3A_903, %parallel_loop3A_904 : i32
      %parallel_loop3A_906 = arith.constant 7 : i32
      %parallel_loop3A_907 = arith.index_cast %parallel_loop3A_906 : i32 to index
      %parallel_loop3A_908 = arith.index_cast %parallel_loop3A_905 : i32 to index
      %parallel_loop3A_909 = tpu.vector_load %arg4[%parallel_loop3A_907, %parallel_loop3A_908] {strides = array<i32>} : memref<8x4096xf32, #tpu.memory_space<vmem>>, vector<16xf32>,
      %parallel_loop3A_910 = arith.cmpf olt, %parallel_loop3A_909, %parallel_loop3A_869 : vector<16xf32>
      %parallel_loop3A_911 = arith.select %parallel_loop3A_910, %parallel_loop3A_909, %parallel_loop3A_869 : vector<16xi1>, vector<16xf32>
      %parallel_loop3A_912 = arith.select %parallel_loop3A_910, %parallel_loop3A_886, %parallel_loop3A_877 : vector<16xi1>, vector<16xi32>
      %parallel_loop3A_913 = arith.constant 8 : i32
      %parallel_loop3A_914 = arith.muli %parallel_loop3A_867, %parallel_loop3A_913 : i32
      %parallel_loop3A_915 = arith.constant 2 : i32
      %parallel_loop3A_916 = arith.addi %parallel_loop3A_914, %parallel_loop3A_915 : i32
      %parallel_loop3A_917 = arith.constant 16 : i32
      %parallel_loop3A_918 = arith.muli %parallel_loop3A_916, %parallel_loop3A_917 : i32
      %parallel_loop3A_919 = arith.constant 7 : i32
      %parallel_loop3A_920 = arith.index_cast %parallel_loop3A_919 : i32 to index
      %parallel_loop3A_921 = arith.index_cast %parallel_loop3A_918 : i32 to index
      %parallel_loop3A_922 = tpu.vector_load %arg4[%parallel_loop3A_920, %parallel_loop3A_921] {strides = array<i32>} : memref<8x4096xf32, #tpu.memory_space<vmem>>, vector<16xf32>,
      %parallel_loop3A_923 = arith.cmpf olt, %parallel_loop3A_922, %parallel_loop3A_870 : vector<16xf32>
      %parallel_loop3A_924 = arith.select %parallel_loop3A_923, %parallel_loop3A_922, %parallel_loop3A_870 : vector<16xi1>, vector<16xf32>
      %parallel_loop3A_925 = arith.select %parallel_loop3A_923, %parallel_loop3A_886, %parallel_loop3A_878 : vector<16xi1>, vector<16xi32>
      %parallel_loop3A_926 = arith.constant 8 : i32
      %parallel_loop3A_927 = arith.muli %parallel_loop3A_867, %parallel_loop3A_926 : i32
      %parallel_loop3A_928 = arith.constant 3 : i32
      %parallel_loop3A_929 = arith.addi %parallel_loop3A_927, %parallel_loop3A_928 : i32
      %parallel_loop3A_930 = arith.constant 16 : i32
      %parallel_loop3A_931 = arith.muli %parallel_loop3A_929, %parallel_loop3A_930 : i32
      %parallel_loop3A_932 = arith.constant 7 : i32
      %parallel_loop3A_933 = arith.index_cast %parallel_loop3A_932 : i32 to index
      %parallel_loop3A_934 = arith.index_cast %parallel_loop3A_931 : i32 to index
      %parallel_loop3A_935 = tpu.vector_load %arg4[%parallel_loop3A_933, %parallel_loop3A_934] {strides = array<i32>} : memref<8x4096xf32, #tpu.memory_space<vmem>>, vector<16xf32>,
      %parallel_loop3A_936 = arith.cmpf olt, %parallel_loop3A_935, %parallel_loop3A_871 : vector<16xf32>
      %parallel_loop3A_937 = arith.select %parallel_loop3A_936, %parallel_loop3A_935, %parallel_loop3A_871 : vector<16xi1>, vector<16xf32>
      %parallel_loop3A_938 = arith.select %parallel_loop3A_936, %parallel_loop3A_886, %parallel_loop3A_879 : vector<16xi1>, vector<16xi32>
      %parallel_loop3A_939 = arith.constant 8 : i32
      %parallel_loop3A_940 = arith.muli %parallel_loop3A_867, %parallel_loop3A_939 : i32
      %parallel_loop3A_941 = arith.constant 4 : i32
      %parallel_loop3A_942 = arith.addi %parallel_loop3A_940, %parallel_loop3A_941 : i32
      %parallel_loop3A_943 = arith.constant 16 : i32
      %parallel_loop3A_944 = arith.muli %parallel_loop3A_942, %parallel_loop3A_943 : i32
      %parallel_loop3A_945 = arith.constant 7 : i32
      %parallel_loop3A_946 = arith.index_cast %parallel_loop3A_945 : i32 to index
      %parallel_loop3A_947 = arith.index_cast %parallel_loop3A_944 : i32 to index
      %parallel_loop3A_948 = tpu.vector_load %arg4[%parallel_loop3A_946, %parallel_loop3A_947] {strides = array<i32>} : memref<8x4096xf32, #tpu.memory_space<vmem>>, vector<16xf32>,
      %parallel_loop3A_949 = arith.cmpf olt, %parallel_loop3A_948, %parallel_loop3A_872 : vector<16xf32>
      %parallel_loop3A_950 = arith.select %parallel_loop3A_949, %parallel_loop3A_948, %parallel_loop3A_872 : vector<16xi1>, vector<16xf32>
      %parallel_loop3A_951 = arith.select %parallel_loop3A_949, %parallel_loop3A_886, %parallel_loop3A_880 : vector<16xi1>, vector<16xi32>
      %parallel_loop3A_952 = arith.constant 8 : i32
      %parallel_loop3A_953 = arith.muli %parallel_loop3A_867, %parallel_loop3A_952 : i32
      %parallel_loop3A_954 = arith.constant 5 : i32
      %parallel_loop3A_955 = arith.addi %parallel_loop3A_953, %parallel_loop3A_954 : i32
      %parallel_loop3A_956 = arith.constant 16 : i32
      %parallel_loop3A_957 = arith.muli %parallel_loop3A_955, %parallel_loop3A_956 : i32
      %parallel_loop3A_958 = arith.constant 7 : i32
      %parallel_loop3A_959 = arith.index_cast %parallel_loop3A_958 : i32 to index
      %parallel_loop3A_960 = arith.index_cast %parallel_loop3A_957 : i32 to index
      %parallel_loop3A_961 = tpu.vector_load %arg4[%parallel_loop3A_959, %parallel_loop3A_960] {strides = array<i32>} : memref<8x4096xf32, #tpu.memory_space<vmem>>, vector<16xf32>,
      %parallel_loop3A_962 = arith.cmpf olt, %parallel_loop3A_961, %parallel_loop3A_873 : vector<16xf32>
      %parallel_loop3A_963 = arith.select %parallel_loop3A_962, %parallel_loop3A_961, %parallel_loop3A_873 : vector<16xi1>, vector<16xf32>
      %parallel_loop3A_964 = arith.select %parallel_loop3A_962, %parallel_loop3A_886, %parallel_loop3A_881 : vector<16xi1>, vector<16xi32>
      %parallel_loop3A_965 = arith.constant 8 : i32
      %parallel_loop3A_966 = arith.muli %parallel_loop3A_867, %parallel_loop3A_965 : i32
      %parallel_loop3A_967 = arith.constant 6 : i32
      %parallel_loop3A_968 = arith.addi %parallel_loop3A_966, %parallel_loop3A_967 : i32
      %parallel_loop3A_969 = arith.constant 16 : i32
      %parallel_loop3A_970 = arith.muli %parallel_loop3A_968, %parallel_loop3A_969 : i32
      %parallel_loop3A_971 = arith.constant 7 : i32
      %parallel_loop3A_972 = arith.index_cast %parallel_loop3A_971 : i32 to index
      %parallel_loop3A_973 = arith.index_cast %parallel_loop3A_970 : i32 to index
      %parallel_loop3A_974 = tpu.vector_load %arg4[%parallel_loop3A_972, %parallel_loop3A_973] {strides = array<i32>} : memref<8x4096xf32, #tpu.memory_space<vmem>>, vector<16xf32>,
      %parallel_loop3A_975 = arith.cmpf olt, %parallel_loop3A_974, %parallel_loop3A_874 : vector<16xf32>
      %parallel_loop3A_976 = arith.select %parallel_loop3A_975, %parallel_loop3A_974, %parallel_loop3A_874 : vector<16xi1>, vector<16xf32>
      %parallel_loop3A_977 = arith.select %parallel_loop3A_975, %parallel_loop3A_886, %parallel_loop3A_882 : vector<16xi1>, vector<16xi32>
      %parallel_loop3A_978 = arith.constant 8 : i32
      %parallel_loop3A_979 = arith.muli %parallel_loop3A_867, %parallel_loop3A_978 : i32
      %parallel_loop3A_980 = arith.constant 7 : i32
      %parallel_loop3A_981 = arith.addi %parallel_loop3A_979, %parallel_loop3A_980 : i32
      %parallel_loop3A_982 = arith.constant 16 : i32
      %parallel_loop3A_983 = arith.muli %parallel_loop3A_981, %parallel_loop3A_982 : i32
      %parallel_loop3A_984 = arith.constant 7 : i32
      %parallel_loop3A_985 = arith.index_cast %parallel_loop3A_984 : i32 to index
      %parallel_loop3A_986 = arith.index_cast %parallel_loop3A_983 : i32 to index
      %parallel_loop3A_987 = tpu.vector_load %arg4[%parallel_loop3A_985, %parallel_loop3A_986] {strides = array<i32>} : memref<8x4096xf32, #tpu.memory_space<vmem>>, vector<16xf32>,
      %parallel_loop3A_988 = arith.cmpf olt, %parallel_loop3A_987, %parallel_loop3A_875 : vector<16xf32>
      %parallel_loop3A_989 = arith.select %parallel_loop3A_988, %parallel_loop3A_987, %parallel_loop3A_875 : vector<16xi1>, vector<16xf32>
      %parallel_loop3A_990 = arith.select %parallel_loop3A_988, %parallel_loop3A_886, %parallel_loop3A_883 : vector<16xi1>, vector<16xi32>
      scf.yield %parallel_loop3A_898, %parallel_loop3A_911, %parallel_loop3A_924, %parallel_loop3A_937, %parallel_loop3A_950, %parallel_loop3A_963, %parallel_loop3A_976, %parallel_loop3A_989, %parallel_loop3A_899, %parallel_loop3A_912, %parallel_loop3A_925, %parallel_loop3A_938, %parallel_loop3A_951, %parallel_loop3A_964, %parallel_loop3A_977, %parallel_loop3A_990 : vector<16xf32>, vector<16xf32>, vector<16xf32>, vector<16xf32>, vector<16xf32>, vector<16xf32>, vector<16xf32>, vector<16xf32>, vector<16xi32>, vector<16xi32>, vector<16xi32>, vector<16xi32>, vector<16xi32>, vector<16xi32>, vector<16xi32>, vector<16xi32>
    } {sc.loop_unroll_factor = 2 : i64, sc.parallel_access}
    %mul3A_716 = arith.constant 8 : i32
    %mul3A_717 = vector.broadcast %mul3A_716 : i32 to vector<16xi32>
    %mul3A_718 = arith.muli %parallel_loop3A_715#8, %mul3A_717 : vector<16xi32>
    %add3A_719 = arith.constant 0 : i32
    %add3A_720 = vector.broadcast %add3A_719 : i32 to vector<16xi32>
    %add3A_721 = arith.addi %mul3A_718, %add3A_720 : vector<16xi32>
    %mul3A_722 = arith.constant 16 : i32
    %mul3A_723 = vector.broadcast %mul3A_722 : i32 to vector<16xi32>
    %mul3A_724 = arith.muli %add3A_721, %mul3A_723 : vector<16xi32>
    %add3A_725 = arith.addi %mul3A_724, %iota3A : vector<16xi32>
    %mul3A_726 = arith.constant 8 : i32
    %mul3A_727 = vector.broadcast %mul3A_726 : i32 to vector<16xi32>
    %mul3A_728 = arith.muli %parallel_loop3A_715#9, %mul3A_727 : vector<16xi32>
    %add3A_729 = arith.constant 1 : i32
    %add3A_730 = vector.broadcast %add3A_729 : i32 to vector<16xi32>
    %add3A_731 = arith.addi %mul3A_728, %add3A_730 : vector<16xi32>
    %mul3A_732 = arith.constant 16 : i32
    %mul3A_733 = vector.broadcast %mul3A_732 : i32 to vector<16xi32>
    %mul3A_734 = arith.muli %add3A_731, %mul3A_733 : vector<16xi32>
    %add3A_735 = arith.addi %mul3A_734, %iota3A : vector<16xi32>
    %mul3A_736 = arith.constant 8 : i32
    %mul3A_737 = vector.broadcast %mul3A_736 : i32 to vector<16xi32>
    %mul3A_738 = arith.muli %parallel_loop3A_715#10, %mul3A_737 : vector<16xi32>
    %add3A_739 = arith.constant 2 : i32
    %add3A_740 = vector.broadcast %add3A_739 : i32 to vector<16xi32>
    %add3A_741 = arith.addi %mul3A_738, %add3A_740 : vector<16xi32>
    %mul3A_742 = arith.constant 16 : i32
    %mul3A_743 = vector.broadcast %mul3A_742 : i32 to vector<16xi32>
    %mul3A_744 = arith.muli %add3A_741, %mul3A_743 : vector<16xi32>
    %add3A_745 = arith.addi %mul3A_744, %iota3A : vector<16xi32>
    %mul3A_746 = arith.constant 8 : i32
    %mul3A_747 = vector.broadcast %mul3A_746 : i32 to vector<16xi32>
    %mul3A_748 = arith.muli %parallel_loop3A_715#11, %mul3A_747 : vector<16xi32>
    %add3A_749 = arith.constant 3 : i32
    %add3A_750 = vector.broadcast %add3A_749 : i32 to vector<16xi32>
    %add3A_751 = arith.addi %mul3A_748, %add3A_750 : vector<16xi32>
    %mul3A_752 = arith.constant 16 : i32
    %mul3A_753 = vector.broadcast %mul3A_752 : i32 to vector<16xi32>
    %mul3A_754 = arith.muli %add3A_751, %mul3A_753 : vector<16xi32>
    %add3A_755 = arith.addi %mul3A_754, %iota3A : vector<16xi32>
    %mul3A_756 = arith.constant 8 : i32
    %mul3A_757 = vector.broadcast %mul3A_756 : i32 to vector<16xi32>
    %mul3A_758 = arith.muli %parallel_loop3A_715#12, %mul3A_757 : vector<16xi32>
    %add3A_759 = arith.constant 4 : i32
    %add3A_760 = vector.broadcast %add3A_759 : i32 to vector<16xi32>
    %add3A_761 = arith.addi %mul3A_758, %add3A_760 : vector<16xi32>
    %mul3A_762 = arith.constant 16 : i32
    %mul3A_763 = vector.broadcast %mul3A_762 : i32 to vector<16xi32>
    %mul3A_764 = arith.muli %add3A_761, %mul3A_763 : vector<16xi32>
    %add3A_765 = arith.addi %mul3A_764, %iota3A : vector<16xi32>
    %mul3A_766 = arith.constant 8 : i32
    %mul3A_767 = vector.broadcast %mul3A_766 : i32 to vector<16xi32>
    %mul3A_768 = arith.muli %parallel_loop3A_715#13, %mul3A_767 : vector<16xi32>
    %add3A_769 = arith.constant 5 : i32
    %add3A_770 = vector.broadcast %add3A_769 : i32 to vector<16xi32>
    %add3A_771 = arith.addi %mul3A_768, %add3A_770 : vector<16xi32>
    %mul3A_772 = arith.constant 16 : i32
    %mul3A_773 = vector.broadcast %mul3A_772 : i32 to vector<16xi32>
    %mul3A_774 = arith.muli %add3A_771, %mul3A_773 : vector<16xi32>
    %add3A_775 = arith.addi %mul3A_774, %iota3A : vector<16xi32>
    %mul3A_776 = arith.constant 8 : i32
    %mul3A_777 = vector.broadcast %mul3A_776 : i32 to vector<16xi32>
    %mul3A_778 = arith.muli %parallel_loop3A_715#14, %mul3A_777 : vector<16xi32>
    %add3A_779 = arith.constant 6 : i32
    %add3A_780 = vector.broadcast %add3A_779 : i32 to vector<16xi32>
    %add3A_781 = arith.addi %mul3A_778, %add3A_780 : vector<16xi32>
    %mul3A_782 = arith.constant 16 : i32
    %mul3A_783 = vector.broadcast %mul3A_782 : i32 to vector<16xi32>
    %mul3A_784 = arith.muli %add3A_781, %mul3A_783 : vector<16xi32>
    %add3A_785 = arith.addi %mul3A_784, %iota3A : vector<16xi32>
    %mul3A_786 = arith.constant 8 : i32
    %mul3A_787 = vector.broadcast %mul3A_786 : i32 to vector<16xi32>
    %mul3A_788 = arith.muli %parallel_loop3A_715#15, %mul3A_787 : vector<16xi32>
    %add3A_789 = arith.constant 7 : i32
    %add3A_790 = vector.broadcast %add3A_789 : i32 to vector<16xi32>
    %add3A_791 = arith.addi %mul3A_788, %add3A_790 : vector<16xi32>
    %mul3A_792 = arith.constant 16 : i32
    %mul3A_793 = vector.broadcast %mul3A_792 : i32 to vector<16xi32>
    %mul3A_794 = arith.muli %add3A_791, %mul3A_793 : vector<16xi32>
    %add3A_795 = arith.addi %mul3A_794, %iota3A : vector<16xi32>
    %lt3A_796 = arith.cmpf olt, %parallel_loop3A_715#1, %parallel_loop3A_715#0 : vector<16xf32>
    %eq3A_797 = arith.cmpf oeq, %parallel_loop3A_715#1, %parallel_loop3A_715#0 : vector<16xf32>
    %lt3A_798 = arith.cmpi slt, %add3A_735, %add3A_725 : vector<16xi32>
    %and3A_799 = arith.andi %eq3A_797, %lt3A_798 : vector<16xi1>
    %or3A_800 = arith.ori %lt3A_796, %and3A_799 : vector<16xi1>
    %select_n3A_801 = arith.select %or3A_800, %parallel_loop3A_715#1, %parallel_loop3A_715#0 : vector<16xi1>, vector<16xf32>
    %select_n3A_802 = arith.select %or3A_800, %add3A_735, %add3A_725 : vector<16xi1>, vector<16xi32>
    %lt3A_803 = arith.cmpf olt, %parallel_loop3A_715#3, %parallel_loop3A_715#2 : vector<16xf32>
    %eq3A_804 = arith.cmpf oeq, %parallel_loop3A_715#3, %parallel_loop3A_715#2 : vector<16xf32>
    %lt3A_805 = arith.cmpi slt, %add3A_755, %add3A_745 : vector<16xi32>
    %and3A_806 = arith.andi %eq3A_804, %lt3A_805 : vector<16xi1>
    %or3A_807 = arith.ori %lt3A_803, %and3A_806 : vector<16xi1>
    %select_n3A_808 = arith.select %or3A_807, %parallel_loop3A_715#3, %parallel_loop3A_715#2 : vector<16xi1>, vector<16xf32>
    %select_n3A_809 = arith.select %or3A_807, %add3A_755, %add3A_745 : vector<16xi1>, vector<16xi32>
    %lt3A_810 = arith.cmpf olt, %parallel_loop3A_715#5, %parallel_loop3A_715#4 : vector<16xf32>
    %eq3A_811 = arith.cmpf oeq, %parallel_loop3A_715#5, %parallel_loop3A_715#4 : vector<16xf32>
    %lt3A_812 = arith.cmpi slt, %add3A_775, %add3A_765 : vector<16xi32>
    %and3A_813 = arith.andi %eq3A_811, %lt3A_812 : vector<16xi1>
    %or3A_814 = arith.ori %lt3A_810, %and3A_813 : vector<16xi1>
    %select_n3A_815 = arith.select %or3A_814, %parallel_loop3A_715#5, %parallel_loop3A_715#4 : vector<16xi1>, vector<16xf32>
    %select_n3A_816 = arith.select %or3A_814, %add3A_775, %add3A_765 : vector<16xi1>, vector<16xi32>
    %lt3A_817 = arith.cmpf olt, %parallel_loop3A_715#7, %parallel_loop3A_715#6 : vector<16xf32>
    %eq3A_818 = arith.cmpf oeq, %parallel_loop3A_715#7, %parallel_loop3A_715#6 : vector<16xf32>
    %lt3A_819 = arith.cmpi slt, %add3A_795, %add3A_785 : vector<16xi32>
    %and3A_820 = arith.andi %eq3A_818, %lt3A_819 : vector<16xi1>
    %or3A_821 = arith.ori %lt3A_817, %and3A_820 : vector<16xi1>
    %select_n3A_822 = arith.select %or3A_821, %parallel_loop3A_715#7, %parallel_loop3A_715#6 : vector<16xi1>, vector<16xf32>
    %select_n3A_823 = arith.select %or3A_821, %add3A_795, %add3A_785 : vector<16xi1>, vector<16xi32>
    %lt3A_824 = arith.cmpf olt, %select_n3A_808, %select_n3A_801 : vector<16xf32>
    %eq3A_825 = arith.cmpf oeq, %select_n3A_808, %select_n3A_801 : vector<16xf32>
    %lt3A_826 = arith.cmpi slt, %select_n3A_809, %select_n3A_802 : vector<16xi32>
    %and3A_827 = arith.andi %eq3A_825, %lt3A_826 : vector<16xi1>
    %or3A_828 = arith.ori %lt3A_824, %and3A_827 : vector<16xi1>
    %select_n3A_829 = arith.select %or3A_828, %select_n3A_808, %select_n3A_801 : vector<16xi1>, vector<16xf32>
    %select_n3A_830 = arith.select %or3A_828, %select_n3A_809, %select_n3A_802 : vector<16xi1>, vector<16xi32>
    %lt3A_831 = arith.cmpf olt, %select_n3A_822, %select_n3A_815 : vector<16xf32>
    %eq3A_832 = arith.cmpf oeq, %select_n3A_822, %select_n3A_815 : vector<16xf32>
    %lt3A_833 = arith.cmpi slt, %select_n3A_823, %select_n3A_816 : vector<16xi32>
    %and3A_834 = arith.andi %eq3A_832, %lt3A_833 : vector<16xi1>
    %or3A_835 = arith.ori %lt3A_831, %and3A_834 : vector<16xi1>
    %select_n3A_836 = arith.select %or3A_835, %select_n3A_822, %select_n3A_815 : vector<16xi1>, vector<16xf32>
    %select_n3A_837 = arith.select %or3A_835, %select_n3A_823, %select_n3A_816 : vector<16xi1>, vector<16xi32>
    %lt3A_838 = arith.cmpf olt, %select_n3A_836, %select_n3A_829 : vector<16xf32>
    %eq3A_839 = arith.cmpf oeq, %select_n3A_836, %select_n3A_829 : vector<16xf32>
    %lt3A_840 = arith.cmpi slt, %select_n3A_837, %select_n3A_830 : vector<16xi32>
    %and3A_841 = arith.andi %eq3A_839, %lt3A_840 : vector<16xi1>
    %or3A_842 = arith.ori %lt3A_838, %and3A_841 : vector<16xi1>
    %select_n3A_843 = arith.select %or3A_842, %select_n3A_836, %select_n3A_829 : vector<16xi1>, vector<16xf32>
    %select_n3A_844 = arith.select %or3A_842, %select_n3A_837, %select_n3A_830 : vector<16xi1>, vector<16xi32>
    %reduce_min3A_845 = arith.constant true
    %reduce_min3A_846 = vector.broadcast %reduce_min3A_845 : i1 to vector<16xi1>
    %reduce_min3A_847 = tpu.scan <min>, %select_n3A_843 masked %reduce_min3A_846 : vector<16xf32>, vector<16xi1> -> vector<16xf32>
    %reduce_min3A_848 = vector.extract %reduce_min3A_847[15] : f32 from vector<16xf32>
    %eq3A_849 = vector.broadcast %reduce_min3A_848 : f32 to vector<16xf32>
    %eq3A_850 = arith.cmpf oeq, %select_n3A_843, %eq3A_849 : vector<16xf32>
    %jit3A_851 = arith.constant 2147483647 : i32
    %broadcast_in_dim3A_852 = vector.broadcast %jit3A_851 : i32 to vector<16xi32>
    %select_n3A_853 = arith.select %eq3A_850, %select_n3A_844, %broadcast_in_dim3A_852 : vector<16xi1>, vector<16xi32>
    %reduce_min3A_854 = arith.constant true
    %reduce_min3A_855 = vector.broadcast %reduce_min3A_854 : i1 to vector<16xi1>
    %reduce_min3A_856 = arith.constant -2147483648 : i32
    %reduce_min3A_857 = vector.broadcast %reduce_min3A_856 : i32 to vector<16xi32>
    %reduce_min3A_858 = arith.xori %select_n3A_853, %reduce_min3A_857 : vector<16xi32>
    %reduce_min3A_859 = tpu.scan <min>, %reduce_min3A_858 masked %reduce_min3A_855 : vector<16xi32>, vector<16xi1> -> vector<16xi32>
    %reduce_min3A_860 = arith.xori %reduce_min3A_859, %reduce_min3A_857 : vector<16xi32>
    %reduce_min3A_861 = vector.extract %reduce_min3A_860[15] : i32 from vector<16xi32>
    %broadcast_in_dim3A_862 = vector.broadcast %reduce_min3A_861 : i32 to vector<16xi32>
    %swap3A_863 = arith.constant 3 : i32
    %swap3A_864 = arith.index_cast %swap3A_863 : i32 to index
    %swap3A_865 = arith.constant 0 : index
    %swap3A_866 = tpu.vector_load %arg5[%swap3A_864, %swap3A_865] {strides = array<i32>} : memref<4x16xi32, #tpu.memory_space<vmem>>, vector<16xi32>,
    tpu.vector_store %arg5[%swap3A_864, %swap3A_865], %broadcast_in_dim3A_862 {strides = array<i32>} : memref<4x16xi32, #tpu.memory_space<vmem>>, vector<16xi32>,
    %multiple_of3A = tpu.assume_multiple %mul3A_2, 4 : i32
    "tpu.region"() ({
      %run_scoped3A = tpu.sem_alloc : memref<!tpu.dma_semaphore, #tpu.memory_space<semaphore_mem>>
      %dma_start3A_867 = arith.constant 0 : i32
      %dma_start3A_868 = tpu.memref_slice %arg3[%multiple_of3A, %dma_start3A_867] : memref<128x16xi32, #tpu.memory_space<hbm>> -> memref<4x16xi32, #tpu.memory_space<hbm>>
      %dma_start3A_869 = arith.constant 0 : i32
      %dma_start3A_870 = tpu.memref_slice %arg3[%multiple_of3A, %dma_start3A_869] : memref<128x16xi32, #tpu.memory_space<hbm>> -> memref<4x16xi32, #tpu.memory_space<hbm>>
      tpu.enqueue_dma source(%arg5 : memref<4x16xi32, #tpu.memory_space<vmem>>) target(%dma_start3A_870 : memref<4x16xi32, #tpu.memory_space<hbm>>) target_semaphore(%run_scoped3A : memref<!tpu.dma_semaphore, #tpu.memory_space<semaphore_mem>>)
      %dma_wait3A_871 = arith.constant 0 : i32
      %dma_wait3A_872 = tpu.memref_slice %arg3[%multiple_of3A, %dma_wait3A_871] : memref<128x16xi32, #tpu.memory_space<hbm>> -> memref<4x16xi32, #tpu.memory_space<hbm>>
      %dma_wait3A_873 = arith.constant 0 : i32
      %dma_wait3A_874 = tpu.memref_slice %arg3[%multiple_of3A, %dma_wait3A_873] : memref<128x16xi32, #tpu.memory_space<hbm>> -> memref<4x16xi32, #tpu.memory_space<hbm>>
      tpu.wait_dma2 semaphore(%run_scoped3A : memref<!tpu.dma_semaphore, #tpu.memory_space<semaphore_mem>>) src(%arg5 : memref<4x16xi32, #tpu.memory_space<vmem>>) dst(%dma_wait3A_874 : memref<4x16xi32, #tpu.memory_space<hbm>>)
      tpu.yield
    }) : () -> ()
    return
  }
}

</mosaic_0001>

<sc_bundles>
// kernel: kernel.3.cloned.1.call-start
scs
__scs_entry_jumppad:
0x0: {  	(pc) =	sbr.rel $0x88, $3  }
0x1: {  	(tag) =	ssettag $0x0;
	lr =	simm.s32 $0x1  }
0x2: {  	[smem:$0x3FA0] =	sst lr;
	_ =	strace $0xD0000000  }
0x3: {  	_ = 	snop  }
0x4: {  	_ = 	snop  }
0x5: {  	_ = 	snop  }
0x6: {  	_ = 	snop  }
0x7: {  	_ = 	snop  }
__scs_overlays_trampoline_lowered:
0x8: {  	[smem:$0x3FAF] =	sst s0  }
0x9: {  	[smem:$0x3FB0] =	sst s1  }
0xa: {  	[smem:$0x3FB1] =	sst s2  }
0xb: {  	[smem:$0x3FB2] =	sst s3  }
0xc: {  	[smem:$0x3FB3] =	sst s4  }
0xd: {  	[smem:$0x3FB4] =	sst s5  }
0xe: {  	[smem:$0x3FB5] =	sst s6  }
0xf: {  	[smem:$0x3FB6] =	sst s7  }
0x10: {  	[smem:$0x3FB7] =	sst s8  }
0x11: {  	[smem:$0x3FB8] =	sst s9;
	s0 =	simm.s32 @!p0 $0x0  }
0x12: {  	s1 =	sld [smem:$0x3F9E];
	s0 =	simm.s32 @p0 $0x1  }
0x13: {  	[smem:$0x3FB9] =	sst s0;
	s0 =	simm.s32 @!p1 $0x0  }
0x14: {  	s2 =	sld [smem:$0x3F9D];
	s0 =	simm.s32 @p1 $0x1  }
0x15: {  	[smem:$0x3FBA] =	sst s0;
	s0 =	simm.s32 @!p2 $0x0  }
0x16: {  	s3 =	sld [smem:$0x3FDB];
	s0 =	simm.s32 @p2 $0x1  }
0x17: {  	s4 =	simm.s32 $0x1BF5;
	[smem:$0x3FBC] =	sst s0  }
0x18: {  	s0 =	sld [smem:$0x3F9F];
	_ =	swait.ge [sflag:s4], $0x0  }
0x19: {  	s7 =	sld [smem:$0x3FA0]  }
0x1a: {  	s8 =	sadd.s32 $0xFFFFE003, lr  }
0x1b: {  	s9 =	sadd.s32 $0xFFFFFEF7, lr;
	s5 =	simm.s32 $0xFFFFFFFF;
	p2 =	slt.u32 s8, $0xFFFFF086  }
0x1c: {  	p1 =	slt.u32 s9, $0xF7A;
	s5 =	simm.s32 @!p2 $0x0  }
0x1d: {  	s5 =	simm.s32 @p1 $0x1;
	p0 =	seq.s32 s7, s2  }
0x1e: {  	s7 =	smul.u32 @!p0 $0xF7A, s2;
	p2 =	seq.s32 @!p0 s5, $0x0  }
0x1f: {  	s9 =	smul.u32 $0xF7A, s1;
	s8 =	simm.s32 @!p0 $0x1BF5;
	p2 =	por !p2, p0  }
0x20: {  	[sflag:s8] =	ssyncset.s32 @!p0 $0xFFFFF086;
	s6 =	sadd.s32 @!p0 s3, s7;
	s7 =	simm.s32 @!p0 $0x108  }
0x21: {  	s3 =	sadd.s32 s3, s9;
	s6 =	sadd.s32 @!p0 $0x88, s6;
	s7 =	simm.s32 @p2 $0x1082  }
0x22: {  	[simem:s7], [sflag:s8] =	dma.local @!p0 [hbm:s6], $0xF7A  }
0x23: {  	s9 =	sor.u32 $0xD0000000, s2;
	s6 =	simm.s32 $0x108;
	_ =	swait.ge @!p0 [sflag:s8], $0x0  }
0x24: {  	s3 =	sadd.s32 $0x88, s3;
	s6 =	simm.s32 @!p1 $0x1082;
	[sflag:s4] =	ssyncset.s32 $0xFFFFF086  }
0x25: {  	[simem:s6], [sflag:s4] =	dma.local [hbm:s3], $0xF7A  }
0x26: {  	[smem:$0x3FA0] =	sst s1;
	(tag) =	ssettag s2;
	_ =	strace s9  }
0x27: {  	s1 =	sld [smem:$0x3FB0]  }
0x28: {  	s2 =	sld [smem:$0x3FB1]  }
0x29: {  	s4 =	sld [smem:$0x3FB3]  }
0x2a: {  	p0 =	seq.s32 s5, $0x0;
	s5 =	sld [smem:$0x3FB4]  }
0x2b: {  	s6 =	sld [smem:$0x3FB5]  }
0x2c: {  	s7 =	sld [smem:$0x3FB6]  }
0x2d: {  	s3 =	simm.s32 $0x108;
	s8 =	sld [smem:$0x3FB7]  }
0x2e: {  	s3 =	simm.s32 @!p0 $0x1082;
	s9 =	sld [smem:$0x3FB8]  }
0x2f: {  	lr =	sadd.s32 s0, s3;
	s0 =	sld [smem:$0x3FAF]  }
0x30: {  	s3 =	sld [smem:$0x3FB2]  }
0x31: {  	[smem:$0x3FBB] =	sst s10  }
0x32: {  	s10 =	sld [smem:$0x3FB9];
	_ =	sdelay $0x3  }
0x33: {  	p0 =	seq.s32 s10, $0x1;
	s10 =	sld [smem:$0x3FBB];
	_ =	sdelay $0x3  }
0x34: {  	[smem:$0x3FBB] =	sst s10  }
0x35: {  	s10 =	sld [smem:$0x3FBA];
	_ =	sdelay $0x3  }
0x36: {  	p1 =	seq.s32 s10, $0x1;
	s10 =	sld [smem:$0x3FBB];
	_ =	sdelay $0x3  }
0x37: {  	[smem:$0x3FBB] =	sst s10  }
0x38: {  	s10 =	sld [smem:$0x3FBC]  }
0x39: {  	_ = 	snop;
	(pc) =	sbr.ind lr, $3  }
0x3a: {  	_ = 	snop  }
0x3b: {  	_ = 	snop  }
0x3c: {  	p2 =	seq.s32 s10, $0x1;
	s10 =	sld [smem:$0x3FBB]  }
0x3d: {  	_ =	shalt  }
0x3e: {  	_ =	shalt  }
0x3f: {  	_ =	shalt  }
0x40: {  	_ =	shalt  }
0x41: {  	_ =	shalt  }
0x42: {  	_ =	shalt  }
0x43: {  	_ =	shalt  }
0x44: {  	_ =	shalt  }
0x45: {  	_ =	shalt  }
0x46: {  	_ =	shalt  }
0x47: {  	_ =	shalt  }
0x48: {  	_ =	shalt  }
0x49: {  	_ =	shalt  }
0x4a: {  	_ =	shalt  }
0x4b: {  	_ =	shalt  }
0x4c: {  	_ =	shalt  }
0x4d: {  	_ =	shalt  }
0x4e: {  	_ =	shalt  }
0x4f: {  	_ =	shalt  }
0x50: {  	_ =	shalt  }
0x51: {  	_ =	shalt  }
0x52: {  	_ =	shalt  }
0x53: {  	_ =	shalt  }
0x54: {  	_ =	shalt  }
0x55: {  	_ =	shalt  }
0x56: {  	_ =	shalt  }
0x57: {  	_ =	shalt  }
0x58: {  	_ =	shalt  }
0x59: {  	_ =	shalt  }
0x5a: {  	_ =	shalt  }
0x5b: {  	_ =	shalt  }
0x5c: {  	_ =	shalt  }
0x5d: {  	_ =	shalt  }
0x5e: {  	_ =	shalt  }
0x5f: {  	_ =	shalt  }
0x60: {  	_ =	shalt  }
0x61: {  	_ =	shalt  }
0x62: {  	_ =	shalt  }
0x63: {  	_ =	shalt  }
0x64: {  	_ =	shalt  }
0x65: {  	_ =	shalt  }
0x66: {  	_ =	shalt  }
0x67: {  	_ =	shalt  }
0x68: {  	_ =	shalt  }
0x69: {  	_ =	shalt  }
0x6a: {  	_ =	shalt  }
0x6b: {  	_ =	shalt  }
0x6c: {  	_ =	shalt  }
0x6d: {  	_ =	shalt  }
0x6e: {  	_ =	shalt  }
0x6f: {  	_ =	shalt  }
0x70: {  	_ =	shalt  }
0x71: {  	_ =	shalt  }
0x72: {  	_ =	shalt  }
0x73: {  	_ =	shalt  }
0x74: {  	_ =	shalt  }
0x75: {  	_ =	shalt  }
0x76: {  	_ =	shalt  }
0x77: {  	_ =	shalt  }
0x78: {  	_ =	shalt  }
0x79: {  	_ =	shalt  }
0x7a: {  	_ =	shalt  }
0x7b: {  	_ =	shalt  }
0x7c: {  	_ =	shalt  }
0x7d: {  	_ =	shalt  }
0x7e: {  	_ =	shalt  }
0x7f: {  	_ =	shalt  }
0x80: {  	_ =	shalt  }
0x81: {  	_ =	shalt  }
0x82: {  	_ =	shalt  }
0x83: {  	_ =	shalt  }
0x84: {  	_ =	shalt  }
0x85: {  	_ =	shalt  }
0x86: {  	_ =	shalt  }
0x87: {  	_ =	shalt  }
.Lfunc_end0:
.L_simem_size_0:
called_computation_lowered:
.L_overlay_start_0:
0x88: {  	s2 =	sld [smem:$0x3FD9]  }
0x89: {  	s3 =	sld [smem:$0x3FFE];
	_ =	sdelay $0x1  }
0x8a: {  	s1 =	srdreg.scid  }
0x8b: {  	s0 =	sand.u32 $0x1, s1  }
0x8c: {  	s17 =	sshll.u32 s0, $0xA;
	s2 =	sadd.s32 s3, s2  }
0x8d: {  	s2 =	sadd.s32 s2, s17  }
0x8e: {  	[smem:$0x3FC7] =	sst s2  }
0x8f: {  	_ = 	snop  }
0x90: {  	s2 =	sld [smem:$0x3FC9];
	(tm) =	ssettm $0x1  }
0x91: {  	s18 =	sld [smem:$0x3FFB];
	_ =	sdelay $0x3  }
0x92: {  	_ =	strace s18  }
0x93: {  	s3 =	sld [smem:$0x3FFC];
	_ =	sdelay $0x3  }
0x94: {  	_ =	strace s3  }
0x95: {  	s3 =	sld [smem:$0x3FFD];
	_ =	sdelay $0x3  }
0x96: {  	_ =	strace s3  }
0x97: {  	_ =	strace $0x8FFFFFFF  }
0x98: {  	s19 =	sld [smem:$0x3FDB];
	_ =	sdelay $0x1  }
0x99: {  	s4 =	simm.s32 $_scs_section_size  }
0x9a: {  	s5 =	simm.s32 $_size__tile_overlayer_lowered;
	s6 =	simm.s32 $_tile_overlayer_lowered  }
0x9b: {  	s22 =	simm.s32 $0x1BFF;
	s21 =	sshll.u32 s6, $0x1;
	s3 =	sadd.s32 s4, s19  }
0x9c: {  	s7 =	simm.s32 $0x0;
	s20 =	sshll.u32 s5, $0x1;
	s5 =	sadd.s32 s21, s3  }
0x9d: {  	[timem:s7], [sflag:s22] =	dma.local [hbm:s5], s20  }
0x9e: {  	_ =	swait.ge [sflag:s22], s20  }
0x9f: {  	s4 =	ssub.s32 $0x0, s20;
	[sflag:s22] =	ssyncset.done $0x0  }
0xa0: {  	[sflag:s22] =	ssyncadd.s32 s4;
	_ =	sdelay $0x1  }
0xa1: {  	s23 =	simm.s32 $0x1B8B  }
0xa2: {  	_ =	swait.ge [sflag:s23], $0x1  }
0xa3: {  	[sflag:s23] =	ssyncset.done $0x0  }
0xa4: {  	s25 =	simm.s32 $0x1B8E;
	s24 =	sld [smem:$0x3FFE];
	[sflag:s23] =	ssyncadd.s32 $0xFFFFFFFF  }
0xa5: {  	s26 =	simm.s32 $execute0_lowered;
	[smem:$0x3FD2] =	sst s25  }
0xa6: {  	s5 =	sshll.u32 s26, $0x1;
	_ =	strace $0x80000046;
	[dreg:$0x1] =	wrdreg $0xFFFFFFFF  }
0xa7: {  	s28 =	simm.s32 $_size_execute0_lowered;
	s3 =	sadd.s32 s3, s5;
	[dreg:$0x0] =	wrdreg $0x0  }
0xa8: {  	s5 =	sshll.u32 s28, $0x1;
	[dreg:$0x2] =	wrdreg s3  }
0xa9: {  	[dreg:$0x3] =	wrdreg s5  }
0xaa: {  	[dreg:$0x4] =	wrdreg $0xC0  }
0xab: {  	_ =	task [dreg:s7], $0x5FFFF  }
0xac: {  	[dreg:$0x1] =	wrdreg $0xFFFFFFFF  }
0xad: {  	[dreg:$0x0] =	wrdreg $0x60  }
0xae: {  	[dreg:$0x2] =	wrdreg s2  }
0xaf: {  	[dreg:$0x3] =	wrdreg s24  }
0xb0: {  	[dreg:$0x4] =	wrdreg $0x9  }
0xb1: {  	_ =	task.clear_ibuf [dreg:s7], $0x5FFFF;
	_ =	strace $0x90000046  }
0xb2: {  	s29 =	simm.s32 $0x9;
	_ =	strace $0x80000048  }
0xb3: {  	_ =	swait.ge [sflag:s29], $0x1  }
0xb4: {  	[sflag:s29] =	ssyncadd.s32 $0xFFFFFFFF  }
0xb5: {  	_ =	strace $0x90000048  }
0xb6: {  	_ =	sfence  }
0xb7: {  	s30 =	sld [smem:$0x0];
	_ =	sdelay $0x2  }
0xb8: {  	s31 =	sshll.u32 s1, $0xD;
	s1 =	sshrl.u32 s1, $0x2  }
0xb9: {  	s3 =	sand.u32 $0x4000, s31;
	s1 =	sadd.s32 s1, s30  }
0xba: {  	s0 =	sor.u32 s3, s0;
	s1 =	sshll.u32 s1, $0x11  }
0xbb: {  	s0 =	sor.u32 s1, s0  }
0xbc: {  	s0 =	sadd.s32 $0x8F2B, s0  }
0xbd: {  	[sflag:s0] =	ssyncadd.remote.s32 $0x1  }
0xbe: {  	_ =	sfence.sel $0xFFFF  }
0xbf: {  	[dreg:$0x0] =	wrdreg $0xFFFFFFFF;
	(pc) =	sbr.abs _section_cstart, $3  }
0xc0: {  	[dreg:$0x1] =	wrdreg $0xFFFFFFFF  }
0xc1: {  	_ =	task.clear_ibuf [dreg:s7], $0x2FFFF;
	_ =	strace $0x9FFFFFFF  }
0xc2: {  	(tm) =	ssettm $0x7FFFFFFF  }
0xc3: {  	_ =	shalt  }
tec
execute0_lowered:
.L_overlay_start_1:
0x0: {  	(tag) =	ssettag $0x1  }
0x1: {  	s10 =	rddreg [dreg:$0x0]  }
0x2: {  	s11 =	rddreg [dreg:$0x1];
	s2 =	srdreg.scid  }
0x3: {  	s0 =	rddreg [dreg:$0x2];
	s1 =	stileid.u32  }
0x4: {  	s17 =	simm.s32 $0x5;
	s18 =	simm.s32 $0x6;
	s19 =	simm.s32 $0x7  }
0x5: {  	s20 =	simm.s32 $0x8;
	s21 =	simm.s32 $0x8000;
	s3 =	sand.u32 $0x1, s2  }
0x6: {  	s2 =	simm.s32 $0x0;
	s5 =	sshll.u32 s1, $0x2;
	s22 =	sshll.u32 s1, $0x9  }
0x7: {  	s4 =	sshll.u32 s3, $0x6;
	[smem:$0x7FF] =	sst s2;
	s3 =	ssub.s32 $0x2, s3  }
0x8: {  	s12 =	sand.u32 $0x200, s22;
	s22 =	simm.s32 $0x9;
	s4 =	sor.u32 s5, s4  }
0x9: {  	_ =	strace $0x80000047;
	s23 =	sshrl.u32 s3, $0x1;
	s25 =	sor.u32 $0x80, s12  }
0xa: {  	s7 =	sor.u32 $0x100, s12;
	s29 =	sor.u32 $0x180, s12;
	s9 =	sshrl.u32 s4, $0x3  }
0xb: {  	s13 =	sshll.u32 s4, $0xD;
	s15 =	ssub.s32 s3, s23;
	s23 =	simm.s32 $0x0  }
0xc: {  	s6 =	sshll.u32 s9, $0x10;
	s14 =	sand.u32 $0xF0000, s13;
	s9 =	sshll.u32 s9, $0xA  }
0xd: {  	s6 =	sor.u32 s12, s6;
	s26 =	sor.u32 s25, s14;
	s8 =	sor.u32 s7, s14  }
0xe: {  	s7 =	sor.u32 s7, s13;
	s14 =	sor.u32 s29, s14;
	s9 =	sor.u32 s12, s9  }
0xf: {  	s12 =	smax.u32 s15, $0x1;
	s15 =	simm.s32 $0x3;
	s24 =	sshrl.u32 s6, $0x3  }
0x10: {  	s5 =	sshrl.u32 s26, $0x3;
	s6 =	sor.u32 s25, s13;
	s8 =	sshrl.u32 s8, $0x3  }
0x11: {  	s16 =	sshrl.u32 s7, $0x3;
	s13 =	sor.u32 s29, s13;
	s30 =	sshrl.u32 s14, $0x3  }
0x12: {  	s31 =	sshrl.u32 s9, $0x3;
	s14 =	simm.s32 $0x2;
	s3 =	sadd.s32 s10, s24  }
0x13: {  	s5 =	sadd.s32 s10, s5;
	s6 =	sshrl.u32 s6, $0x3;
	s7 =	sadd.s32 s10, s8  }
0x14: {  	s28 =	sor.u32 $0x1000, s16;
	s13 =	sshrl.u32 s13, $0x3;
	s9 =	sadd.s32 s10, s30  }
0x15: {  	s11 =	sadd.s32 s11, s31;
	s16 =	simm.s32 $0x4;
	s4 =	sadd.s32 $0x1000, s3  }
0x16: {  	s6 =	sor.u32 $0x1000, s6;
	s8 =	sadd.s32 s10, s28;
	s13 =	sor.u32 $0x1000, s13  }
0x17: {  	v0 =	vlaneseq.u32;
	s6 =	sadd.s32 s10, s6;
	s10 =	sadd.s32 s10, s13;
	s13 =	simm.s32 $0x1  }
.LBB2_1:
0x18: {  	s24 =	simm.s32 $0x80  }
0x19: {  	s28 =	sadd.s32 $0x0, s3;
	s25 =	simm.s32 $0x400;
	s26 =	simm.s32 $0x0  }
.LBB2_2:
0x1a: {  	[tilespmem:s26], [sflag:$0x1] =	stream.linear.gather [hbm4b:s28+s2], $0x80, $0x38;
	[tilespmem:$0x8200] =	vst v63  }
0x1b: {  	s28 =	smov.u32 s24;
	s26 =	smov.u32 s25;
	p0 =	sne.s32 s24, $0xF80  }
.Ltmp0:
0x1c: {  	s24 =	sadd.s32 $0x80, s24;
	(pc) =	sbr.rel @p0 .LBB2_2-.Ltmp0, $2  }
0x1d: {  	_ =	sdelay $0x2  }
0x1e: {  	s25 =	sadd.s32 $0x400, s25;
	s28 =	sadd.s32 s28, s3  }
0x1f: {  	[tilespmem:s26], [sflag:$0x1] =	stream.linear.gather [hbm4b:s28+s2], $0x80, $0x38;
	[tilespmem:$0x8200] =	vst v63  }
0x20: {  	s24 =	simm.s32 $0x80  }
0x21: {  	s25 =	simm.s32 $0x80;
	s28 =	sadd.s32 $0x0, s4;
	s26 =	simm.s32 $0x480  }
.LBB2_4:
0x22: {  	[tilespmem:s24], [sflag:$0x2] =	stream.linear.gather [hbm4b:s28+s2], $0x80, $0x38;
	[tilespmem:$0x8200] =	vst v63  }
0x23: {  	s28 =	smov.u32 s25;
	s24 =	smov.u32 s26;
	p0 =	sne.s32 s25, $0xF80  }
.Ltmp1:
0x24: {  	s25 =	sadd.s32 $0x80, s25;
	(pc) =	sbr.rel @p0 .LBB2_4-.Ltmp1, $2  }
0x25: {  	_ =	sdelay $0x2  }
0x26: {  	s26 =	sadd.s32 $0x400, s26;
	s28 =	sadd.s32 s28, s4  }
0x27: {  	[tilespmem:s24], [sflag:$0x2] =	stream.linear.gather [hbm4b:s28+s2], $0x80, $0x38;
	[tilespmem:$0x8200] =	vst v63  }
0x28: {  	s24 =	simm.s32 $0x100  }
0x29: {  	s25 =	simm.s32 $0x80;
	s28 =	sadd.s32 $0x0, s5;
	s26 =	simm.s32 $0x500  }
.LBB2_6:
0x2a: {  	[tilespmem:s24], [sflag:$0x3] =	stream.linear.gather [hbm4b:s28+s2], $0x80, $0x38;
	[tilespmem:$0x8200] =	vst v63  }
0x2b: {  	s28 =	smov.u32 s25;
	s24 =	smov.u32 s26;
	p0 =	sne.s32 s25, $0xF80  }
.Ltmp2:
0x2c: {  	s25 =	sadd.s32 $0x80, s25;
	(pc) =	sbr.rel @p0 .LBB2_6-.Ltmp2, $2  }
0x2d: {  	_ =	sdelay $0x2  }
0x2e: {  	s26 =	sadd.s32 $0x400, s26;
	s28 =	sadd.s32 s28, s5  }
0x2f: {  	[tilespmem:s24], [sflag:$0x3] =	stream.linear.gather [hbm4b:s28+s2], $0x80, $0x38;
	[tilespmem:$0x8200] =	vst v63  }
0x30: {  	s24 =	simm.s32 $0x180  }
0x31: {  	s25 =	simm.s32 $0x80;
	s28 =	sadd.s32 $0x0, s6;
	s26 =	simm.s32 $0x580  }
.LBB2_8:
0x32: {  	[tilespmem:s24], [sflag:$0x4] =	stream.linear.gather [hbm4b:s28+s2], $0x80, $0x38;
	[tilespmem:$0x8200] =	vst v63  }
0x33: {  	s28 =	smov.u32 s25;
	s24 =	smov.u32 s26;
	p0 =	sne.s32 s25, $0xF80  }
.Ltmp3:
0x34: {  	s25 =	sadd.s32 $0x80, s25;
	(pc) =	sbr.rel @p0 .LBB2_8-.Ltmp3, $2  }
0x35: {  	_ =	sdelay $0x2  }
0x36: {  	s26 =	sadd.s32 $0x400, s26;
	s28 =	sadd.s32 s28, s6  }
0x37: {  	[tilespmem:s24], [sflag:$0x4] =	stream.linear.gather [hbm4b:s28+s2], $0x80, $0x38;
	[tilespmem:$0x8200] =	vst v63  }
0x38: {  	s24 =	simm.s32 $0x200  }
0x39: {  	s25 =	simm.s32 $0x80;
	s28 =	sadd.s32 $0x0, s7;
	s26 =	simm.s32 $0x600  }
.LBB2_10:
0x3a: {  	[tilespmem:s24], [sflag:$0x5] =	stream.linear.gather [hbm4b:s28+s2], $0x80, $0x38;
	[tilespmem:$0x8200] =	vst v63  }
0x3b: {  	s28 =	smov.u32 s25;
	s24 =	smov.u32 s26;
	p0 =	sne.s32 s25, $0xF80  }
.Ltmp4:
0x3c: {  	s25 =	sadd.s32 $0x80, s25;
	(pc) =	sbr.rel @p0 .LBB2_10-.Ltmp4, $2  }
0x3d: {  	_ =	sdelay $0x2  }
0x3e: {  	s26 =	sadd.s32 $0x400, s26;
	s28 =	sadd.s32 s28, s7  }
0x3f: {  	[tilespmem:s24], [sflag:$0x5] =	stream.linear.gather [hbm4b:s28+s2], $0x80, $0x38;
	[tilespmem:$0x8200] =	vst v63  }
0x40: {  	s24 =	simm.s32 $0x280  }
0x41: {  	s25 =	simm.s32 $0x80;
	s28 =	sadd.s32 $0x0, s8;
	s26 =	simm.s32 $0x680  }
.LBB2_12:
0x42: {  	[tilespmem:s24], [sflag:$0x6] =	stream.linear.gather [hbm4b:s28+s2], $0x80, $0x38;
	[tilespmem:$0x8200] =	vst v63  }
0x43: {  	s28 =	smov.u32 s25;
	s24 =	smov.u32 s26;
	p0 =	sne.s32 s25, $0xF80  }
.Ltmp5:
0x44: {  	s25 =	sadd.s32 $0x80, s25;
	(pc) =	sbr.rel @p0 .LBB2_12-.Ltmp5, $2  }
0x45: {  	_ =	sdelay $0x2  }
0x46: {  	s26 =	sadd.s32 $0x400, s26;
	s28 =	sadd.s32 s28, s8  }
0x47: {  	[tilespmem:s24], [sflag:$0x6] =	stream.linear.gather [hbm4b:s28+s2], $0x80, $0x38;
	[tilespmem:$0x8200] =	vst v63  }
0x48: {  	s24 =	simm.s32 $0x300  }
0x49: {  	s25 =	simm.s32 $0x80;
	s28 =	sadd.s32 $0x0, s9;
	s26 =	simm.s32 $0x700  }
.LBB2_14:
0x4a: {  	[tilespmem:s24], [sflag:$0x7] =	stream.linear.gather [hbm4b:s28+s2], $0x80, $0x38;
	[tilespmem:$0x8200] =	vst v63  }
0x4b: {  	s28 =	smov.u32 s25;
	s24 =	smov.u32 s26;
	p0 =	sne.s32 s25, $0xF80  }
.Ltmp6:
0x4c: {  	s25 =	sadd.s32 $0x80, s25;
	(pc) =	sbr.rel @p0 .LBB2_14-.Ltmp6, $2  }
0x4d: {  	_ =	sdelay $0x2  }
0x4e: {  	s26 =	sadd.s32 $0x400, s26;
	s28 =	sadd.s32 s28, s9  }
0x4f: {  	[tilespmem:s24], [sflag:$0x7] =	stream.linear.gather [hbm4b:s28+s2], $0x80, $0x38;
	[tilespmem:$0x8200] =	vst v63  }
0x50: {  	s24 =	simm.s32 $0x380  }
0x51: {  	s25 =	simm.s32 $0x80;
	s28 =	sadd.s32 $0x0, s10;
	s26 =	simm.s32 $0x780  }
.LBB2_16:
0x52: {  	[tilespmem:s24], [sflag:$0x8] =	stream.linear.gather [hbm4b:s28+s2], $0x80, $0x38;
	[tilespmem:$0x8200] =	vst v63  }
0x53: {  	s28 =	smov.u32 s25;
	s24 =	smov.u32 s26;
	p0 =	sne.s32 s25, $0xF80  }
.Ltmp7:
0x54: {  	s25 =	sadd.s32 $0x80, s25;
	(pc) =	sbr.rel @p0 .LBB2_16-.Ltmp7, $2  }
0x55: {  	_ =	sdelay $0x2  }
0x56: {  	s26 =	sadd.s32 $0x400, s26;
	s28 =	sadd.s32 s28, s10  }
0x57: {  	[tilespmem:s24], [sflag:$0x8] =	stream.linear.gather [hbm4b:s28+s2], $0x80, $0x38;
	[tilespmem:$0x8200] =	vst v63  }
0x58: {  	_ =	swait.ge [sflag:s13], $0x1000  }
0x59: {  	[sflag:s13] =	ssyncset.done $0x0  }
0x5a: {  	s26 =	simm.s32 $0x400;
	[sflag:s13] =	ssyncadd.s32 $0xFFFFF000  }
0x5b: {  	v2 =	vld [tilespmem:s26+$0x0]  }
0x5c: {  	v1 =	vld [tilespmem:s26+$0xFFFFFC00]  }
0x5d: {  	v3 =	vld [tilespmem:s26+$0xFFFFFC10]  }
0x5e: {  	v4 =	vld [tilespmem:s26+$0x10]  }
0x5f: {  	v6 =	vld [tilespmem:s26+$0x20]  }
0x60: {  	v7 =	vld [tilespmem:s26+$0x30]  }
0x61: {  	v13 =	vimm.f32 $+Inf;
	v5 =	vimm.s32 $0x0;
	v14 =	vld [tilespmem:s26+$0x40]  }
0x62: {  	v19 =	vimm.f32 $+Inf;
	v20 =	vimm.f32 $+Inf;
	v15 =	vimm.f32 $+Inf;
	v21 =	vld [tilespmem:s26+$0xFFFFFC20]  }
0x63: {  	v16 =	vimm.f32 $+Inf;
	v17 =	vimm.f32 $+Inf;
	v10 =	vimm.s32 $0x0;
	v23 =	vld [tilespmem:s26+$0xFFFFFC30]  }
0x64: {  	s24 =	simm.s32 $0x0;
	v12 =	vimm.s32 $0x0;
	v26 =	vld [tilespmem:s26+$0xFFFFFC40];
	vm1 =	vlt.f32 v1, v13;
	vm0 =	vlt.f32 v3, v13  }
0x65: {  	v18 =	vld [tilespmem:s26+$0x50];
	v8 =	vsel vm1, v1, v13;
	v3 =	vsel vm0, v3, v13;
	v9 =	vsel vm0, s24, v5  }
0x66: {  	v22 =	vld [tilespmem:s26+$0xFFFFFC50];
	v1 =	vsel vm1, s24, v5;
	vm0 =	vlt.f32 v2, v8;
	vm1 =	vlt.f32 v4, v3  }
0x67: {  	s25 =	simm.s32 $0x1;
	v11 =	vimm.s32 $0x0;
	v24 =	vld [tilespmem:s26+$0xFFFFFC60];
	v2 =	vsel vm0, v2, v8;
	v3 =	vsel vm1, v4, v3  }
0x68: {  	s28 =	simm.s32 $0x2;
	v25 =	vld [tilespmem:s26+$0xFFFFFC70];
	v4 =	vsel vm1, s25, v9;
	v8 =	vimm.s32 $0x0;
	v9 =	vimm.s32 $0x0  }
.LBB2_18:
0x69: {  	p0 =	slt.u32 s28, $0x1E;
	vm1 =	vlt.f32 v21, v13;
	vm2 =	vlt.f32 v23, v19;
	vm3 =	vlt.f32 v26, v20;
	v27 =	vld [tilespmem:s26+$0x60]  }
0x6a: {  	v13 =	vsel vm1, v21, v13;
	v19 =	vsel vm2, v23, v19;
	v20 =	vsel vm3, v26, v20;
	v21 =	vld [tilespmem:s26+$0x70];
	s26 =	sadd.s32 $0x800, s26  }
0x6b: {  	v28 =	vld [tilespmem:s26+$0x0];
	vm4 =	vlt.f32 v6, v13;
	vm5 =	vlt.f32 v7, v19;
	vm6 =	vlt.f32 v14, v20  }
0x6c: {  	v29 =	vld [tilespmem:s26+$0x10];
	v13 =	vsel vm4, v6, v13;
	v19 =	vsel vm5, v7, v19;
	v20 =	vsel vm6, v14, v20  }
0x6d: {  	vm7 =	vlt.f32 v22, v15;
	vm8 =	vlt.f32 v24, v16;
	v6 =	vld [tilespmem:s26+$0x20];
	vm9 =	vlt.f32 v25, v17  }
0x6e: {  	v14 =	vsel vm7, v22, v15;
	v16 =	vsel vm8, v24, v16;
	v7 =	vld [tilespmem:s26+$0x30];
	v17 =	vsel vm9, v25, v17  }
0x6f: {  	vm10 =	vlt.f32 v18, v14;
	vm11 =	vlt.f32 v27, v16;
	v22 =	vld [tilespmem:s26+$0xFFFFFC00];
	vm12 =	vlt.f32 v21, v17  }
0x70: {  	v15 =	vsel vm10, v18, v14;
	v16 =	vsel vm11, v27, v16;
	v24 =	vld [tilespmem:s26+$0xFFFFFC10];
	v17 =	vsel vm12, v21, v17  }
0x71: {  	v5 =	vsel vm7, s24, v5;
	v10 =	vsel vm8, s24, v10;
	v12 =	vsel vm9, s24, v12;
	v14 =	vld [tilespmem:s26+$0x40]  }
0x72: {  	v5 =	vsel vm10, s25, v5;
	v10 =	vsel vm11, s25, v10;
	v12 =	vsel vm12, s25, v12;
	v21 =	vld [tilespmem:s26+$0xFFFFFC20]  }
0x73: {  	v8 =	vsel vm1, s24, v8;
	v9 =	vsel vm2, s24, v9;
	v11 =	vsel vm3, s24, v11;
	s24 =	smov.u32 s28;
	v23 =	vld [tilespmem:s26+$0xFFFFFC30]  }
.Ltmp8:
0x74: {  	v8 =	vsel vm4, s25, v8;
	v9 =	vsel vm5, s25, v9;
	v11 =	vsel vm6, s25, v11;
	v26 =	vld [tilespmem:s26+$0xFFFFFC40];
	(pc) =	sbr.rel @p0 .LBB2_18-.Ltmp8, $4  }
0x75: {  	v1 =	vsel vm0, s25, v1;
	vm1 =	vlt.f32 v22, v2;
	vm2 =	vlt.f32 v24, v3;
	v18 =	vld [tilespmem:s26+$0x50]  }
0x76: {  	v2 =	vsel vm1, v22, v2;
	v3 =	vsel vm2, v24, v3;
	v4 =	vsel vm2, s28, v4;
	v22 =	vld [tilespmem:s26+$0xFFFFFC50]  }
0x77: {  	s25 =	sadd.s32 $0x1, s28;
	v1 =	vsel vm1, s28, v1;
	vm0 =	vlt.f32 v28, v2;
	v24 =	vld [tilespmem:s26+$0xFFFFFC60];
	vm1 =	vlt.f32 v29, v3  }
0x78: {  	s28 =	sadd.s32 $0x2, s28;
	v2 =	vsel vm0, v28, v2;
	v25 =	vld [tilespmem:s26+$0xFFFFFC70];
	v3 =	vsel vm1, v29, v3;
	v4 =	vsel vm1, s25, v4  }
0x79: {  	v27 =	vld [tilespmem:s26+$0x60]  }
0x7a: {  	v28 =	vld [tilespmem:s26+$0x70];
	_ =	swait.ge [sflag:s14], $0x1000  }
0x7b: {  	vm1 =	vlt.f32 v21, v13;
	vm2 =	vlt.f32 v23, v19;
	vm3 =	vlt.f32 v26, v20;
	[sflag:s14] =	ssyncset.done $0x0  }
0x7c: {  	s28 =	simm.s32 $0x480;
	v1 =	vsel vm0, s25, v1;
	v13 =	vsel vm1, v21, v13;
	v19 =	vsel vm2, v23, v19;
	[sflag:s14] =	ssyncadd.s32 $0xFFFFF000  }
0x7d: {  	v20 =	vsel vm3, v26, v20;
	v8 =	vsel vm1, s24, v8;
	v9 =	vsel vm2, s24, v9;
	v21 =	vld [tilespmem:s28+$0x0]  }
0x7e: {  	vm4 =	vlt.f32 v6, v13;
	vm5 =	vlt.f32 v7, v19;
	vm6 =	vlt.f32 v14, v20;
	v30 =	vld [tilespmem:s28+$0x10]  }
0x7f: {  	vm7 =	vlt.f32 v22, v15;
	v23 =	vsel vm4, v6, v13;
	v26 =	vsel vm5, v7, v19;
	v6 =	vld [tilespmem:s28+$0x20]  }
0x80: {  	v29 =	vsel vm6, v14, v20;
	vm8 =	vlt.f32 v24, v16;
	v7 =	vsel vm7, v22, v15;
	v14 =	vld [tilespmem:s28+$0x30]  }
0x81: {  	v20 =	vld [tilespmem:s28+$0xFFFFFC00];
	v5 =	vsel vm7, s24, v5;
	vm9 =	vlt.f32 v25, v17;
	v13 =	vsel vm8, v24, v16  }
0x82: {  	v22 =	vld [tilespmem:s28+$0xFFFFFC10];
	vm10 =	vlt.f32 v18, v7;
	v17 =	vsel vm9, v25, v17;
	vm11 =	vlt.f32 v27, v13  }
0x83: {  	v19 =	vld [tilespmem:s28+$0x50];
	v15 =	vsel vm10, v18, v7;
	v7 =	vsel vm8, s24, v10;
	v10 =	vsel vm9, s24, v12  }
0x84: {  	v24 =	vld [tilespmem:s28+$0xFFFFFC20];
	v5 =	vsel vm10, s25, v5;
	v12 =	vsel vm5, s25, v9;
	vm12 =	vlt.f32 v28, v17  }
0x85: {  	v25 =	vld [tilespmem:s28+$0xFFFFFC30];
	v16 =	vsel vm11, v27, v13;
	v7 =	vsel vm11, s25, v7;
	v13 =	vsel vm3, s24, v11  }
0x86: {  	v11 =	vsel vm4, s25, v8;
	v27 =	vld [tilespmem:s28+$0xFFFFFC40];
	v17 =	vsel vm12, v28, v17;
	v10 =	vsel vm12, s25, v10  }
0x87: {  	v18 =	vld [tilespmem:s28+$0x40];
	s24 =	simm.s32 $0x20;
	v13 =	vsel vm6, s25, v13;
	vm0 =	vlt.f32 v20, v2;
	vm1 =	vlt.f32 v22, v3  }
0x88: {  	v2 =	vsel vm0, v20, v2;
	v9 =	vsel vm1, v22, v3;
	v22 =	vsel vm1, s24, v4;
	v3 =	vld [tilespmem:s28+$0xFFFFFC50]  }
0x89: {  	v1 =	vsel vm0, s24, v1;
	v4 =	vld [tilespmem:s28+$0xFFFFFC60];
	vm0 =	vlt.f32 v21, v2;
	vm1 =	vlt.f32 v30, v9  }
0x8a: {  	s25 =	simm.s32 $0x21;
	v20 =	vld [tilespmem:s28+$0xFFFFFC70];
	vm2 =	vlt.f32 v25, v26;
	v8 =	vsel vm0, v21, v2;
	v9 =	vsel vm1, v30, v9  }
0x8b: {  	v2 =	vsel vm1, s25, v22;
	vm1 =	vlt.f32 v24, v23;
	vm3 =	vlt.f32 v27, v29;
	v21 =	vld [tilespmem:s28+$0x60]  }
0x8c: {  	s26 =	simm.s32 $0x0;
	v22 =	vld [tilespmem:s28+$0x70];
	s28 =	simm.s32 $0xC80;
	v23 =	vsel vm1, v24, v23;
	v24 =	vsel vm2, v25, v26;
	v25 =	vsel vm3, v27, v29  }
.LBB2_20:
0x8d: {  	vm4 =	vlt.f32 v6, v23  }
0x8e: {  	v26 =	vld [tilespmem:s28+$0x0];
	vm5 =	vlt.f32 v14, v24;
	vm6 =	vlt.f32 v18, v25;
	vm7 =	vlt.f32 v3, v15  }
0x8f: {  	v27 =	vld [tilespmem:s28+$0x10];
	v23 =	vsel vm4, v6, v23;
	v24 =	vsel vm5, v14, v24;
	v25 =	vsel vm6, v18, v25  }
0x90: {  	v13 =	vsel vm3, s24, v13;
	vm8 =	vlt.f32 v4, v16;
	v6 =	vld [tilespmem:s28+$0x20];
	vm9 =	vlt.f32 v20, v17  }
0x91: {  	v3 =	vsel vm7, v3, v15;
	v4 =	vsel vm8, v4, v16;
	v14 =	vld [tilespmem:s28+$0x30];
	v17 =	vsel vm9, v20, v17  }
0x92: {  	vm10 =	vlt.f32 v19, v3;
	vm11 =	vlt.f32 v21, v4;
	v20 =	vld [tilespmem:s28+$0xFFFFFC00];
	vm12 =	vlt.f32 v22, v17  }
0x93: {  	v15 =	vsel vm10, v19, v3;
	v16 =	vsel vm11, v21, v4;
	v28 =	vld [tilespmem:s28+$0xFFFFFC10];
	v17 =	vsel vm12, v22, v17  }
0x94: {  	v3 =	vsel vm7, s24, v5;
	v10 =	vsel vm9, s24, v10;
	v4 =	vsel vm8, s24, v7;
	v18 =	vld [tilespmem:s28+$0x40]  }
0x95: {  	v5 =	vsel vm10, s25, v3;
	v7 =	vsel vm11, s25, v4;
	v10 =	vsel vm12, s25, v10;
	v22 =	vld [tilespmem:s28+$0xFFFFFC20]  }
0x96: {  	v1 =	vsel vm0, s25, v1;
	v3 =	vsel vm1, s24, v11;
	v4 =	vsel vm2, s24, v12;
	v29 =	vld [tilespmem:s28+$0xFFFFFC30]  }
0x97: {  	v13 =	vsel vm6, s25, v13;
	v11 =	vsel vm4, s25, v3;
	s24 =	sadd.s32 $0x22, s26;
	v12 =	vsel vm5, s25, v4;
	s25 =	sadd.s32 $0x23, s26;
	s26 =	sadd.s32 $0x2, s26;
	v30 =	vld [tilespmem:s28+$0xFFFFFC40]  }
0x98: {  	p0 =	slt.u32 s26, $0x1E;
	vm1 =	vlt.f32 v20, v8;
	vm2 =	vlt.f32 v28, v9;
	v19 =	vld [tilespmem:s28+$0x50]  }
.Ltmp9:
0x99: {  	v8 =	vsel vm1, v20, v8;
	v9 =	vsel vm2, v28, v9;
	v2 =	vsel vm2, s24, v2;
	v3 =	vld [tilespmem:s28+$0xFFFFFC50];
	(pc) =	sbr.rel @p0 .LBB2_20-.Ltmp9, $4  }
0x9a: {  	v1 =	vsel vm1, s24, v1;
	vm0 =	vlt.f32 v26, v8;
	v4 =	vld [tilespmem:s28+$0xFFFFFC60];
	vm1 =	vlt.f32 v27, v9  }
0x9b: {  	v8 =	vsel vm0, v26, v8;
	v20 =	vld [tilespmem:s28+$0xFFFFFC70];
	v9 =	vsel vm1, v27, v9;
	v2 =	vsel vm1, s25, v2  }
0x9c: {  	vm1 =	vlt.f32 v22, v23;
	vm2 =	vlt.f32 v29, v24;
	vm3 =	vlt.f32 v30, v25;
	v21 =	vld [tilespmem:s28+$0x60]  }
0x9d: {  	v23 =	vsel vm1, v22, v23;
	v24 =	vsel vm2, v29, v24;
	v25 =	vsel vm3, v30, v25;
	v22 =	vld [tilespmem:s28+$0x70];
	s28 =	sadd.s32 $0x800, s28  }
0x9e: {  	vm4 =	vlt.f32 v6, v23  }
0x9f: {  	vm5 =	vlt.f32 v14, v24;
	vm6 =	vlt.f32 v18, v25;
	vm7 =	vlt.f32 v3, v15  }
0xa0: {  	v1 =	vsel vm0, s25, v1;
	v2 =	vshll.u32 v2, $0x7;
	vm0 =	vlt.f32 v9, v8  }
0xa1: {  	v23 =	vsel vm4, v6, v23;
	v14 =	vsel vm5, v14, v24;
	v18 =	vsel vm6, v18, v25  }
0xa2: {  	vm8 =	vlt.f32 v4, v16;
	v3 =	vsel vm7, v3, v15;
	v1 =	vshll.u32 v1, $0x7  }
0xa3: {  	vm9 =	vlt.f32 v20, v17;
	v4 =	vsel vm8, v4, v16;
	vm10 =	vlt.f32 v19, v3  }
0xa4: {  	v6 =	vsel vm9, v20, v17;
	vm11 =	vlt.f32 v21, v4;
	v15 =	vsel vm10, v19, v3  }
0xa5: {  	v3 =	vsel vm7, s24, v5;
	v5 =	vsel vm9, s24, v10;
	vm12 =	vlt.f32 v22, v6  }
0xa6: {  	v16 =	vsel vm11, v21, v4;
	v4 =	vsel vm8, s24, v7;
	v17 =	vsel vm12, v22, v6  }
0xa7: {  	v6 =	vsel vm10, s25, v3;
	v7 =	vsel vm11, s25, v4;
	v10 =	vsel vm12, s25, v5  }
0xa8: {  	v3 =	vsel vm1, s24, v11;
	v4 =	vsel vm2, s24, v12;
	v5 =	vsel vm3, s24, v13  }
0xa9: {  	v12 =	vor.u32 v0, v1;
	v1 =	vor.u32 $0x10, v0;
	vm1 =	veq.f32 v9, v8  }
0xaa: {  	vm3 =	veq.f32 v14, v23;
	v3 =	vsel vm4, s25, v3;
	v4 =	vsel vm5, s25, v4  }
0xab: {  	v11 =	vsel vm6, s25, v5;
	v13 =	vor.u32 v1, v2;
	v21 =	vshll.u32 v7, $0x7  }
0xac: {  	v7 =	vor.u32 $0x60, v0;
	v10 =	vshll.u32 v10, $0x7;
	v5 =	vshll.u32 v3, $0x7  }
0xad: {  	v3 =	vor.u32 $0x20, v0;
	v2 =	vshll.u32 v4, $0x7;
	v11 =	vshll.u32 v11, $0x7  }
0xae: {  	v4 =	vor.u32 $0x40, v0;
	v21 =	vor.u32 v7, v21;
	vm2 =	vlt.s32 v13, v12  }
0xaf: {  	v19 =	vor.u32 v3, v5;
	v5 =	vor.u32 $0x30, v0;
	v11 =	vor.u32 v4, v11  }
0xb0: {  	vm1 =	vmand vm1, vm2;
	vm2 =	vlt.f32 v14, v23;
	v20 =	vor.u32 v5, v2  }
0xb1: {  	v2 =	vshll.u32 v6, $0x7;
	v6 =	vor.u32 $0x50, v0;
	vm0 =	vmor vm0, vm1  }
0xb2: {  	v22 =	vor.u32 v6, v2;
	v2 =	vor.u32 $0x70, v0;
	vm14 =	vlt.s32 v20, v19  }
0xb3: {  	v8 =	vsel vm0, v9, v8;
	v9 =	vsel vm0, v13, v12;
	vm3 =	vmand vm3, vm14  }
0xb4: {  	vm0 =	vlt.f32 v15, v18;
	v10 =	vor.u32 v2, v10;
	vm1 =	vmor vm2, vm3  }
0xb5: {  	vm2 =	veq.f32 v15, v18;
	vm3 =	vlt.s32 v22, v11;
	vm15 =	vlt.s32 v10, v21  }
0xb6: {  	v12 =	vsel vm1, v14, v23;
	vm2 =	vmand vm2, vm3;
	vm3 =	veq.f32 v17, v16  }
0xb7: {  	vm0 =	vmor vm0, vm2;
	vm2 =	vlt.f32 v17, v16;
	vm3 =	vmand vm3, vm15  }
0xb8: {  	v13 =	vsel vm1, v20, v19;
	v14 =	vsel vm0, v15, v18;
	vm1 =	vmor vm2, vm3  }
0xb9: {  	v11 =	vsel vm0, v22, v11;
	vm0 =	vlt.f32 v12, v8;
	vm2 =	vlt.s32 v13, v9  }
0xba: {  	v15 =	vsel vm1, v17, v16;
	v10 =	vsel vm1, v10, v21;
	vm1 =	veq.f32 v12, v8  }
0xbb: {  	vm1 =	vmand vm1, vm2;
	vm2 =	veq.f32 v15, v14;
	vm3 =	vlt.s32 v10, v11  }
0xbc: {  	vm0 =	vmor vm0, vm1;
	vm1 =	vlt.f32 v15, v14;
	vm2 =	vmand vm2, vm3  }
0xbd: {  	v8 =	vsel vm0, v12, v8;
	vm1 =	vmor vm1, vm2  }
0xbe: {  	v9 =	vsel vm0, v13, v9;
	v12 =	vsel vm1, v15, v14;
	v10 =	vsel vm1, v10, v11  }
0xbf: {  	vm0 =	veq.f32 v12, v8;
	vm1 =	vlt.s32 v10, v9  }
0xc0: {  	vm2 =	vlt.f32 v12, v8;
	vm0 =	vmand vm0, vm1  }
0xc1: {  	vm0 =	vmor vm2, vm0  }
0xc2: {  	v8 =	vsel vm0, v12, v8  }
0xc3: {  	(xrf0) =	vmin.scan.msk.f32 $0xffff, v8;
	_ =	sdelay $0x5  }
0xc4: {  	v11, _, _ =	vpop (xrf0)  }
0xc5: {  	v11 =	vbroadcast v11, $0xF  }
0xc6: {  	v9 =	vsel vm0, v10, v9  }
0xc7: {  	vm0 =	veq.f32 v8, v11;
	v8 =	vxor.u32 $0x80000000, v9  }
0xc8: {  	v8 =	vnsel vm0, $0xFFFFFFFF, v8  }
0xc9: {  	(xrf0) =	vmin.scan.msk.u32 $0xffff, v8;
	_ =	sdelay $0x5  }
0xca: {  	v8, _, _ =	vpop (xrf0)  }
0xcb: {  	(v2sf) =	vpush v8, $0xF;
	_ =	sdelay $0xe  }
0xcc: {  	s31 =	spop (v2sf)  }
0xcd: {  	s24 =	sxor.u32 $0x80000000, s31  }
0xce: {  	v8 =	vmov s24  }
0xcf: {  	[tilespmem:$0x8000] =	vst v8  }
0xd0: {  	_ =	swait.ge [sflag:s15], $0x1000  }
0xd1: {  	[sflag:s15] =	ssyncset.done $0x0  }
0xd2: {  	s26 =	simm.s32 $0x500;
	[sflag:s15] =	ssyncadd.s32 $0xFFFFF000  }
0xd3: {  	v9 =	vld [tilespmem:s26+$0x0]  }
0xd4: {  	v8 =	vld [tilespmem:s26+$0xFFFFFC00]  }
0xd5: {  	v10 =	vld [tilespmem:s26+$0xFFFFFC10]  }
0xd6: {  	v11 =	vld [tilespmem:s26+$0x10]  }
0xd7: {  	v13 =	vld [tilespmem:s26+$0x20]  }
0xd8: {  	v14 =	vld [tilespmem:s26+$0x30]  }
0xd9: {  	v26 =	vimm.f32 $+Inf;
	v27 =	vimm.f32 $+Inf;
	v20 =	vld [tilespmem:s26+$0x40]  }
0xda: {  	v24 =	vimm.f32 $+Inf;
	v19 =	vimm.f32 $+Inf;
	v23 =	vimm.s32 $0x0;
	v28 =	vld [tilespmem:s26+$0xFFFFFC20]  }
0xdb: {  	v22 =	vimm.f32 $+Inf;
	v18 =	vimm.s32 $0x0;
	v21 =	vimm.f32 $+Inf;
	v30 =	vld [tilespmem:s26+$0xFFFFFC30]  }
0xdc: {  	v12 =	vimm.s32 $0x0;
	s24 =	simm.s32 $0x0;
	v33 =	vld [tilespmem:s26+$0xFFFFFC40];
	vm1 =	vlt.f32 v8, v19;
	vm0 =	vlt.f32 v10, v19  }
0xdd: {  	v25 =	vld [tilespmem:s26+$0x50];
	v15 =	vsel vm1, v8, v19;
	v10 =	vsel vm0, v10, v19;
	v16 =	vsel vm0, s24, v12  }
0xde: {  	v29 =	vld [tilespmem:s26+$0xFFFFFC50];
	v8 =	vsel vm1, s24, v12;
	vm0 =	vlt.f32 v9, v15;
	vm1 =	vlt.f32 v11, v10  }
0xdf: {  	s25 =	simm.s32 $0x1;
	v17 =	vimm.s32 $0x0;
	v31 =	vld [tilespmem:s26+$0xFFFFFC60];
	v9 =	vsel vm0, v9, v15;
	v10 =	vsel vm1, v11, v10  }
0xe0: {  	s28 =	simm.s32 $0x2;
	v32 =	vld [tilespmem:s26+$0xFFFFFC70];
	v11 =	vsel vm1, s25, v16;
	v15 =	vimm.s32 $0x0;
	v16 =	vimm.s32 $0x0  }
.LBB2_22:
0xe1: {  	p0 =	slt.u32 s28, $0x1E;
	vm1 =	vlt.f32 v28, v19;
	vm2 =	vlt.f32 v30, v26;
	vm3 =	vlt.f32 v33, v27;
	v34 =	vld [tilespmem:s26+$0x60]  }
0xe2: {  	v19 =	vsel vm1, v28, v19;
	v26 =	vsel vm2, v30, v26;
	v27 =	vsel vm3, v33, v27;
	v28 =	vld [tilespmem:s26+$0x70];
	s26 =	sadd.s32 $0x800, s26  }
0xe3: {  	v35 =	vld [tilespmem:s26+$0x0];
	vm4 =	vlt.f32 v13, v19;
	vm5 =	vlt.f32 v14, v26;
	vm6 =	vlt.f32 v20, v27  }
0xe4: {  	v36 =	vld [tilespmem:s26+$0x10];
	v19 =	vsel vm4, v13, v19;
	v26 =	vsel vm5, v14, v26;
	v27 =	vsel vm6, v20, v27  }
0xe5: {  	vm7 =	vlt.f32 v29, v21;
	vm8 =	vlt.f32 v31, v22;
	v13 =	vld [tilespmem:s26+$0x20];
	vm9 =	vlt.f32 v32, v24  }
0xe6: {  	v20 =	vsel vm7, v29, v21;
	v22 =	vsel vm8, v31, v22;
	v14 =	vld [tilespmem:s26+$0x30];
	v24 =	vsel vm9, v32, v24  }
0xe7: {  	vm10 =	vlt.f32 v25, v20;
	vm11 =	vlt.f32 v34, v22;
	v29 =	vld [tilespmem:s26+$0xFFFFFC00];
	vm12 =	vlt.f32 v28, v24  }
0xe8: {  	v21 =	vsel vm10, v25, v20;
	v22 =	vsel vm11, v34, v22;
	v31 =	vld [tilespmem:s26+$0xFFFFFC10];
	v24 =	vsel vm12, v28, v24  }
0xe9: {  	v12 =	vsel vm7, s24, v12;
	v15 =	vsel vm8, s24, v15;
	v23 =	vsel vm9, s24, v23;
	v20 =	vld [tilespmem:s26+$0x40]  }
0xea: {  	v12 =	vsel vm10, s25, v12;
	v15 =	vsel vm11, s25, v15;
	v23 =	vsel vm12, s25, v23;
	v28 =	vld [tilespmem:s26+$0xFFFFFC20]  }
0xeb: {  	v16 =	vsel vm1, s24, v16;
	v17 =	vsel vm2, s24, v17;
	v18 =	vsel vm3, s24, v18;
	s24 =	smov.u32 s28;
	v30 =	vld [tilespmem:s26+$0xFFFFFC30]  }
.Ltmp10:
0xec: {  	v16 =	vsel vm4, s25, v16;
	v17 =	vsel vm5, s25, v17;
	v18 =	vsel vm6, s25, v18;
	v33 =	vld [tilespmem:s26+$0xFFFFFC40];
	(pc) =	sbr.rel @p0 .LBB2_22-.Ltmp10, $4  }
0xed: {  	v8 =	vsel vm0, s25, v8;
	vm1 =	vlt.f32 v29, v9;
	vm2 =	vlt.f32 v31, v10;
	v25 =	vld [tilespmem:s26+$0x50]  }
0xee: {  	v9 =	vsel vm1, v29, v9;
	v10 =	vsel vm2, v31, v10;
	v11 =	vsel vm2, s28, v11;
	v29 =	vld [tilespmem:s26+$0xFFFFFC50]  }
0xef: {  	s25 =	sadd.s32 $0x1, s28;
	v8 =	vsel vm1, s28, v8;
	vm0 =	vlt.f32 v35, v9;
	v31 =	vld [tilespmem:s26+$0xFFFFFC60];
	vm1 =	vlt.f32 v36, v10  }
0xf0: {  	s28 =	sadd.s32 $0x2, s28;
	v9 =	vsel vm0, v35, v9;
	v32 =	vld [tilespmem:s26+$0xFFFFFC70];
	v10 =	vsel vm1, v36, v10;
	v11 =	vsel vm1, s25, v11  }
0xf1: {  	v34 =	vld [tilespmem:s26+$0x60]  }
0xf2: {  	v35 =	vld [tilespmem:s26+$0x70];
	_ =	swait.ge [sflag:s16], $0x1000  }
0xf3: {  	vm1 =	vlt.f32 v28, v19;
	vm2 =	vlt.f32 v30, v26;
	vm3 =	vlt.f32 v33, v27;
	[sflag:s16] =	ssyncset.done $0x0  }
0xf4: {  	s28 =	simm.s32 $0x580;
	v8 =	vsel vm0, s25, v8;
	v19 =	vsel vm1, v28, v19;
	v26 =	vsel vm2, v30, v26;
	[sflag:s16] =	ssyncadd.s32 $0xFFFFF000  }
0xf5: {  	v27 =	vsel vm3, v33, v27;
	v16 =	vsel vm1, s24, v16;
	vm4 =	vlt.f32 v13, v19;
	v28 =	vld [tilespmem:s28+$0x0]  }
0xf6: {  	vm5 =	vlt.f32 v14, v26;
	vm6 =	vlt.f32 v20, v27;
	vm7 =	vlt.f32 v29, v21;
	v37 =	vld [tilespmem:s28+$0x10]  }
0xf7: {  	v30 =	vsel vm4, v13, v19;
	v61 =	vsel vm5, v14, v26;
	v36 =	vsel vm6, v20, v27;
	v13 =	vld [tilespmem:s28+$0x20]  }
0xf8: {  	vm8 =	vlt.f32 v31, v22;
	v14 =	vsel vm7, v29, v21;
	v26 =	vld [tilespmem:s28+$0xFFFFFC00];
	v12 =	vsel vm7, s24, v12  }
0xf9: {  	v29 =	vld [tilespmem:s28+$0xFFFFFC20];
	v27 =	vsel vm3, s24, v18;
	vm9 =	vlt.f32 v32, v24;
	v21 =	vsel vm8, v31, v22  }
0xfa: {  	vm10 =	vlt.f32 v25, v14;
	v31 =	vld [tilespmem:s28+$0xFFFFFC30];
	v22 =	vsel vm9, v32, v24;
	vm11 =	vlt.f32 v34, v21  }
0xfb: {  	v20 =	vsel vm10, v25, v14;
	v25 =	vld [tilespmem:s28+$0xFFFFFC10];
	v14 =	vsel vm8, s24, v15;
	v15 =	vsel vm9, s24, v23  }
0xfc: {  	v19 =	vld [tilespmem:s28+$0x30];
	v12 =	vsel vm10, s25, v12;
	v24 =	vsel vm2, s24, v17;
	v17 =	vsel vm4, s25, v16  }
0xfd: {  	v62 =	vld [tilespmem:s28+$0xFFFFFC40];
	v16 =	vsel vm6, s25, v27;
	vm12 =	vlt.f32 v35, v22;
	v21 =	vsel vm11, v34, v21  }
0xfe: {  	v23 =	vld [tilespmem:s28+$0x40];
	v14 =	vsel vm11, s25, v14;
	v18 =	vsel vm5, s25, v24;
	vm0 =	vlt.f32 v26, v9  }
0xff: {  	v27 =	vld [tilespmem:s28+$0xFFFFFC70];
	v15 =	vsel vm12, s25, v15;
	vm2 =	vlt.f32 v29, v30;
	v9 =	vsel vm0, v26, v9  }
0x100: {  	s24 =	simm.s32 $0x20;
	v24 =	vld [tilespmem:s28+$0x50];
	vm3 =	vlt.f32 v31, v61;
	v30 =	vsel vm2, v29, v30;
	vm1 =	vlt.f32 v25, v10  }
0x101: {  	v63 =	vsel vm1, v25, v10;
	v25 =	vld [tilespmem:s28+$0xFFFFFC50];
	v10 =	vsel vm0, s24, v8;
	vm0 =	vlt.f32 v28, v9  }
0x102: {  	s25 =	simm.s32 $0x21;
	v26 =	vld [tilespmem:s28+$0xFFFFFC60];
	v11 =	vsel vm1, s24, v11;
	vm1 =	vlt.f32 v37, v63;
	v8 =	vsel vm0, v28, v9  }
0x103: {  	v29 =	vld [tilespmem:s28+$0x70];
	v9 =	vsel vm1, v37, v63;
	v11 =	vsel vm1, s25, v11;
	vm1 =	vlt.f32 v62, v36  }
0x104: {  	s26 =	simm.s32 $0x0;
	v22 =	vsel vm12, v35, v22;
	v31 =	vsel vm3, v31, v61;
	v28 =	vld [tilespmem:s28+$0x60];
	s28 =	simm.s32 $0xD80;
	v32 =	vsel vm1, v62, v36  }
.LBB2_24:
0x105: {  	vm4 =	vlt.f32 v13, v30  }
0x106: {  	v33 =	vld [tilespmem:s28+$0x0];
	vm5 =	vlt.f32 v19, v31;
	vm6 =	vlt.f32 v23, v32;
	vm7 =	vlt.f32 v25, v20  }
0x107: {  	v34 =	vld [tilespmem:s28+$0x10];
	v30 =	vsel vm4, v13, v30;
	v31 =	vsel vm5, v19, v31;
	v32 =	vsel vm6, v23, v32  }
0x108: {  	v17 =	vsel vm2, s24, v17;
	vm8 =	vlt.f32 v26, v21;
	v13 =	vld [tilespmem:s28+$0x20];
	vm9 =	vlt.f32 v27, v22  }
0x109: {  	v20 =	vsel vm7, v25, v20;
	v21 =	vsel vm8, v26, v21;
	v19 =	vld [tilespmem:s28+$0x30];
	v22 =	vsel vm9, v27, v22  }
0x10a: {  	vm10 =	vlt.f32 v24, v20;
	vm11 =	vlt.f32 v28, v21;
	v25 =	vld [tilespmem:s28+$0xFFFFFC00];
	vm12 =	vlt.f32 v29, v22  }
0x10b: {  	v20 =	vsel vm10, v24, v20;
	v21 =	vsel vm11, v28, v21;
	v26 =	vld [tilespmem:s28+$0xFFFFFC10];
	v22 =	vsel vm12, v29, v22  }
0x10c: {  	v12 =	vsel vm7, s24, v12;
	v14 =	vsel vm8, s24, v14;
	v15 =	vsel vm9, s24, v15;
	v23 =	vld [tilespmem:s28+$0x40]  }
0x10d: {  	v12 =	vsel vm10, s25, v12;
	v14 =	vsel vm11, s25, v14;
	v15 =	vsel vm12, s25, v15;
	v29 =	vld [tilespmem:s28+$0xFFFFFC20]  }
0x10e: {  	v18 =	vsel vm3, s24, v18;
	v16 =	vsel vm1, s24, v16;
	v10 =	vsel vm0, s25, v10;
	v35 =	vld [tilespmem:s28+$0xFFFFFC30]  }
0x10f: {  	v17 =	vsel vm4, s25, v17;
	v18 =	vsel vm5, s25, v18;
	v16 =	vsel vm6, s25, v16;
	s24 =	sadd.s32 $0x22, s26;
	s25 =	sadd.s32 $0x23, s26;
	s26 =	sadd.s32 $0x2, s26;
	v36 =	vld [tilespmem:s28+$0xFFFFFC40]  }
0x110: {  	p0 =	slt.u32 s26, $0x1E;
	vm1 =	vlt.f32 v25, v8;
	vm2 =	vlt.f32 v26, v9;
	v24 =	vld [tilespmem:s28+$0x50]  }
.Ltmp11:
0x111: {  	v8 =	vsel vm1, v25, v8;
	v9 =	vsel vm2, v26, v9;
	v11 =	vsel vm2, s24, v11;
	v25 =	vld [tilespmem:s28+$0xFFFFFC50];
	(pc) =	sbr.rel @p0 .LBB2_24-.Ltmp11, $4  }
0x112: {  	v10 =	vsel vm1, s24, v10;
	vm0 =	vlt.f32 v33, v8;
	v26 =	vld [tilespmem:s28+$0xFFFFFC60];
	vm1 =	vlt.f32 v34, v9  }
0x113: {  	v8 =	vsel vm0, v33, v8;
	v27 =	vld [tilespmem:s28+$0xFFFFFC70];
	v9 =	vsel vm1, v34, v9;
	v11 =	vsel vm1, s25, v11  }
0x114: {  	vm2 =	vlt.f32 v29, v30;
	vm3 =	vlt.f32 v35, v31;
	vm1 =	vlt.f32 v36, v32;
	v28 =	vld [tilespmem:s28+$0x60]  }
0x115: {  	v30 =	vsel vm2, v29, v30;
	v31 =	vsel vm3, v35, v31;
	v32 =	vsel vm1, v36, v32;
	v29 =	vld [tilespmem:s28+$0x70];
	s28 =	sadd.s32 $0x800, s28  }
0x116: {  	vm4 =	vlt.f32 v13, v30;
	vm5 =	vlt.f32 v19, v31;
	vm6 =	vlt.f32 v23, v32  }
0x117: {  	vm7 =	vlt.f32 v25, v20;
	v17 =	vsel vm2, s24, v17;
	v18 =	vsel vm3, s24, v18  }
0x118: {  	v10 =	vsel vm0, s25, v10;
	v16 =	vsel vm1, s24, v16;
	v11 =	vshll.u32 v11, $0x7  }
0x119: {  	vm0 =	vlt.f32 v9, v8;
	vm1 =	veq.f32 v9, v8;
	v13 =	vsel vm4, v13, v30  }
0x11a: {  	v19 =	vsel vm5, v19, v31;
	v23 =	vsel vm6, v23, v32;
	vm8 =	vlt.f32 v26, v21  }
0x11b: {  	v20 =	vsel vm7, v25, v20;
	v12 =	vsel vm7, s24, v12;
	v17 =	vsel vm4, s25, v17  }
0x11c: {  	v10 =	vshll.u32 v10, $0x7;
	v18 =	vsel vm5, s25, v18;
	v16 =	vsel vm6, s25, v16  }
0x11d: {  	v11 =	vor.u32 v1, v11;
	vm9 =	vlt.f32 v27, v22;
	v21 =	vsel vm8, v26, v21  }
0x11e: {  	vm10 =	vlt.f32 v24, v20;
	v14 =	vsel vm8, s24, v14;
	v10 =	vor.u32 v0, v10  }
0x11f: {  	v17 =	vshll.u32 v17, $0x7;
	v18 =	vshll.u32 v18, $0x7;
	v16 =	vshll.u32 v16, $0x7  }
0x120: {  	vm3 =	veq.f32 v19, v13;
	v22 =	vsel vm9, v27, v22;
	vm11 =	vlt.f32 v28, v21  }
0x121: {  	v20 =	vsel vm10, v24, v20;
	v15 =	vsel vm9, s24, v15;
	v12 =	vsel vm10, s25, v12  }
0x122: {  	v17 =	vor.u32 v3, v17;
	v18 =	vor.u32 v5, v18;
	v16 =	vor.u32 v4, v16  }
0x123: {  	vm2 =	vlt.s32 v11, v10;
	vm12 =	vlt.f32 v29, v22;
	v21 =	vsel vm11, v28, v21  }
0x124: {  	v14 =	vsel vm11, s25, v14;
	v12 =	vshll.u32 v12, $0x7;
	vm14 =	vlt.s32 v18, v17  }
0x125: {  	vm1 =	vmand vm1, vm2;
	vm2 =	vlt.f32 v19, v13;
	v22 =	vsel vm12, v29, v22  }
0x126: {  	v15 =	vsel vm12, s25, v15;
	v14 =	vshll.u32 v14, $0x7;
	v12 =	vor.u32 v6, v12  }
0x127: {  	vm3 =	vmand vm3, vm14;
	vm0 =	vmor vm0, vm1;
	v14 =	vor.u32 v7, v14  }
0x128: {  	v15 =	vshll.u32 v15, $0x7;
	vm1 =	vmor vm2, vm3;
	v8 =	vsel vm0, v9, v8  }
0x129: {  	v9 =	vsel vm0, v11, v10;
	vm0 =	vlt.f32 v20, v23;
	vm2 =	veq.f32 v20, v23  }
0x12a: {  	vm3 =	vlt.s32 v12, v16;
	v15 =	vor.u32 v2, v15;
	v10 =	vsel vm1, v19, v13  }
0x12b: {  	vm2 =	vmand vm2, vm3;
	vm3 =	veq.f32 v22, v21;
	v11 =	vsel vm1, v18, v17  }
0x12c: {  	vm15 =	vlt.s32 v15, v14;
	vm0 =	vmor vm0, vm2;
	vm2 =	vlt.f32 v22, v21  }
0x12d: {  	vm3 =	vmand vm3, vm15;
	v13 =	vsel vm0, v20, v23;
	v12 =	vsel vm0, v12, v16  }
0x12e: {  	vm0 =	vlt.f32 v10, v8;
	vm1 =	vmor vm2, vm3;
	vm2 =	vlt.s32 v11, v9  }
0x12f: {  	v16 =	vsel vm1, v22, v21;
	v14 =	vsel vm1, v15, v14;
	vm1 =	veq.f32 v10, v8  }
0x130: {  	vm1 =	vmand vm1, vm2;
	vm2 =	veq.f32 v16, v13;
	vm3 =	vlt.s32 v14, v12  }
0x131: {  	vm0 =	vmor vm0, vm1;
	vm1 =	vlt.f32 v16, v13;
	vm2 =	vmand vm2, vm3  }
0x132: {  	v8 =	vsel vm0, v10, v8;
	vm1 =	vmor vm1, vm2  }
0x133: {  	v9 =	vsel vm0, v11, v9;
	v10 =	vsel vm1, v16, v13;
	v11 =	vsel vm1, v14, v12  }
0x134: {  	vm0 =	veq.f32 v10, v8;
	vm1 =	vlt.s32 v11, v9  }
0x135: {  	vm2 =	vlt.f32 v10, v8;
	vm0 =	vmand vm0, vm1  }
0x136: {  	vm0 =	vmor vm2, vm0  }
0x137: {  	v8 =	vsel vm0, v10, v8  }
0x138: {  	(xrf0) =	vmin.scan.msk.f32 $0xffff, v8;
	_ =	sdelay $0x5  }
0x139: {  	v10, _, _ =	vpop (xrf0)  }
0x13a: {  	v10 =	vbroadcast v10, $0xF  }
0x13b: {  	v9 =	vsel vm0, v11, v9  }
0x13c: {  	vm0 =	veq.f32 v8, v10;
	v8 =	vxor.u32 $0x80000000, v9  }
0x13d: {  	v8 =	vnsel vm0, $0xFFFFFFFF, v8  }
0x13e: {  	(xrf0) =	vmin.scan.msk.u32 $0xffff, v8;
	_ =	sdelay $0x5  }
0x13f: {  	v8, _, _ =	vpop (xrf0)  }
0x140: {  	(v2sf) =	vpush v8, $0xF;
	_ =	sdelay $0xe  }
0x141: {  	s31 =	spop (v2sf)  }
0x142: {  	s24 =	sxor.u32 $0x80000000, s31  }
0x143: {  	v8 =	vmov s24  }
0x144: {  	[tilespmem:$0x8080] =	vst v8  }
0x145: {  	_ =	swait.ge [sflag:s17], $0x1000  }
0x146: {  	[sflag:s17] =	ssyncset.done $0x0  }
0x147: {  	s26 =	simm.s32 $0x600;
	[sflag:s17] =	ssyncadd.s32 $0xFFFFF000  }
0x148: {  	v9 =	vld [tilespmem:s26+$0x0]  }
0x149: {  	v8 =	vld [tilespmem:s26+$0xFFFFFC00]  }
0x14a: {  	v10 =	vld [tilespmem:s26+$0xFFFFFC10]  }
0x14b: {  	v11 =	vld [tilespmem:s26+$0x10]  }
0x14c: {  	v13 =	vld [tilespmem:s26+$0x20]  }
0x14d: {  	v14 =	vld [tilespmem:s26+$0x30]  }
0x14e: {  	v26 =	vimm.f32 $+Inf;
	v27 =	vimm.f32 $+Inf;
	v20 =	vld [tilespmem:s26+$0x40]  }
0x14f: {  	v24 =	vimm.f32 $+Inf;
	v19 =	vimm.f32 $+Inf;
	v17 =	vimm.s32 $0x0;
	v28 =	vld [tilespmem:s26+$0xFFFFFC20]  }
0x150: {  	v18 =	vimm.s32 $0x0;
	v23 =	vimm.s32 $0x0;
	v21 =	vimm.f32 $+Inf;
	v30 =	vld [tilespmem:s26+$0xFFFFFC30]  }
0x151: {  	v12 =	vimm.s32 $0x0;
	s24 =	simm.s32 $0x0;
	v33 =	vld [tilespmem:s26+$0xFFFFFC40];
	vm1 =	vlt.f32 v8, v19;
	vm0 =	vlt.f32 v10, v19  }
0x152: {  	v25 =	vld [tilespmem:s26+$0x50];
	v15 =	vsel vm1, v8, v19;
	v10 =	vsel vm0, v10, v19;
	v16 =	vsel vm0, s24, v12  }
0x153: {  	v29 =	vld [tilespmem:s26+$0xFFFFFC50];
	v8 =	vsel vm1, s24, v12;
	vm0 =	vlt.f32 v9, v15;
	vm1 =	vlt.f32 v11, v10  }
0x154: {  	s25 =	simm.s32 $0x1;
	v22 =	vimm.f32 $+Inf;
	v31 =	vld [tilespmem:s26+$0xFFFFFC60];
	v9 =	vsel vm0, v9, v15;
	v10 =	vsel vm1, v11, v10  }
0x155: {  	s28 =	simm.s32 $0x2;
	v32 =	vld [tilespmem:s26+$0xFFFFFC70];
	v11 =	vsel vm1, s25, v16;
	v15 =	vimm.s32 $0x0;
	v16 =	vimm.s32 $0x0  }
.LBB2_26:
0x156: {  	p0 =	slt.u32 s28, $0x1E;
	vm1 =	vlt.f32 v28, v19;
	vm2 =	vlt.f32 v30, v26;
	vm3 =	vlt.f32 v33, v27;
	v34 =	vld [tilespmem:s26+$0x60]  }
0x157: {  	v19 =	vsel vm1, v28, v19;
	v26 =	vsel vm2, v30, v26;
	v27 =	vsel vm3, v33, v27;
	v28 =	vld [tilespmem:s26+$0x70];
	s26 =	sadd.s32 $0x800, s26  }
0x158: {  	v35 =	vld [tilespmem:s26+$0x0];
	vm4 =	vlt.f32 v13, v19;
	vm5 =	vlt.f32 v14, v26;
	vm6 =	vlt.f32 v20, v27  }
0x159: {  	v36 =	vld [tilespmem:s26+$0x10];
	v19 =	vsel vm4, v13, v19;
	v26 =	vsel vm5, v14, v26;
	v27 =	vsel vm6, v20, v27  }
0x15a: {  	vm7 =	vlt.f32 v29, v21;
	vm8 =	vlt.f32 v31, v22;
	v13 =	vld [tilespmem:s26+$0x20];
	vm9 =	vlt.f32 v32, v24  }
0x15b: {  	v20 =	vsel vm7, v29, v21;
	v22 =	vsel vm8, v31, v22;
	v14 =	vld [tilespmem:s26+$0x30];
	v24 =	vsel vm9, v32, v24  }
0x15c: {  	vm10 =	vlt.f32 v25, v20;
	vm11 =	vlt.f32 v34, v22;
	v29 =	vld [tilespmem:s26+$0xFFFFFC00];
	vm12 =	vlt.f32 v28, v24  }
0x15d: {  	v21 =	vsel vm10, v25, v20;
	v22 =	vsel vm11, v34, v22;
	v31 =	vld [tilespmem:s26+$0xFFFFFC10];
	v24 =	vsel vm12, v28, v24  }
0x15e: {  	v12 =	vsel vm7, s24, v12;
	v15 =	vsel vm8, s24, v15;
	v23 =	vsel vm9, s24, v23;
	v20 =	vld [tilespmem:s26+$0x40]  }
0x15f: {  	v12 =	vsel vm10, s25, v12;
	v15 =	vsel vm11, s25, v15;
	v23 =	vsel vm12, s25, v23;
	v28 =	vld [tilespmem:s26+$0xFFFFFC20]  }
0x160: {  	v16 =	vsel vm1, s24, v16;
	v17 =	vsel vm2, s24, v17;
	v18 =	vsel vm3, s24, v18;
	s24 =	smov.u32 s28;
	v30 =	vld [tilespmem:s26+$0xFFFFFC30]  }
.Ltmp12:
0x161: {  	v16 =	vsel vm4, s25, v16;
	v17 =	vsel vm5, s25, v17;
	v18 =	vsel vm6, s25, v18;
	v33 =	vld [tilespmem:s26+$0xFFFFFC40];
	(pc) =	sbr.rel @p0 .LBB2_26-.Ltmp12, $4  }
0x162: {  	v8 =	vsel vm0, s25, v8;
	vm1 =	vlt.f32 v29, v9;
	vm2 =	vlt.f32 v31, v10;
	v25 =	vld [tilespmem:s26+$0x50]  }
0x163: {  	v9 =	vsel vm1, v29, v9;
	v10 =	vsel vm2, v31, v10;
	v11 =	vsel vm2, s28, v11;
	v29 =	vld [tilespmem:s26+$0xFFFFFC50]  }
0x164: {  	s25 =	sadd.s32 $0x1, s28;
	v8 =	vsel vm1, s28, v8;
	vm0 =	vlt.f32 v35, v9;
	v31 =	vld [tilespmem:s26+$0xFFFFFC60];
	vm1 =	vlt.f32 v36, v10  }
0x165: {  	s28 =	sadd.s32 $0x2, s28;
	v9 =	vsel vm0, v35, v9;
	v32 =	vld [tilespmem:s26+$0xFFFFFC70];
	v10 =	vsel vm1, v36, v10;
	v11 =	vsel vm1, s25, v11  }
0x166: {  	v34 =	vld [tilespmem:s26+$0x60]  }
0x167: {  	v35 =	vld [tilespmem:s26+$0x70];
	_ =	swait.ge [sflag:s18], $0x1000  }
0x168: {  	vm1 =	vlt.f32 v28, v19;
	vm2 =	vlt.f32 v30, v26;
	vm3 =	vlt.f32 v33, v27;
	[sflag:s18] =	ssyncset.done $0x0  }
0x169: {  	s28 =	simm.s32 $0x680;
	v8 =	vsel vm0, s25, v8;
	v19 =	vsel vm1, v28, v19;
	v26 =	vsel vm2, v30, v26;
	[sflag:s18] =	ssyncadd.s32 $0xFFFFF000  }
0x16a: {  	v27 =	vsel vm3, v33, v27;
	v16 =	vsel vm1, s24, v16;
	vm4 =	vlt.f32 v13, v19;
	v28 =	vld [tilespmem:s28+$0x0]  }
0x16b: {  	vm5 =	vlt.f32 v14, v26;
	vm6 =	vlt.f32 v20, v27;
	vm7 =	vlt.f32 v29, v21;
	v37 =	vld [tilespmem:s28+$0x10]  }
0x16c: {  	v30 =	vsel vm4, v13, v19;
	v61 =	vsel vm5, v14, v26;
	v36 =	vsel vm6, v20, v27;
	v13 =	vld [tilespmem:s28+$0x20]  }
0x16d: {  	vm8 =	vlt.f32 v31, v22;
	v14 =	vsel vm7, v29, v21;
	v26 =	vld [tilespmem:s28+$0xFFFFFC00];
	v12 =	vsel vm7, s24, v12  }
0x16e: {  	v29 =	vld [tilespmem:s28+$0xFFFFFC20];
	v27 =	vsel vm3, s24, v18;
	vm9 =	vlt.f32 v32, v24;
	v21 =	vsel vm8, v31, v22  }
0x16f: {  	vm10 =	vlt.f32 v25, v14;
	v31 =	vld [tilespmem:s28+$0xFFFFFC30];
	v22 =	vsel vm9, v32, v24;
	vm11 =	vlt.f32 v34, v21  }
0x170: {  	v20 =	vsel vm10, v25, v14;
	v25 =	vld [tilespmem:s28+$0xFFFFFC10];
	v14 =	vsel vm8, s24, v15;
	v15 =	vsel vm9, s24, v23  }
0x171: {  	v19 =	vld [tilespmem:s28+$0x30];
	v12 =	vsel vm10, s25, v12;
	v24 =	vsel vm2, s24, v17;
	v17 =	vsel vm4, s25, v16  }
0x172: {  	v62 =	vld [tilespmem:s28+$0xFFFFFC40];
	v16 =	vsel vm6, s25, v27;
	vm12 =	vlt.f32 v35, v22;
	v21 =	vsel vm11, v34, v21  }
0x173: {  	v23 =	vld [tilespmem:s28+$0x40];
	v14 =	vsel vm11, s25, v14;
	v18 =	vsel vm5, s25, v24;
	vm0 =	vlt.f32 v26, v9  }
0x174: {  	v27 =	vld [tilespmem:s28+$0xFFFFFC70];
	v15 =	vsel vm12, s25, v15;
	vm2 =	vlt.f32 v29, v30;
	v9 =	vsel vm0, v26, v9  }
0x175: {  	s24 =	simm.s32 $0x20;
	v24 =	vld [tilespmem:s28+$0x50];
	vm3 =	vlt.f32 v31, v61;
	v30 =	vsel vm2, v29, v30;
	vm1 =	vlt.f32 v25, v10  }
0x176: {  	v63 =	vsel vm1, v25, v10;
	v25 =	vld [tilespmem:s28+$0xFFFFFC50];
	v10 =	vsel vm0, s24, v8;
	vm0 =	vlt.f32 v28, v9  }
0x177: {  	s25 =	simm.s32 $0x21;
	v26 =	vld [tilespmem:s28+$0xFFFFFC60];
	v11 =	vsel vm1, s24, v11;
	vm1 =	vlt.f32 v37, v63;
	v8 =	vsel vm0, v28, v9  }
0x178: {  	v29 =	vld [tilespmem:s28+$0x70];
	v9 =	vsel vm1, v37, v63;
	v11 =	vsel vm1, s25, v11;
	vm1 =	vlt.f32 v62, v36  }
0x179: {  	s26 =	simm.s32 $0x0;
	v22 =	vsel vm12, v35, v22;
	v31 =	vsel vm3, v31, v61;
	v28 =	vld [tilespmem:s28+$0x60];
	s28 =	simm.s32 $0xE80;
	v32 =	vsel vm1, v62, v36  }
.LBB2_28:
0x17a: {  	vm4 =	vlt.f32 v13, v30  }
0x17b: {  	v33 =	vld [tilespmem:s28+$0x0];
	vm5 =	vlt.f32 v19, v31;
	vm6 =	vlt.f32 v23, v32;
	vm7 =	vlt.f32 v25, v20  }
0x17c: {  	v34 =	vld [tilespmem:s28+$0x10];
	v30 =	vsel vm4, v13, v30;
	v31 =	vsel vm5, v19, v31;
	v32 =	vsel vm6, v23, v32  }
0x17d: {  	v17 =	vsel vm2, s24, v17;
	vm8 =	vlt.f32 v26, v21;
	v13 =	vld [tilespmem:s28+$0x20];
	vm9 =	vlt.f32 v27, v22  }
0x17e: {  	v20 =	vsel vm7, v25, v20;
	v21 =	vsel vm8, v26, v21;
	v19 =	vld [tilespmem:s28+$0x30];
	v22 =	vsel vm9, v27, v22  }
0x17f: {  	vm10 =	vlt.f32 v24, v20;
	vm11 =	vlt.f32 v28, v21;
	v25 =	vld [tilespmem:s28+$0xFFFFFC00];
	vm12 =	vlt.f32 v29, v22  }
0x180: {  	v20 =	vsel vm10, v24, v20;
	v21 =	vsel vm11, v28, v21;
	v26 =	vld [tilespmem:s28+$0xFFFFFC10];
	v22 =	vsel vm12, v29, v22  }
0x181: {  	v12 =	vsel vm7, s24, v12;
	v14 =	vsel vm8, s24, v14;
	v15 =	vsel vm9, s24, v15;
	v23 =	vld [tilespmem:s28+$0x40]  }
0x182: {  	v12 =	vsel vm10, s25, v12;
	v14 =	vsel vm11, s25, v14;
	v15 =	vsel vm12, s25, v15;
	v29 =	vld [tilespmem:s28+$0xFFFFFC20]  }
0x183: {  	v18 =	vsel vm3, s24, v18;
	v16 =	vsel vm1, s24, v16;
	v10 =	vsel vm0, s25, v10;
	v35 =	vld [tilespmem:s28+$0xFFFFFC30]  }
0x184: {  	v17 =	vsel vm4, s25, v17;
	v18 =	vsel vm5, s25, v18;
	v16 =	vsel vm6, s25, v16;
	s24 =	sadd.s32 $0x22, s26;
	s25 =	sadd.s32 $0x23, s26;
	s26 =	sadd.s32 $0x2, s26;
	v36 =	vld [tilespmem:s28+$0xFFFFFC40]  }
0x185: {  	p0 =	slt.u32 s26, $0x1E;
	vm1 =	vlt.f32 v25, v8;
	vm2 =	vlt.f32 v26, v9;
	v24 =	vld [tilespmem:s28+$0x50]  }
.Ltmp13:
0x186: {  	v8 =	vsel vm1, v25, v8;
	v9 =	vsel vm2, v26, v9;
	v11 =	vsel vm2, s24, v11;
	v25 =	vld [tilespmem:s28+$0xFFFFFC50];
	(pc) =	sbr.rel @p0 .LBB2_28-.Ltmp13, $4  }
0x187: {  	v10 =	vsel vm1, s24, v10;
	vm0 =	vlt.f32 v33, v8;
	v26 =	vld [tilespmem:s28+$0xFFFFFC60];
	vm1 =	vlt.f32 v34, v9  }
0x188: {  	v8 =	vsel vm0, v33, v8;
	v27 =	vld [tilespmem:s28+$0xFFFFFC70];
	v9 =	vsel vm1, v34, v9;
	v11 =	vsel vm1, s25, v11  }
0x189: {  	vm2 =	vlt.f32 v29, v30;
	vm3 =	vlt.f32 v35, v31;
	vm1 =	vlt.f32 v36, v32;
	v28 =	vld [tilespmem:s28+$0x60]  }
0x18a: {  	v30 =	vsel vm2, v29, v30;
	v31 =	vsel vm3, v35, v31;
	v32 =	vsel vm1, v36, v32;
	v29 =	vld [tilespmem:s28+$0x70];
	s28 =	sadd.s32 $0x800, s28  }
0x18b: {  	vm4 =	vlt.f32 v13, v30;
	vm5 =	vlt.f32 v19, v31;
	vm6 =	vlt.f32 v23, v32  }
0x18c: {  	vm7 =	vlt.f32 v25, v20;
	v17 =	vsel vm2, s24, v17;
	v18 =	vsel vm3, s24, v18  }
0x18d: {  	v10 =	vsel vm0, s25, v10;
	v16 =	vsel vm1, s24, v16;
	v11 =	vshll.u32 v11, $0x7  }
0x18e: {  	vm0 =	vlt.f32 v9, v8;
	vm1 =	veq.f32 v9, v8;
	v13 =	vsel vm4, v13, v30  }
0x18f: {  	v19 =	vsel vm5, v19, v31;
	v23 =	vsel vm6, v23, v32;
	vm8 =	vlt.f32 v26, v21  }
0x190: {  	v20 =	vsel vm7, v25, v20;
	v12 =	vsel vm7, s24, v12;
	v17 =	vsel vm4, s25, v17  }
0x191: {  	v10 =	vshll.u32 v10, $0x7;
	v18 =	vsel vm5, s25, v18;
	v16 =	vsel vm6, s25, v16  }
0x192: {  	v11 =	vor.u32 v1, v11;
	vm9 =	vlt.f32 v27, v22;
	v21 =	vsel vm8, v26, v21  }
0x193: {  	vm10 =	vlt.f32 v24, v20;
	v14 =	vsel vm8, s24, v14;
	v10 =	vor.u32 v0, v10  }
0x194: {  	v17 =	vshll.u32 v17, $0x7;
	v18 =	vshll.u32 v18, $0x7;
	v16 =	vshll.u32 v16, $0x7  }
0x195: {  	vm3 =	veq.f32 v19, v13;
	v22 =	vsel vm9, v27, v22;
	vm11 =	vlt.f32 v28, v21  }
0x196: {  	v20 =	vsel vm10, v24, v20;
	v15 =	vsel vm9, s24, v15;
	v12 =	vsel vm10, s25, v12  }
0x197: {  	v17 =	vor.u32 v3, v17;
	v18 =	vor.u32 v5, v18;
	v16 =	vor.u32 v4, v16  }
0x198: {  	vm2 =	vlt.s32 v11, v10;
	vm12 =	vlt.f32 v29, v22;
	v21 =	vsel vm11, v28, v21  }
0x199: {  	v14 =	vsel vm11, s25, v14;
	v12 =	vshll.u32 v12, $0x7;
	vm14 =	vlt.s32 v18, v17  }
0x19a: {  	vm1 =	vmand vm1, vm2;
	vm2 =	vlt.f32 v19, v13;
	v22 =	vsel vm12, v29, v22  }
0x19b: {  	v15 =	vsel vm12, s25, v15;
	v14 =	vshll.u32 v14, $0x7;
	v12 =	vor.u32 v6, v12  }
0x19c: {  	vm3 =	vmand vm3, vm14;
	vm0 =	vmor vm0, vm1;
	v14 =	vor.u32 v7, v14  }
0x19d: {  	v15 =	vshll.u32 v15, $0x7;
	vm1 =	vmor vm2, vm3;
	v8 =	vsel vm0, v9, v8  }
0x19e: {  	v9 =	vsel vm0, v11, v10;
	vm0 =	vlt.f32 v20, v23;
	vm2 =	veq.f32 v20, v23  }
0x19f: {  	vm3 =	vlt.s32 v12, v16;
	v15 =	vor.u32 v2, v15;
	v10 =	vsel vm1, v19, v13  }
0x1a0: {  	vm2 =	vmand vm2, vm3;
	vm3 =	veq.f32 v22, v21;
	v11 =	vsel vm1, v18, v17  }
0x1a1: {  	vm15 =	vlt.s32 v15, v14;
	vm0 =	vmor vm0, vm2;
	vm2 =	vlt.f32 v22, v21  }
0x1a2: {  	vm3 =	vmand vm3, vm15;
	v13 =	vsel vm0, v20, v23;
	v12 =	vsel vm0, v12, v16  }
0x1a3: {  	vm0 =	vlt.f32 v10, v8;
	vm1 =	vmor vm2, vm3;
	vm2 =	vlt.s32 v11, v9  }
0x1a4: {  	v16 =	vsel vm1, v22, v21;
	v14 =	vsel vm1, v15, v14;
	vm1 =	veq.f32 v10, v8  }
0x1a5: {  	vm1 =	vmand vm1, vm2;
	vm2 =	veq.f32 v16, v13;
	vm3 =	vlt.s32 v14, v12  }
0x1a6: {  	vm0 =	vmor vm0, vm1;
	vm1 =	vlt.f32 v16, v13;
	vm2 =	vmand vm2, vm3  }
0x1a7: {  	v8 =	vsel vm0, v10, v8;
	vm1 =	vmor vm1, vm2  }
0x1a8: {  	v9 =	vsel vm0, v11, v9;
	v10 =	vsel vm1, v16, v13;
	v11 =	vsel vm1, v14, v12  }
0x1a9: {  	vm0 =	veq.f32 v10, v8;
	vm1 =	vlt.s32 v11, v9  }
0x1aa: {  	vm2 =	vlt.f32 v10, v8;
	vm0 =	vmand vm0, vm1  }
0x1ab: {  	vm0 =	vmor vm2, vm0  }
0x1ac: {  	v8 =	vsel vm0, v10, v8  }
0x1ad: {  	(xrf0) =	vmin.scan.msk.f32 $0xffff, v8;
	_ =	sdelay $0x5  }
0x1ae: {  	v10, _, _ =	vpop (xrf0)  }
0x1af: {  	v10 =	vbroadcast v10, $0xF  }
0x1b0: {  	v9 =	vsel vm0, v11, v9  }
0x1b1: {  	vm0 =	veq.f32 v8, v10;
	v8 =	vxor.u32 $0x80000000, v9  }
0x1b2: {  	v8 =	vnsel vm0, $0xFFFFFFFF, v8  }
0x1b3: {  	(xrf0) =	vmin.scan.msk.u32 $0xffff, v8;
	_ =	sdelay $0x5  }
0x1b4: {  	v8, _, _ =	vpop (xrf0)  }
0x1b5: {  	(v2sf) =	vpush v8, $0xF;
	_ =	sdelay $0xe  }
0x1b6: {  	s31 =	spop (v2sf)  }
0x1b7: {  	s24 =	sxor.u32 $0x80000000, s31  }
0x1b8: {  	v8 =	vmov s24  }
0x1b9: {  	[tilespmem:$0x8100] =	vst v8  }
0x1ba: {  	_ =	swait.ge [sflag:s19], $0x1000  }
0x1bb: {  	[sflag:s19] =	ssyncset.done $0x0  }
0x1bc: {  	s26 =	simm.s32 $0x700;
	[sflag:s19] =	ssyncadd.s32 $0xFFFFF000  }
0x1bd: {  	v9 =	vld [tilespmem:s26+$0x0]  }
0x1be: {  	v8 =	vld [tilespmem:s26+$0xFFFFFC00]  }
0x1bf: {  	v10 =	vld [tilespmem:s26+$0xFFFFFC10]  }
0x1c0: {  	v11 =	vld [tilespmem:s26+$0x10]  }
0x1c1: {  	v13 =	vld [tilespmem:s26+$0x20]  }
0x1c2: {  	v14 =	vld [tilespmem:s26+$0x30]  }
0x1c3: {  	v26 =	vimm.f32 $+Inf;
	v27 =	vimm.f32 $+Inf;
	v20 =	vld [tilespmem:s26+$0x40]  }
0x1c4: {  	v24 =	vimm.f32 $+Inf;
	v19 =	vimm.f32 $+Inf;
	v17 =	vimm.s32 $0x0;
	v28 =	vld [tilespmem:s26+$0xFFFFFC20]  }
0x1c5: {  	v18 =	vimm.s32 $0x0;
	v23 =	vimm.s32 $0x0;
	v21 =	vimm.f32 $+Inf;
	v30 =	vld [tilespmem:s26+$0xFFFFFC30]  }
0x1c6: {  	v12 =	vimm.s32 $0x0;
	s24 =	simm.s32 $0x0;
	v33 =	vld [tilespmem:s26+$0xFFFFFC40];
	vm1 =	vlt.f32 v8, v19;
	vm0 =	vlt.f32 v10, v19  }
0x1c7: {  	v25 =	vld [tilespmem:s26+$0x50];
	v15 =	vsel vm1, v8, v19;
	v10 =	vsel vm0, v10, v19;
	v16 =	vsel vm0, s24, v12  }
0x1c8: {  	v29 =	vld [tilespmem:s26+$0xFFFFFC50];
	v8 =	vsel vm1, s24, v12;
	vm0 =	vlt.f32 v9, v15;
	vm1 =	vlt.f32 v11, v10  }
0x1c9: {  	s25 =	simm.s32 $0x1;
	v22 =	vimm.f32 $+Inf;
	v31 =	vld [tilespmem:s26+$0xFFFFFC60];
	v9 =	vsel vm0, v9, v15;
	v10 =	vsel vm1, v11, v10  }
0x1ca: {  	s28 =	simm.s32 $0x2;
	v32 =	vld [tilespmem:s26+$0xFFFFFC70];
	v11 =	vsel vm1, s25, v16;
	v15 =	vimm.s32 $0x0;
	v16 =	vimm.s32 $0x0  }
.LBB2_30:
0x1cb: {  	p0 =	slt.u32 s28, $0x1E;
	vm1 =	vlt.f32 v28, v19;
	vm2 =	vlt.f32 v30, v26;
	vm3 =	vlt.f32 v33, v27;
	v34 =	vld [tilespmem:s26+$0x60]  }
0x1cc: {  	v19 =	vsel vm1, v28, v19;
	v26 =	vsel vm2, v30, v26;
	v27 =	vsel vm3, v33, v27;
	v28 =	vld [tilespmem:s26+$0x70];
	s26 =	sadd.s32 $0x800, s26  }
0x1cd: {  	v35 =	vld [tilespmem:s26+$0x0];
	vm4 =	vlt.f32 v13, v19;
	vm5 =	vlt.f32 v14, v26;
	vm6 =	vlt.f32 v20, v27  }
0x1ce: {  	v36 =	vld [tilespmem:s26+$0x10];
	v19 =	vsel vm4, v13, v19;
	v26 =	vsel vm5, v14, v26;
	v27 =	vsel vm6, v20, v27  }
0x1cf: {  	vm7 =	vlt.f32 v29, v21;
	vm8 =	vlt.f32 v31, v22;
	v13 =	vld [tilespmem:s26+$0x20];
	vm9 =	vlt.f32 v32, v24  }
0x1d0: {  	v20 =	vsel vm7, v29, v21;
	v22 =	vsel vm8, v31, v22;
	v14 =	vld [tilespmem:s26+$0x30];
	v24 =	vsel vm9, v32, v24  }
0x1d1: {  	vm10 =	vlt.f32 v25, v20;
	vm11 =	vlt.f32 v34, v22;
	v29 =	vld [tilespmem:s26+$0xFFFFFC00];
	vm12 =	vlt.f32 v28, v24  }
0x1d2: {  	v21 =	vsel vm10, v25, v20;
	v22 =	vsel vm11, v34, v22;
	v31 =	vld [tilespmem:s26+$0xFFFFFC10];
	v24 =	vsel vm12, v28, v24  }
0x1d3: {  	v12 =	vsel vm7, s24, v12;
	v15 =	vsel vm8, s24, v15;
	v23 =	vsel vm9, s24, v23;
	v20 =	vld [tilespmem:s26+$0x40]  }
0x1d4: {  	v12 =	vsel vm10, s25, v12;
	v15 =	vsel vm11, s25, v15;
	v23 =	vsel vm12, s25, v23;
	v28 =	vld [tilespmem:s26+$0xFFFFFC20]  }
0x1d5: {  	v16 =	vsel vm1, s24, v16;
	v17 =	vsel vm2, s24, v17;
	v18 =	vsel vm3, s24, v18;
	s24 =	smov.u32 s28;
	v30 =	vld [tilespmem:s26+$0xFFFFFC30]  }
.Ltmp14:
0x1d6: {  	v16 =	vsel vm4, s25, v16;
	v17 =	vsel vm5, s25, v17;
	v18 =	vsel vm6, s25, v18;
	v33 =	vld [tilespmem:s26+$0xFFFFFC40];
	(pc) =	sbr.rel @p0 .LBB2_30-.Ltmp14, $4  }
0x1d7: {  	v8 =	vsel vm0, s25, v8;
	vm1 =	vlt.f32 v29, v9;
	vm2 =	vlt.f32 v31, v10;
	v25 =	vld [tilespmem:s26+$0x50]  }
0x1d8: {  	v9 =	vsel vm1, v29, v9;
	v10 =	vsel vm2, v31, v10;
	v11 =	vsel vm2, s28, v11;
	v29 =	vld [tilespmem:s26+$0xFFFFFC50]  }
0x1d9: {  	s25 =	sadd.s32 $0x1, s28;
	v8 =	vsel vm1, s28, v8;
	vm0 =	vlt.f32 v35, v9;
	v31 =	vld [tilespmem:s26+$0xFFFFFC60];
	vm1 =	vlt.f32 v36, v10  }
0x1da: {  	s28 =	sadd.s32 $0x2, s28;
	v9 =	vsel vm0, v35, v9;
	v32 =	vld [tilespmem:s26+$0xFFFFFC70];
	v10 =	vsel vm1, v36, v10;
	v11 =	vsel vm1, s25, v11  }
0x1db: {  	v34 =	vld [tilespmem:s26+$0x60]  }
0x1dc: {  	v35 =	vld [tilespmem:s26+$0x70];
	_ =	swait.ge [sflag:s20], $0x1000  }
0x1dd: {  	vm1 =	vlt.f32 v28, v19;
	vm2 =	vlt.f32 v30, v26;
	vm3 =	vlt.f32 v33, v27;
	[sflag:s20] =	ssyncset.done $0x0  }
0x1de: {  	s28 =	simm.s32 $0x780;
	v8 =	vsel vm0, s25, v8;
	v19 =	vsel vm1, v28, v19;
	v26 =	vsel vm2, v30, v26;
	[sflag:s20] =	ssyncadd.s32 $0xFFFFF000  }
0x1df: {  	v27 =	vsel vm3, v33, v27;
	v16 =	vsel vm1, s24, v16;
	vm4 =	vlt.f32 v13, v19;
	v28 =	vld [tilespmem:s28+$0x0]  }
0x1e0: {  	vm5 =	vlt.f32 v14, v26;
	vm6 =	vlt.f32 v20, v27;
	vm7 =	vlt.f32 v29, v21;
	v37 =	vld [tilespmem:s28+$0x10]  }
0x1e1: {  	v30 =	vsel vm4, v13, v19;
	v61 =	vsel vm5, v14, v26;
	v36 =	vsel vm6, v20, v27;
	v13 =	vld [tilespmem:s28+$0x20]  }
0x1e2: {  	vm8 =	vlt.f32 v31, v22;
	v14 =	vsel vm7, v29, v21;
	v26 =	vld [tilespmem:s28+$0xFFFFFC00];
	v12 =	vsel vm7, s24, v12  }
0x1e3: {  	v29 =	vld [tilespmem:s28+$0xFFFFFC20];
	v27 =	vsel vm3, s24, v18;
	vm9 =	vlt.f32 v32, v24;
	v21 =	vsel vm8, v31, v22  }
0x1e4: {  	vm10 =	vlt.f32 v25, v14;
	v31 =	vld [tilespmem:s28+$0xFFFFFC30];
	v22 =	vsel vm9, v32, v24;
	vm11 =	vlt.f32 v34, v21  }
0x1e5: {  	v20 =	vsel vm10, v25, v14;
	v25 =	vld [tilespmem:s28+$0xFFFFFC10];
	v14 =	vsel vm8, s24, v15;
	v15 =	vsel vm9, s24, v23  }
0x1e6: {  	v19 =	vld [tilespmem:s28+$0x30];
	v12 =	vsel vm10, s25, v12;
	v24 =	vsel vm2, s24, v17;
	v17 =	vsel vm4, s25, v16  }
0x1e7: {  	v62 =	vld [tilespmem:s28+$0xFFFFFC40];
	v16 =	vsel vm6, s25, v27;
	vm12 =	vlt.f32 v35, v22;
	v21 =	vsel vm11, v34, v21  }
0x1e8: {  	v23 =	vld [tilespmem:s28+$0x40];
	v14 =	vsel vm11, s25, v14;
	v18 =	vsel vm5, s25, v24;
	vm0 =	vlt.f32 v26, v9  }
0x1e9: {  	v27 =	vld [tilespmem:s28+$0xFFFFFC70];
	v15 =	vsel vm12, s25, v15;
	vm2 =	vlt.f32 v29, v30;
	v9 =	vsel vm0, v26, v9  }
0x1ea: {  	s24 =	simm.s32 $0x20;
	v24 =	vld [tilespmem:s28+$0x50];
	vm3 =	vlt.f32 v31, v61;
	v30 =	vsel vm2, v29, v30;
	vm1 =	vlt.f32 v25, v10  }
0x1eb: {  	v63 =	vsel vm1, v25, v10;
	v25 =	vld [tilespmem:s28+$0xFFFFFC50];
	v10 =	vsel vm0, s24, v8;
	vm0 =	vlt.f32 v28, v9  }
0x1ec: {  	s25 =	simm.s32 $0x21;
	v26 =	vld [tilespmem:s28+$0xFFFFFC60];
	v11 =	vsel vm1, s24, v11;
	vm1 =	vlt.f32 v37, v63;
	v8 =	vsel vm0, v28, v9  }
0x1ed: {  	v29 =	vld [tilespmem:s28+$0x70];
	v9 =	vsel vm1, v37, v63;
	v11 =	vsel vm1, s25, v11;
	vm1 =	vlt.f32 v62, v36  }
0x1ee: {  	s26 =	simm.s32 $0x0;
	v22 =	vsel vm12, v35, v22;
	v31 =	vsel vm3, v31, v61;
	v28 =	vld [tilespmem:s28+$0x60];
	s28 =	simm.s32 $0xF80;
	v32 =	vsel vm1, v62, v36  }
.LBB2_32:
0x1ef: {  	vm4 =	vlt.f32 v13, v30  }
0x1f0: {  	v33 =	vld [tilespmem:s28+$0x0];
	vm5 =	vlt.f32 v19, v31;
	vm6 =	vlt.f32 v23, v32;
	vm7 =	vlt.f32 v25, v20  }
0x1f1: {  	v34 =	vld [tilespmem:s28+$0x10];
	v30 =	vsel vm4, v13, v30;
	v31 =	vsel vm5, v19, v31;
	v32 =	vsel vm6, v23, v32  }
0x1f2: {  	v17 =	vsel vm2, s24, v17;
	vm8 =	vlt.f32 v26, v21;
	v13 =	vld [tilespmem:s28+$0x20];
	vm9 =	vlt.f32 v27, v22  }
0x1f3: {  	v20 =	vsel vm7, v25, v20;
	v21 =	vsel vm8, v26, v21;
	v19 =	vld [tilespmem:s28+$0x30];
	v22 =	vsel vm9, v27, v22  }
0x1f4: {  	vm10 =	vlt.f32 v24, v20;
	vm11 =	vlt.f32 v28, v21;
	v25 =	vld [tilespmem:s28+$0xFFFFFC00];
	vm12 =	vlt.f32 v29, v22  }
0x1f5: {  	v20 =	vsel vm10, v24, v20;
	v21 =	vsel vm11, v28, v21;
	v26 =	vld [tilespmem:s28+$0xFFFFFC10];
	v22 =	vsel vm12, v29, v22  }
0x1f6: {  	v12 =	vsel vm7, s24, v12;
	v14 =	vsel vm8, s24, v14;
	v15 =	vsel vm9, s24, v15;
	v23 =	vld [tilespmem:s28+$0x40]  }
0x1f7: {  	v12 =	vsel vm10, s25, v12;
	v14 =	vsel vm11, s25, v14;
	v15 =	vsel vm12, s25, v15;
	v29 =	vld [tilespmem:s28+$0xFFFFFC20]  }
0x1f8: {  	v18 =	vsel vm3, s24, v18;
	v16 =	vsel vm1, s24, v16;
	v10 =	vsel vm0, s25, v10;
	v35 =	vld [tilespmem:s28+$0xFFFFFC30]  }
0x1f9: {  	v17 =	vsel vm4, s25, v17;
	v18 =	vsel vm5, s25, v18;
	v16 =	vsel vm6, s25, v16;
	s24 =	sadd.s32 $0x22, s26;
	s25 =	sadd.s32 $0x23, s26;
	s26 =	sadd.s32 $0x2, s26;
	v36 =	vld [tilespmem:s28+$0xFFFFFC40]  }
0x1fa: {  	p0 =	slt.u32 s26, $0x1E;
	vm1 =	vlt.f32 v25, v8;
	vm2 =	vlt.f32 v26, v9;
	v24 =	vld [tilespmem:s28+$0x50]  }
.Ltmp15:
0x1fb: {  	v8 =	vsel vm1, v25, v8;
	v9 =	vsel vm2, v26, v9;
	v11 =	vsel vm2, s24, v11;
	v25 =	vld [tilespmem:s28+$0xFFFFFC50];
	(pc) =	sbr.rel @p0 .LBB2_32-.Ltmp15, $4  }
0x1fc: {  	v10 =	vsel vm1, s24, v10;
	vm0 =	vlt.f32 v33, v8;
	v26 =	vld [tilespmem:s28+$0xFFFFFC60];
	vm1 =	vlt.f32 v34, v9  }
0x1fd: {  	v8 =	vsel vm0, v33, v8;
	v27 =	vld [tilespmem:s28+$0xFFFFFC70];
	v9 =	vsel vm1, v34, v9;
	v11 =	vsel vm1, s25, v11  }
0x1fe: {  	vm2 =	vlt.f32 v29, v30;
	vm3 =	vlt.f32 v35, v31;
	vm1 =	vlt.f32 v36, v32;
	v28 =	vld [tilespmem:s28+$0x60]  }
0x1ff: {  	v30 =	vsel vm2, v29, v30;
	v31 =	vsel vm3, v35, v31;
	v32 =	vsel vm1, v36, v32;
	v29 =	vld [tilespmem:s28+$0x70];
	s28 =	sadd.s32 $0x800, s28  }
0x200: {  	vm4 =	vlt.f32 v13, v30;
	vm5 =	vlt.f32 v19, v31;
	vm6 =	vlt.f32 v23, v32  }
0x201: {  	vm7 =	vlt.f32 v25, v20;
	v17 =	vsel vm2, s24, v17;
	v18 =	vsel vm3, s24, v18  }
0x202: {  	v10 =	vsel vm0, s25, v10;
	v16 =	vsel vm1, s24, v16;
	v11 =	vshll.u32 v11, $0x7  }
0x203: {  	v13 =	vsel vm4, v13, v30;
	v19 =	vsel vm5, v19, v31;
	v23 =	vsel vm6, v23, v32  }
0x204: {  	vm8 =	vlt.f32 v26, v21;
	v20 =	vsel vm7, v25, v20;
	v12 =	vsel vm7, s24, v12  }
0x205: {  	v17 =	vsel vm4, s25, v17;
	v10 =	vshll.u32 v10, $0x7;
	v18 =	vsel vm5, s25, v18  }
0x206: {  	v16 =	vsel vm6, s25, v16;
	v1 =	vor.u32 v1, v11;
	vm9 =	vlt.f32 v27, v22  }
0x207: {  	v21 =	vsel vm8, v26, v21;
	vm10 =	vlt.f32 v24, v20;
	v14 =	vsel vm8, s24, v14  }
0x208: {  	v10 =	vor.u32 v0, v10;
	v17 =	vshll.u32 v17, $0x7;
	v18 =	vshll.u32 v18, $0x7  }
0x209: {  	v56 =	vshll.u32 v16, $0x7;
	vm14 =	veq.f32 v19, v13;
	vm8 =	vlt.f32 v19, v13  }
0x20a: {  	v22 =	vsel vm9, v27, v22;
	vm11 =	vlt.f32 v28, v21;
	v20 =	vsel vm10, v24, v20  }
0x20b: {  	v15 =	vsel vm9, s24, v15;
	v12 =	vsel vm10, s25, v12;
	v3 =	vor.u32 v3, v17  }
0x20c: {  	v5 =	vor.u32 v5, v18;
	v4 =	vor.u32 v4, v56;
	vm13 =	vlt.s32 v1, v10  }
0x20d: {  	vm12 =	vlt.f32 v29, v22;
	v21 =	vsel vm11, v28, v21;
	v14 =	vsel vm11, s25, v14  }
0x20e: {  	v12 =	vshll.u32 v12, $0x7;
	vm11 =	vlt.f32 v9, v8;
	vm15 =	vlt.s32 v5, v3  }
0x20f: {  	vm10 =	vlt.f32 v20, v23;
	v22 =	vsel vm12, v29, v22;
	v15 =	vsel vm12, s25, v15  }
0x210: {  	v14 =	vshll.u32 v14, $0x7;
	v6 =	vor.u32 v6, v12;
	vm12 =	veq.f32 v9, v8  }
0x211: {  	vm3 =	vmand vm14, vm15;
	v7 =	vor.u32 v7, v14;
	v57 =	vshll.u32 v15, $0x7  }
0x212: {  	vm1 =	vmand vm12, vm13;
	vm9 =	vmor vm8, vm3;
	vm12 =	vlt.s32 v6, v4  }
0x213: {  	vm13 =	veq.f32 v22, v21;
	vm15 =	vlt.f32 v22, v21;
	v2 =	vor.u32 v2, v57  }
0x214: {  	vm0 =	vmor vm11, vm1;
	v59 =	vsel vm9, v19, v13;
	vm11 =	veq.f32 v20, v23  }
0x215: {  	v3 =	vsel vm9, v5, v3;
	v58 =	vsel vm0, v9, v8;
	vm2 =	vmand vm11, vm12  }
0x216: {  	v1 =	vsel vm0, v1, v10;
	vm14 =	vlt.s32 v2, v7;
	vm0 =	vmor vm10, vm2  }
0x217: {  	vm3 =	vmand vm13, vm14;
	vm7 =	vlt.f32 v59, v58;
	vm8 =	veq.f32 v59, v58  }
0x218: {  	vm9 =	vlt.s32 v3, v1;
	v60 =	vsel vm0, v20, v23;
	vm6 =	vmor vm15, vm3  }
0x219: {  	v4 =	vsel vm0, v6, v4;
	v61 =	vsel vm6, v22, v21;
	v2 =	vsel vm6, v2, v7  }
0x21a: {  	vm1 =	vmand vm8, vm9;
	vm10 =	veq.f32 v61, v60;
	vm11 =	vlt.s32 v2, v4  }
0x21b: {  	vm0 =	vmor vm7, vm1;
	vm12 =	vlt.f32 v61, v60;
	vm2 =	vmand vm10, vm11  }
0x21c: {  	v62 =	vsel vm0, v59, v58;
	vm1 =	vmor vm12, vm2  }
0x21d: {  	v1 =	vsel vm0, v3, v1;
	v3 =	vsel vm1, v61, v60;
	v2 =	vsel vm1, v2, v4  }
0x21e: {  	vm13 =	veq.f32 v3, v62;
	vm1 =	vlt.s32 v2, v1  }
0x21f: {  	vm14 =	vlt.f32 v3, v62;
	vm0 =	vmand vm13, vm1  }
0x220: {  	vm0 =	vmor vm14, vm0  }
0x221: {  	v3 =	vsel vm0, v3, v62  }
0x222: {  	(xrf0) =	vmin.scan.msk.f32 $0xffff, v3;
	_ =	sdelay $0x5  }
0x223: {  	v63, _, _ =	vpop (xrf0)  }
0x224: {  	v4 =	vbroadcast v63, $0xF  }
0x225: {  	v1 =	vsel vm0, v2, v1  }
0x226: {  	v1 =	vxor.u32 $0x80000000, v1;
	vm15 =	veq.f32 v3, v4  }
0x227: {  	v1 =	vnsel vm15, $0xFFFFFFFF, v1  }
0x228: {  	(xrf0) =	vmin.scan.msk.u32 $0xffff, v1;
	_ =	sdelay $0x5  }
0x229: {  	v1, _, _ =	vpop (xrf0)  }
0x22a: {  	(v2sf) =	vpush v1, $0xF;
	_ =	sdelay $0xe  }
0x22b: {  	s31 =	spop (v2sf)  }
0x22c: {  	s23 =	sadd.s32 $0x1, s23;
	s24 =	sxor.u32 $0x80000000, s31  }
0x22d: {  	p0 =	sne.s32 s23, s12;
	v1 =	vmov s24  }
.Ltmp16:
0x22e: {  	[tilespmem:$0x8180] =	vst v1;
	(pc) =	sbr.rel @p0 .LBB2_1-.Ltmp16, $4  }
0x22f: {  	[hbm4b:s11+s2] =	stream.linear.scatter [tilespmem:s21], [sflag:$0x9], $0x200, $0x38;
	[tilespmem:$0x8200] =	vst v63  }
0x230: {  	_ =	swait.ge [sflag:s22], $0x200  }
0x231: {  	[sflag:s22] =	ssyncset.done $0x0  }
0x232: {  	[sflag:s22] =	ssyncadd.s32 $0xFFFFFE00  }
0x233: {  	_ =	sfence.sel $0x180000  }
0x234: {  	[bflag:$0x0] =	sbarrier.arrive $0xFFFF  }
0x235: {  	p0 =	sne.s32 s1, $0x0;
	_ =	strace $0x90000047  }
0x236: {  	s0 =	sadd.s32 @!p0 $0x100000, s0;
	[bflag:$0x2] =	sbarrier.arrive $0xFFFF  }
0x237: {  	[sflag:s0] =	ssyncadd.tile.s32 @!p0 $0x1;
	_ =	shalt  }
.Lfunc_end2:
_tile_overlayer_lowered:
.L_overlay_start_2:
0x238: {  	(tag) =	ssettag $0x2  }
0x239: {  	s0 =	rddreg [dreg:$0x0];
	s2 =	stileid.u32  }
0x23a: {  	s1 =	rddreg [dreg:$0x1];
	p0 =	sne.s32 s2, $0x0  }
0x23b: {  	s3 =	rddreg [dreg:$0x2];
	[bflag:$0x3] =	sbarrier.arrive $0xFFFF;
	s2 =	simm.s32 @!p0 $0x1C09  }
0x23c: {  	[timem:s3], [sflag:s2] =	dma.local @!p0 [hbm:s0], s1  }
0x23d: {  	s0 =	simm.s32 @!p0 $0x9  }
0x23e: {  	_ =	swait.ge @!p0 [sflag:s0], s1  }
0x23f: {  	s1 =	ssub.s32 @!p0 $0x0, s1;
	[sflag:s0] =	ssyncset.done @!p0 $0x0  }
0x240: {  	[sflag:s0] =	ssyncadd.s32 @!p0 s1  }
0x241: {  	[bflag:$0x3] =	sbarrier.arrive $0xFFFF  }
0x242: {  	_ =	shalt  }

</sc_bundles>
